<compile_context>
chip_gen: v7x
topology: tpu7x:2x2x1
jax: 0.10.2.dev20260603
libtpu: 0.0.44.dev20260713+nightly
codegen_flags: <defaults>
</compile_context>

<pallas_src>
import functools

import jax
import jax.numpy as jnp
from jax import lax
from jax.experimental import pallas as pl
from jax.experimental.pallas import tpu as pltpu
from jax.experimental.pallas import tpu_sc as plsc

B = 16384
NUM_FIELDS = 26
NUM_USERS = 1000000
NUM_ITEMS = 1000000
FIELD_VOCAB = 100000
D = 16
HID = 256
GROUPS = NUM_FIELDS + 2

NC = 2
NS = 16
NW = NC * NS
BW = B // NW

NCHUNK = 13
C = (NUM_FIELDS * B) // (NW * NCHUNK)
FW = NCHUNK * C
K = 3

BS = 512


def _sc_gather(user_idx, item_idx, feat_idx, user_tbl, item_tbl, feat_flat):
  mesh = plsc.VectorSubcoreMesh(core_axis_name="c", subcore_axis_name="s")

  @functools.partial(
      pl.kernel,
      mesh=mesh,
      out_type=jax.ShapeDtypeStruct((GROUPS * B, D), jnp.float32),
      scratch_types=[
          pltpu.VMEM((BW,), jnp.int32),
          pltpu.VMEM((BW,), jnp.int32),
          pltpu.VMEM((FW,), jnp.int32),
          pltpu.VMEM((BW, D), jnp.float32),
          pltpu.VMEM((BW, D), jnp.float32),
          pltpu.VMEM((K, C, D), jnp.float32),
          pltpu.SemaphoreType.DMA,
          pltpu.SemaphoreType.DMA,
          pltpu.SemaphoreType.DMA,
          pltpu.SemaphoreType.DMA,
          pltpu.SemaphoreType.DMA((K,)),
          pltpu.SemaphoreType.DMA((K,)),
      ],
      compiler_params=pltpu.CompilerParams(use_tc_tiling_on_sc=False),
  )
  def k(user_h, item_h, feat_h, ut_h, it_h, ft_h, out_h,
        uidx, iidx, fidx, ubuf, ibuf, ring,
        usem, isem, uosem, iosem, gsem, osem):
    wid = lax.axis_index("s") * NC + lax.axis_index("c")
    base = wid * BW
    fbase = wid * FW
    pltpu.sync_copy(user_h.at[pl.ds(base, BW)], uidx)
    pltpu.sync_copy(item_h.at[pl.ds(base, BW)], iidx)
    ug = pltpu.async_copy(ut_h.at[uidx], ubuf, usem)
    ig = pltpu.async_copy(it_h.at[iidx], ibuf, isem)
    pltpu.sync_copy(feat_h.at[pl.ds(fbase, FW)], fidx)
    g = [None] * NCHUNK
    o = [None] * NCHUNK
    for c in range(K):
      g[c] = pltpu.async_copy(
          ft_h.at[fidx.at[pl.ds(c * C, C)]], ring.at[c], gsem.at[c])
    ug.wait()
    uo = pltpu.async_copy(ubuf, out_h.at[pl.ds(base, BW)], uosem)
    ig.wait()
    io = pltpu.async_copy(ibuf, out_h.at[pl.ds(B + base, BW)], iosem)
    for c in range(NCHUNK):
      b = c % K
      g[c].wait()
      o[c] = pltpu.async_copy(
          ring.at[b], out_h.at[pl.ds(2 * B + fbase + c * C, C)], osem.at[b])
      nc = c + K
      if nc < NCHUNK:
        o[c].wait()
        g[nc] = pltpu.async_copy(
            ft_h.at[fidx.at[pl.ds(nc * C, C)]], ring.at[b], gsem.at[b])
    for c in range(NCHUNK - K, NCHUNK):
      o[c].wait()
    uo.wait()
    io.wait()

  return k(user_idx, item_idx, feat_idx, user_tbl, item_tbl, feat_flat)


def _tc_mlp(emb, w1t, b1r, w2t, b2r):

  def body(emb_ref, w1t_ref, b1_ref, w2t_ref, b2_ref, out_ref):
    acc = jnp.broadcast_to(b1_ref[...], (BS, HID))
    fm = jnp.zeros((BS, 1), jnp.float32)
    for g in range(GROUPS):
      xg = emb_ref[g]
      w1g = w1t_ref[pl.ds(g * D, D), :]
      acc = acc + jax.lax.dot_general(
          xg, w1g, (((1,), (0,)), ((), ())),
          preferred_element_type=jnp.float32)
      fm = fm + jnp.sum(xg, axis=1, keepdims=True)
    h = jnp.maximum(acc, 0.0)
    deep = jax.lax.dot_general(
        h, w2t_ref[...], (((1,), (0,)), ((), ())),
        preferred_element_type=jnp.float32) + b2_ref[...]
    out_ref[...] = jax.nn.sigmoid(fm + deep) * 10.0

  return pl.pallas_call(
      body,
      grid=(B // BS,),
      in_specs=[
          pl.BlockSpec((GROUPS, BS, D), lambda i: (0, i, 0)),
          pl.BlockSpec((GROUPS * D, HID), lambda i: (0, 0)),
          pl.BlockSpec((1, HID), lambda i: (0, 0)),
          pl.BlockSpec((HID, 1), lambda i: (0, 0)),
          pl.BlockSpec((1, 1), lambda i: (0, 0)),
      ],
      out_specs=pl.BlockSpec((BS, 1), lambda i: (i, 0)),
      out_shape=jax.ShapeDtypeStruct((B, 1), jnp.float32),
  )(emb, w1t, b1r, w2t, b2r)


SLABS = 128 // D
CC = 6400
CCB = SLABS * CC


def _pack_transpose(t3):
  G, _, S = t3.shape
  n = (S + CCB - 1) // CCB

  def body(lo_ref, hi_ref, eye_ref, out_ref):
    x = jnp.concatenate([lo_ref[0], hi_ref[0]], axis=0)
    xp = jnp.concatenate(
        [x[:, s * CC:(s + 1) * CC] for s in range(SLABS)], axis=0)
    out_ref[0] = jax.lax.dot_general(
        xp, eye_ref[...], (((0,), (0,)), ((), ())),
        preferred_element_type=jnp.float32)

  return pl.pallas_call(
      body,
      grid=(G, n),
      in_specs=[
          pl.BlockSpec((1, D // 2, CCB), lambda g, c: (g, 0, c)),
          pl.BlockSpec((1, D // 2, CCB), lambda g, c: (g, 1, c)),
          pl.BlockSpec((128, 128), lambda g, c: (0, 0)),
      ],
      out_specs=pl.BlockSpec((1, CC, 128), lambda g, c: (g * n + c, 0, 0)),
      out_shape=jax.ShapeDtypeStruct((G * n, CC, 128), jnp.float32),
  )(t3, t3, jnp.eye(128, dtype=jnp.float32))


def _row_major(table, rows):
  t3 = table.T.reshape(1, D, rows)
  n = (rows + CCB - 1) // CCB
  return _pack_transpose(t3).reshape(n * CCB, D)


def _row_major_fields(ft_t):
  n = (FIELD_VOCAB + CCB - 1) // CCB
  return _pack_transpose(ft_t).reshape(NUM_FIELDS * n * CCB, D)


def _packed_row(v):
  return ((v // CCB) * CC + v % CC) * SLABS + (v % CCB) // CC


def kernel(user, item, feature, user_table, item_table, feat_tables, W1, b1, W2, b2):
  user = _packed_row(user.astype(jnp.int32))
  item = _packed_row(item.astype(jnp.int32))
  field_stride = ((FIELD_VOCAB + CCB - 1) // CCB) * CCB
  feat_idx = (_packed_row(feature.astype(jnp.int32).T)
              + (jnp.arange(NUM_FIELDS, dtype=jnp.int32) * field_stride)[:, None]
              ).reshape(NUM_FIELDS * B)

  ut_rm = _row_major(user_table, NUM_USERS)
  it_rm = _row_major(item_table, NUM_ITEMS)
  ft_t = jnp.transpose(feat_tables, (0, 2, 1))
  ft_rm = _row_major_fields(ft_t)

  emb = _sc_gather(user, item, feat_idx, ut_rm, it_rm,
                   ft_rm).reshape(GROUPS, B, D)

  w1t = W1.T
  b1r = b1.reshape(1, HID)
  w2t = W2.T
  b2r = b2.reshape(1, 1)
  return _tc_mlp(emb, w1t, b1r, w2t, b2r)

# --- scband reference (transcript-rebuilt; emitter-appended) ---
"""Pipeline reference for scband-deep-fm-6253472383261 (READ-ONLY COPY).

The authoritative reference and input builder live on the scoring server;
editing this copy changes nothing except your own understanding.
"""

import jax, jax.numpy as jnp
import numpy as np

B = 16384
NUM_USERS = 1000000
NUM_ITEMS = 1000000
NUM_FIELDS = 26
FIELD_VOCAB = 100000
EMBED_DIM = 16
HIDDEN_DIM = 256


def setup_inputs(seed: int = 0) -> dict:
    key = jax.random.key(seed)
    ks = jax.random.split(key, 10)
    user = jax.random.randint(ks[0], (B,), 0, NUM_USERS, dtype=jnp.int64 if jax.config.jax_enable_x64 else jnp.int32)
    item = jax.random.randint(ks[1], (B,), 0, NUM_ITEMS, dtype=jnp.int64 if jax.config.jax_enable_x64 else jnp.int32)
    feature = jax.random.randint(ks[2], (B, NUM_FIELDS), 0, FIELD_VOCAB, dtype=jnp.int64 if jax.config.jax_enable_x64 else jnp.int32)
    user_table = jax.random.normal(ks[3], (NUM_USERS, EMBED_DIM), dtype=jnp.float32) * 0.02
    item_table = jax.random.normal(ks[4], (NUM_ITEMS, EMBED_DIM), dtype=jnp.float32) * 0.02
    feat_tables = jax.random.normal(ks[5], (NUM_FIELDS, FIELD_VOCAB, EMBED_DIM), dtype=jnp.float32) * 0.02
    W1 = jax.random.normal(ks[6], (HIDDEN_DIM, EMBED_DIM * (2 + NUM_FIELDS)), dtype=jnp.float32) * 0.02
    b1 = jnp.zeros((HIDDEN_DIM,), dtype=jnp.float32)
    W2 = jax.random.normal(ks[7], (1, HIDDEN_DIM), dtype=jnp.float32) * 0.02
    b2 = jnp.zeros((1,), dtype=jnp.float32)
    return {"user": user, "item": item, "feature": feature,
            "user_table": user_table, "item_table": item_table, "feat_tables": feat_tables,
            "W1": W1, "b1": b1, "W2": W2, "b2": b2}


def reference(user, item, feature, user_table, item_table, feat_tables, W1, b1, W2, b2):
    user_emb = jnp.take(user_table, user, axis=0)            # [B, D]
    item_emb = jnp.take(item_table, item, axis=0)            # [B, D]
    # per-field embedding lookups: feat_tables[i][feature[:, i]]
    feat_embs = jax.vmap(lambda tbl, idx: jnp.take(tbl, idx, axis=0), in_axes=(0, 1))(feat_tables, feature)  # [F, B, D]
    feat_embs = jnp.transpose(feat_embs, (1, 0, 2)).reshape(user.shape[0], NUM_FIELDS * EMBED_DIM)  # [B, F*D]
    fm_terms = jnp.concatenate([user_emb, item_emb, feat_embs], axis=1)  # [B, (2+F)*D]
    fm_interactions = jnp.sum(fm_terms, axis=1, keepdims=True)           # [B, 1]
    deep_input = fm_terms
    deep_out = jax.nn.relu(deep_input @ W1.T + b1)
    deep_out = deep_out @ W2.T + b2
    prediction = jax.nn.sigmoid(fm_interactions + deep_out)
    prediction = prediction * 10.0
    return prediction

if __name__ == "__main__":
    import jax
    _d = setup_inputs()
    print(jax.jit(kernel)(*tuple(_d.values())))

</pallas_src>

<mosaic_0001>
#map = affine_map<(d0, d1) -> (0)>
#map1 = affine_map<(d0, d1) -> (0, 0)>
module attributes {stable_mosaic.version = 14 : i64} {
  func.func @k(%arg0: i32, %arg1: i32, %arg2: memref<16384xi32, #tpu.memory_space<hbm>>, %arg3: memref<16384xi32, #tpu.memory_space<hbm>>, %arg4: memref<425984xi32, #tpu.memory_space<hbm>>, %arg5: memref<1024000x16xf32, #tpu.memory_space<hbm>>, %arg6: memref<1024000x16xf32, #tpu.memory_space<hbm>>, %arg7: memref<2662400x16xf32, #tpu.memory_space<hbm>>, %arg8: memref<458752x16xf32, #tpu.memory_space<hbm>>, %arg9: memref<512xi32, #tpu.memory_space<vmem>>, %arg10: memref<512xi32, #tpu.memory_space<vmem>>, %arg11: memref<13312xi32, #tpu.memory_space<vmem>>, %arg12: memref<512x16xf32, #tpu.memory_space<vmem>>, %arg13: memref<512x16xf32, #tpu.memory_space<vmem>>, %arg14: memref<3x1024x16xf32, #tpu.memory_space<vmem>>, %arg15: memref<!tpu.dma_semaphore, #tpu.memory_space<semaphore_mem>>, %arg16: memref<!tpu.dma_semaphore, #tpu.memory_space<semaphore_mem>>, %arg17: memref<!tpu.dma_semaphore, #tpu.memory_space<semaphore_mem>>, %arg18: memref<!tpu.dma_semaphore, #tpu.memory_space<semaphore_mem>>, %arg19: memref<3x!tpu.dma_semaphore, #tpu.memory_space<semaphore_mem>>, %arg20: memref<3x!tpu.dma_semaphore, #tpu.memory_space<semaphore_mem>>) attributes {dimension_semantics = [#tpu.dimension_semantics<core_parallel>, #tpu.dimension_semantics<subcore_parallel>], iteration_bounds = array<i64: 2, 16>, scalar_prefetch = 0 : i64, scratch_operands = 12 : i64, tpu.core_type = #tpu.core_type<sc_vector_subcore>, window_params = [{transform_indices = #map}, {transform_indices = #map}, {transform_indices = #map}, {transform_indices = #map1}, {transform_indices = #map1}, {transform_indices = #map1}, {transform_indices = #map1}]} {
    %mul3A = arith.constant 2 : i32
    %mul3A_0 = arith.muli %arg1, %mul3A : i32
    %add3A = arith.addi %mul3A_0, %arg0 : i32
    %mul3A_1 = arith.constant 512 : i32
    %mul3A_2 = arith.muli %add3A, %mul3A_1 : i32
    %mul3A_3 = arith.constant 13312 : i32
    %mul3A_4 = arith.muli %add3A, %mul3A_3 : i32
    "tpu.region"() ({
      %run_scoped3A = tpu.sem_alloc : memref<!tpu.dma_semaphore, #tpu.memory_space<semaphore_mem>>
      %dma_start3A_839 = tpu.memref_slice %arg2[%mul3A_2] : memref<16384xi32, #tpu.memory_space<hbm>> -> memref<512xi32, #tpu.memory_space<hbm>>
      %dma_start3A_840 = tpu.memref_slice %arg2[%mul3A_2] : memref<16384xi32, #tpu.memory_space<hbm>> -> memref<512xi32, #tpu.memory_space<hbm>>
      tpu.enqueue_dma source(%dma_start3A_840 : memref<512xi32, #tpu.memory_space<hbm>>) target(%arg9 : memref<512xi32, #tpu.memory_space<vmem>>) target_semaphore(%run_scoped3A : memref<!tpu.dma_semaphore, #tpu.memory_space<semaphore_mem>>)
      %dma_wait3A_841 = tpu.memref_slice %arg2[%mul3A_2] : memref<16384xi32, #tpu.memory_space<hbm>> -> memref<512xi32, #tpu.memory_space<hbm>>
      %dma_wait3A_842 = tpu.memref_slice %arg2[%mul3A_2] : memref<16384xi32, #tpu.memory_space<hbm>> -> memref<512xi32, #tpu.memory_space<hbm>>
      tpu.wait_dma2 semaphore(%run_scoped3A : memref<!tpu.dma_semaphore, #tpu.memory_space<semaphore_mem>>) src(%dma_wait3A_842 : memref<512xi32, #tpu.memory_space<hbm>>) dst(%arg9 : memref<512xi32, #tpu.memory_space<vmem>>)
      tpu.yield
    }) : () -> ()
    "tpu.region"() ({
      %run_scoped3A = tpu.sem_alloc : memref<!tpu.dma_semaphore, #tpu.memory_space<semaphore_mem>>
      %dma_start3A_839 = tpu.memref_slice %arg3[%mul3A_2] : memref<16384xi32, #tpu.memory_space<hbm>> -> memref<512xi32, #tpu.memory_space<hbm>>
      %dma_start3A_840 = tpu.memref_slice %arg3[%mul3A_2] : memref<16384xi32, #tpu.memory_space<hbm>> -> memref<512xi32, #tpu.memory_space<hbm>>
      tpu.enqueue_dma source(%dma_start3A_840 : memref<512xi32, #tpu.memory_space<hbm>>) target(%arg10 : memref<512xi32, #tpu.memory_space<vmem>>) target_semaphore(%run_scoped3A : memref<!tpu.dma_semaphore, #tpu.memory_space<semaphore_mem>>)
      %dma_wait3A_841 = tpu.memref_slice %arg3[%mul3A_2] : memref<16384xi32, #tpu.memory_space<hbm>> -> memref<512xi32, #tpu.memory_space<hbm>>
      %dma_wait3A_842 = tpu.memref_slice %arg3[%mul3A_2] : memref<16384xi32, #tpu.memory_space<hbm>> -> memref<512xi32, #tpu.memory_space<hbm>>
      tpu.wait_dma2 semaphore(%run_scoped3A : memref<!tpu.dma_semaphore, #tpu.memory_space<semaphore_mem>>) src(%dma_wait3A_842 : memref<512xi32, #tpu.memory_space<hbm>>) dst(%arg10 : memref<512xi32, #tpu.memory_space<vmem>>)
      tpu.yield
    }) : () -> ()
    %dma_start3A = arith.constant 0 : i32
    %dma_start3A_5 = arith.constant 0 : i32
    %dma_start3A_6 = tpu.memref_slice %arg5[%dma_start3A, %dma_start3A_5] : memref<1024000x16xf32, #tpu.memory_space<hbm>> -> memref<1024000x16xf32, #tpu.memory_space<hbm>>
    tpu.enqueue_indirect_dma source(%dma_start3A_6 : memref<1024000x16xf32, #tpu.memory_space<hbm>>) target(%arg12 : memref<512x16xf32, #tpu.memory_space<vmem>>) offsets(%arg9 : memref<512xi32, #tpu.memory_space<vmem>>) semaphore(%arg15 : memref<!tpu.dma_semaphore, #tpu.memory_space<semaphore_mem>>)
    %dma_start3A_7 = arith.constant 0 : i32
    %dma_start3A_8 = arith.constant 0 : i32
    %dma_start3A_9 = tpu.memref_slice %arg6[%dma_start3A_7, %dma_start3A_8] : memref<1024000x16xf32, #tpu.memory_space<hbm>> -> memref<1024000x16xf32, #tpu.memory_space<hbm>>
    tpu.enqueue_indirect_dma source(%dma_start3A_9 : memref<1024000x16xf32, #tpu.memory_space<hbm>>) target(%arg13 : memref<512x16xf32, #tpu.memory_space<vmem>>) offsets(%arg10 : memref<512xi32, #tpu.memory_space<vmem>>) semaphore(%arg16 : memref<!tpu.dma_semaphore, #tpu.memory_space<semaphore_mem>>)
    "tpu.region"() ({
      %run_scoped3A = tpu.sem_alloc : memref<!tpu.dma_semaphore, #tpu.memory_space<semaphore_mem>>
      %dma_start3A_839 = tpu.memref_slice %arg4[%mul3A_4] : memref<425984xi32, #tpu.memory_space<hbm>> -> memref<13312xi32, #tpu.memory_space<hbm>>
      %dma_start3A_840 = tpu.memref_slice %arg4[%mul3A_4] : memref<425984xi32, #tpu.memory_space<hbm>> -> memref<13312xi32, #tpu.memory_space<hbm>>
      tpu.enqueue_dma source(%dma_start3A_840 : memref<13312xi32, #tpu.memory_space<hbm>>) target(%arg11 : memref<13312xi32, #tpu.memory_space<vmem>>) target_semaphore(%run_scoped3A : memref<!tpu.dma_semaphore, #tpu.memory_space<semaphore_mem>>)
      %dma_wait3A_841 = tpu.memref_slice %arg4[%mul3A_4] : memref<425984xi32, #tpu.memory_space<hbm>> -> memref<13312xi32, #tpu.memory_space<hbm>>
      %dma_wait3A_842 = tpu.memref_slice %arg4[%mul3A_4] : memref<425984xi32, #tpu.memory_space<hbm>> -> memref<13312xi32, #tpu.memory_space<hbm>>
      tpu.wait_dma2 semaphore(%run_scoped3A : memref<!tpu.dma_semaphore, #tpu.memory_space<semaphore_mem>>) src(%dma_wait3A_842 : memref<13312xi32, #tpu.memory_space<hbm>>) dst(%arg11 : memref<13312xi32, #tpu.memory_space<vmem>>)
      tpu.yield
    }) : () -> ()
    %dma_start3A_10 = arith.constant 0 : i32
    %dma_start3A_11 = arith.constant 0 : i32
    %dma_start3A_12 = arith.constant 0 : i32
    %dma_start3A_13 = arith.constant 0 : i32
    %dma_start3A_14 = tpu.memref_slice %arg14[%dma_start3A_10, %dma_start3A_12, %dma_start3A_13] : memref<3x1024x16xf32, #tpu.memory_space<vmem>> -> memref<1x1024x16xf32, #tpu.memory_space<vmem>>
    %dma_start3A_15 = tpu.memref_squeeze %dma_start3A_14 : memref<1x1024x16xf32, #tpu.memory_space<vmem>> -> memref<1024x16xf32, #tpu.memory_space<vmem>>
    %dma_start3A_16 = arith.constant 0 : i32
    %dma_start3A_17 = tpu.memref_slice %arg11[%dma_start3A_16] : memref<13312xi32, #tpu.memory_space<vmem>> -> memref<1024xi32, #tpu.memory_space<vmem>>
    %dma_start3A_18 = arith.constant 0 : i32
    %dma_start3A_19 = arith.constant 0 : i32
    %dma_start3A_20 = tpu.memref_slice %arg7[%dma_start3A_18, %dma_start3A_19] : memref<2662400x16xf32, #tpu.memory_space<hbm>> -> memref<2662400x16xf32, #tpu.memory_space<hbm>>
    %dma_start3A_21 = tpu.memref_slice %arg19[%dma_start3A_11] : memref<3x!tpu.dma_semaphore, #tpu.memory_space<semaphore_mem>> -> memref<1x!tpu.dma_semaphore, #tpu.memory_space<semaphore_mem>>
    %dma_start3A_22 = tpu.memref_squeeze %dma_start3A_21 : memref<1x!tpu.dma_semaphore, #tpu.memory_space<semaphore_mem>> -> memref<!tpu.dma_semaphore, #tpu.memory_space<semaphore_mem>>
    tpu.enqueue_indirect_dma source(%dma_start3A_20 : memref<2662400x16xf32, #tpu.memory_space<hbm>>) target(%dma_start3A_15 : memref<1024x16xf32, #tpu.memory_space<vmem>>) offsets(%dma_start3A_17 : memref<1024xi32, #tpu.memory_space<vmem>>) semaphore(%dma_start3A_22 : memref<!tpu.dma_semaphore, #tpu.memory_space<semaphore_mem>>)
    %dma_start3A_23 = arith.constant 1 : i32
    %dma_start3A_24 = arith.constant 1 : i32
    %dma_start3A_25 = arith.constant 0 : i32
    %dma_start3A_26 = arith.constant 0 : i32
    %dma_start3A_27 = tpu.memref_slice %arg14[%dma_start3A_23, %dma_start3A_25, %dma_start3A_26] : memref<3x1024x16xf32, #tpu.memory_space<vmem>> -> memref<1x1024x16xf32, #tpu.memory_space<vmem>>
    %dma_start3A_28 = tpu.memref_squeeze %dma_start3A_27 : memref<1x1024x16xf32, #tpu.memory_space<vmem>> -> memref<1024x16xf32, #tpu.memory_space<vmem>>
    %dma_start3A_29 = arith.constant 1024 : i32
    %dma_start3A_30 = tpu.memref_slice %arg11[%dma_start3A_29] : memref<13312xi32, #tpu.memory_space<vmem>> -> memref<1024xi32, #tpu.memory_space<vmem>>
    %dma_start3A_31 = arith.constant 0 : i32
    %dma_start3A_32 = arith.constant 0 : i32
    %dma_start3A_33 = tpu.memref_slice %arg7[%dma_start3A_31, %dma_start3A_32] : memref<2662400x16xf32, #tpu.memory_space<hbm>> -> memref<2662400x16xf32, #tpu.memory_space<hbm>>
    %dma_start3A_34 = tpu.memref_slice %arg19[%dma_start3A_24] : memref<3x!tpu.dma_semaphore, #tpu.memory_space<semaphore_mem>> -> memref<1x!tpu.dma_semaphore, #tpu.memory_space<semaphore_mem>>
    %dma_start3A_35 = tpu.memref_squeeze %dma_start3A_34 : memref<1x!tpu.dma_semaphore, #tpu.memory_space<semaphore_mem>> -> memref<!tpu.dma_semaphore, #tpu.memory_space<semaphore_mem>>
    tpu.enqueue_indirect_dma source(%dma_start3A_33 : memref<2662400x16xf32, #tpu.memory_space<hbm>>) target(%dma_start3A_28 : memref<1024x16xf32, #tpu.memory_space<vmem>>) offsets(%dma_start3A_30 : memref<1024xi32, #tpu.memory_space<vmem>>) semaphore(%dma_start3A_35 : memref<!tpu.dma_semaphore, #tpu.memory_space<semaphore_mem>>)
    %dma_start3A_36 = arith.constant 2 : i32
    %dma_start3A_37 = arith.constant 2 : i32
    %dma_start3A_38 = arith.constant 0 : i32
    %dma_start3A_39 = arith.constant 0 : i32
    %dma_start3A_40 = tpu.memref_slice %arg14[%dma_start3A_36, %dma_start3A_38, %dma_start3A_39] : memref<3x1024x16xf32, #tpu.memory_space<vmem>> -> memref<1x1024x16xf32, #tpu.memory_space<vmem>>
    %dma_start3A_41 = tpu.memref_squeeze %dma_start3A_40 : memref<1x1024x16xf32, #tpu.memory_space<vmem>> -> memref<1024x16xf32, #tpu.memory_space<vmem>>
    %dma_start3A_42 = arith.constant 2048 : i32
    %dma_start3A_43 = tpu.memref_slice %arg11[%dma_start3A_42] : memref<13312xi32, #tpu.memory_space<vmem>> -> memref<1024xi32, #tpu.memory_space<vmem>>
    %dma_start3A_44 = arith.constant 0 : i32
    %dma_start3A_45 = arith.constant 0 : i32
    %dma_start3A_46 = tpu.memref_slice %arg7[%dma_start3A_44, %dma_start3A_45] : memref<2662400x16xf32, #tpu.memory_space<hbm>> -> memref<2662400x16xf32, #tpu.memory_space<hbm>>
    %dma_start3A_47 = tpu.memref_slice %arg19[%dma_start3A_37] : memref<3x!tpu.dma_semaphore, #tpu.memory_space<semaphore_mem>> -> memref<1x!tpu.dma_semaphore, #tpu.memory_space<semaphore_mem>>
    %dma_start3A_48 = tpu.memref_squeeze %dma_start3A_47 : memref<1x!tpu.dma_semaphore, #tpu.memory_space<semaphore_mem>> -> memref<!tpu.dma_semaphore, #tpu.memory_space<semaphore_mem>>
    tpu.enqueue_indirect_dma source(%dma_start3A_46 : memref<2662400x16xf32, #tpu.memory_space<hbm>>) target(%dma_start3A_41 : memref<1024x16xf32, #tpu.memory_space<vmem>>) offsets(%dma_start3A_43 : memref<1024xi32, #tpu.memory_space<vmem>>) semaphore(%dma_start3A_48 : memref<!tpu.dma_semaphore, #tpu.memory_space<semaphore_mem>>)
    %dma_wait3A = arith.constant 0 : i32
    %dma_wait3A_49 = arith.constant 0 : i32
    %dma_wait3A_50 = tpu.memref_slice %arg5[%dma_wait3A, %dma_wait3A_49] : memref<1024000x16xf32, #tpu.memory_space<hbm>> -> memref<1024000x16xf32, #tpu.memory_space<hbm>>
    tpu.wait_indirect_dma semaphore(%arg15 : memref<!tpu.dma_semaphore, #tpu.memory_space<semaphore_mem>>) src(%dma_wait3A_50 : memref<1024000x16xf32, #tpu.memory_space<hbm>>) dst(%arg12 : memref<512x16xf32, #tpu.memory_space<vmem>>)
    %dma_start3A_51 = arith.constant 0 : i32
    %dma_start3A_52 = tpu.memref_slice %arg8[%mul3A_2, %dma_start3A_51] : memref<458752x16xf32, #tpu.memory_space<hbm>> -> memref<512x16xf32, #tpu.memory_space<hbm>>
    %dma_start3A_53 = arith.constant 0 : i32
    %dma_start3A_54 = tpu.memref_slice %arg8[%mul3A_2, %dma_start3A_53] : memref<458752x16xf32, #tpu.memory_space<hbm>> -> memref<512x16xf32, #tpu.memory_space<hbm>>
    tpu.enqueue_dma source(%arg12 : memref<512x16xf32, #tpu.memory_space<vmem>>) target(%dma_start3A_54 : memref<512x16xf32, #tpu.memory_space<hbm>>) target_semaphore(%arg17 : memref<!tpu.dma_semaphore, #tpu.memory_space<semaphore_mem>>)
    %dma_wait3A_55 = arith.constant 0 : i32
    %dma_wait3A_56 = arith.constant 0 : i32
    %dma_wait3A_57 = tpu.memref_slice %arg6[%dma_wait3A_55, %dma_wait3A_56] : memref<1024000x16xf32, #tpu.memory_space<hbm>> -> memref<1024000x16xf32, #tpu.memory_space<hbm>>
    tpu.wait_indirect_dma semaphore(%arg16 : memref<!tpu.dma_semaphore, #tpu.memory_space<semaphore_mem>>) src(%dma_wait3A_57 : memref<1024000x16xf32, #tpu.memory_space<hbm>>) dst(%arg13 : memref<512x16xf32, #tpu.memory_space<vmem>>)
    %add3A_58 = arith.constant 16384 : i32
    %add3A_59 = arith.addi %add3A_58, %mul3A_2 : i32
    %dma_start3A_60 = arith.constant 0 : i32
    %dma_start3A_61 = tpu.memref_slice %arg8[%add3A_59, %dma_start3A_60] : memref<458752x16xf32, #tpu.memory_space<hbm>> -> memref<512x16xf32, #tpu.memory_space<hbm>>
    %dma_start3A_62 = arith.constant 0 : i32
    %dma_start3A_63 = tpu.memref_slice %arg8[%add3A_59, %dma_start3A_62] : memref<458752x16xf32, #tpu.memory_space<hbm>> -> memref<512x16xf32, #tpu.memory_space<hbm>>
    tpu.enqueue_dma source(%arg13 : memref<512x16xf32, #tpu.memory_space<vmem>>) target(%dma_start3A_63 : memref<512x16xf32, #tpu.memory_space<hbm>>) target_semaphore(%arg18 : memref<!tpu.dma_semaphore, #tpu.memory_space<semaphore_mem>>)
    %dma_wait3A_64 = arith.constant 0 : i32
    %dma_wait3A_65 = arith.constant 0 : i32
    %dma_wait3A_66 = arith.constant 0 : i32
    %dma_wait3A_67 = arith.constant 0 : i32
    %dma_wait3A_68 = tpu.memref_slice %arg14[%dma_wait3A_64, %dma_wait3A_66, %dma_wait3A_67] : memref<3x1024x16xf32, #tpu.memory_space<vmem>> -> memref<1x1024x16xf32, #tpu.memory_space<vmem>>
    %dma_wait3A_69 = tpu.memref_squeeze %dma_wait3A_68 : memref<1x1024x16xf32, #tpu.memory_space<vmem>> -> memref<1024x16xf32, #tpu.memory_space<vmem>>
    %dma_wait3A_70 = arith.constant 0 : i32
    %dma_wait3A_71 = tpu.memref_slice %arg11[%dma_wait3A_70] : memref<13312xi32, #tpu.memory_space<vmem>> -> memref<1024xi32, #tpu.memory_space<vmem>>
    %dma_wait3A_72 = arith.constant 0 : i32
    %dma_wait3A_73 = arith.constant 0 : i32
    %dma_wait3A_74 = tpu.memref_slice %arg7[%dma_wait3A_72, %dma_wait3A_73] : memref<2662400x16xf32, #tpu.memory_space<hbm>> -> memref<2662400x16xf32, #tpu.memory_space<hbm>>
    %dma_wait3A_75 = tpu.memref_slice %arg19[%dma_wait3A_65] : memref<3x!tpu.dma_semaphore, #tpu.memory_space<semaphore_mem>> -> memref<1x!tpu.dma_semaphore, #tpu.memory_space<semaphore_mem>>
    %dma_wait3A_76 = tpu.memref_squeeze %dma_wait3A_75 : memref<1x!tpu.dma_semaphore, #tpu.memory_space<semaphore_mem>> -> memref<!tpu.dma_semaphore, #tpu.memory_space<semaphore_mem>>
    tpu.wait_indirect_dma semaphore(%dma_wait3A_76 : memref<!tpu.dma_semaphore, #tpu.memory_space<semaphore_mem>>) src(%dma_wait3A_74 : memref<2662400x16xf32, #tpu.memory_space<hbm>>) dst(%dma_wait3A_69 : memref<1024x16xf32, #tpu.memory_space<vmem>>)
    %add3A_77 = arith.constant 32768 : i32
    %add3A_78 = arith.addi %add3A_77, %mul3A_4 : i32
    %add3A_79 = arith.constant 0 : i32
    %add3A_80 = arith.addi %add3A_78, %add3A_79 : i32
    %dma_start3A_81 = arith.constant 0 : i32
    %dma_start3A_82 = arith.constant 0 : i32
    %dma_start3A_83 = arith.constant 0 : i32
    %dma_start3A_84 = arith.constant 0 : i32
    %dma_start3A_85 = tpu.memref_slice %arg14[%dma_start3A_81, %dma_start3A_83, %dma_start3A_84] : memref<3x1024x16xf32, #tpu.memory_space<vmem>> -> memref<1x1024x16xf32, #tpu.memory_space<vmem>>
    %dma_start3A_86 = tpu.memref_squeeze %dma_start3A_85 : memref<1x1024x16xf32, #tpu.memory_space<vmem>> -> memref<1024x16xf32, #tpu.memory_space<vmem>>
    %dma_start3A_87 = arith.constant 0 : i32
    %dma_start3A_88 = tpu.memref_slice %arg8[%add3A_80, %dma_start3A_87] : memref<458752x16xf32, #tpu.memory_space<hbm>> -> memref<1024x16xf32, #tpu.memory_space<hbm>>
    %dma_start3A_89 = tpu.memref_slice %arg20[%dma_start3A_82] : memref<3x!tpu.dma_semaphore, #tpu.memory_space<semaphore_mem>> -> memref<1x!tpu.dma_semaphore, #tpu.memory_space<semaphore_mem>>
    %dma_start3A_90 = tpu.memref_squeeze %dma_start3A_89 : memref<1x!tpu.dma_semaphore, #tpu.memory_space<semaphore_mem>> -> memref<!tpu.dma_semaphore, #tpu.memory_space<semaphore_mem>>
    %dma_start3A_91 = arith.constant 0 : i32
    %dma_start3A_92 = tpu.memref_slice %arg8[%add3A_80, %dma_start3A_91] : memref<458752x16xf32, #tpu.memory_space<hbm>> -> memref<1024x16xf32, #tpu.memory_space<hbm>>
    %dma_start3A_93 = arith.constant 0 : i32
    %dma_start3A_94 = arith.constant 0 : i32
    %dma_start3A_95 = tpu.memref_slice %arg14[%dma_start3A_81, %dma_start3A_93, %dma_start3A_94] : memref<3x1024x16xf32, #tpu.memory_space<vmem>> -> memref<1x1024x16xf32, #tpu.memory_space<vmem>>
    %dma_start3A_96 = tpu.memref_squeeze %dma_start3A_95 : memref<1x1024x16xf32, #tpu.memory_space<vmem>> -> memref<1024x16xf32, #tpu.memory_space<vmem>>
    tpu.enqueue_dma source(%dma_start3A_96 : memref<1024x16xf32, #tpu.memory_space<vmem>>) target(%dma_start3A_92 : memref<1024x16xf32, #tpu.memory_space<hbm>>) target_semaphore(%dma_start3A_90 : memref<!tpu.dma_semaphore, #tpu.memory_space<semaphore_mem>>)
    %dma_wait3A_97 = arith.constant 0 : i32
    %dma_wait3A_98 = arith.constant 0 : i32
    %dma_wait3A_99 = arith.constant 0 : i32
    %dma_wait3A_100 = arith.constant 0 : i32
    %dma_wait3A_101 = tpu.memref_slice %arg14[%dma_wait3A_97, %dma_wait3A_99, %dma_wait3A_100] : memref<3x1024x16xf32, #tpu.memory_space<vmem>> -> memref<1x1024x16xf32, #tpu.memory_space<vmem>>
    %dma_wait3A_102 = tpu.memref_squeeze %dma_wait3A_101 : memref<1x1024x16xf32, #tpu.memory_space<vmem>> -> memref<1024x16xf32, #tpu.memory_space<vmem>>
    %dma_wait3A_103 = arith.constant 0 : i32
    %dma_wait3A_104 = tpu.memref_slice %arg8[%add3A_80, %dma_wait3A_103] : memref<458752x16xf32, #tpu.memory_space<hbm>> -> memref<1024x16xf32, #tpu.memory_space<hbm>>
    %dma_wait3A_105 = tpu.memref_slice %arg20[%dma_wait3A_98] : memref<3x!tpu.dma_semaphore, #tpu.memory_space<semaphore_mem>> -> memref<1x!tpu.dma_semaphore, #tpu.memory_space<semaphore_mem>>
    %dma_wait3A_106 = tpu.memref_squeeze %dma_wait3A_105 : memref<1x!tpu.dma_semaphore, #tpu.memory_space<semaphore_mem>> -> memref<!tpu.dma_semaphore, #tpu.memory_space<semaphore_mem>>
    %dma_wait3A_107 = arith.constant 0 : i32
    %dma_wait3A_108 = tpu.memref_slice %arg8[%add3A_80, %dma_wait3A_107] : memref<458752x16xf32, #tpu.memory_space<hbm>> -> memref<1024x16xf32, #tpu.memory_space<hbm>>
    %dma_wait3A_109 = arith.constant 0 : i32
    %dma_wait3A_110 = arith.constant 0 : i32
    %dma_wait3A_111 = tpu.memref_slice %arg14[%dma_wait3A_97, %dma_wait3A_109, %dma_wait3A_110] : memref<3x1024x16xf32, #tpu.memory_space<vmem>> -> memref<1x1024x16xf32, #tpu.memory_space<vmem>>
    %dma_wait3A_112 = tpu.memref_squeeze %dma_wait3A_111 : memref<1x1024x16xf32, #tpu.memory_space<vmem>> -> memref<1024x16xf32, #tpu.memory_space<vmem>>
    tpu.wait_dma2 semaphore(%dma_wait3A_106 : memref<!tpu.dma_semaphore, #tpu.memory_space<semaphore_mem>>) src(%dma_wait3A_112 : memref<1024x16xf32, #tpu.memory_space<vmem>>) dst(%dma_wait3A_108 : memref<1024x16xf32, #tpu.memory_space<hbm>>)
    %dma_start3A_113 = arith.constant 0 : i32
    %dma_start3A_114 = arith.constant 0 : i32
    %dma_start3A_115 = arith.constant 0 : i32
    %dma_start3A_116 = arith.constant 0 : i32
    %dma_start3A_117 = tpu.memref_slice %arg14[%dma_start3A_113, %dma_start3A_115, %dma_start3A_116] : memref<3x1024x16xf32, #tpu.memory_space<vmem>> -> memref<1x1024x16xf32, #tpu.memory_space<vmem>>
    %dma_start3A_118 = tpu.memref_squeeze %dma_start3A_117 : memref<1x1024x16xf32, #tpu.memory_space<vmem>> -> memref<1024x16xf32, #tpu.memory_space<vmem>>
    %dma_start3A_119 = arith.constant 3072 : i32
    %dma_start3A_120 = tpu.memref_slice %arg11[%dma_start3A_119] : memref<13312xi32, #tpu.memory_space<vmem>> -> memref<1024xi32, #tpu.memory_space<vmem>>
    %dma_start3A_121 = arith.constant 0 : i32
    %dma_start3A_122 = arith.constant 0 : i32
    %dma_start3A_123 = tpu.memref_slice %arg7[%dma_start3A_121, %dma_start3A_122] : memref<2662400x16xf32, #tpu.memory_space<hbm>> -> memref<2662400x16xf32, #tpu.memory_space<hbm>>
    %dma_start3A_124 = tpu.memref_slice %arg19[%dma_start3A_114] : memref<3x!tpu.dma_semaphore, #tpu.memory_space<semaphore_mem>> -> memref<1x!tpu.dma_semaphore, #tpu.memory_space<semaphore_mem>>
    %dma_start3A_125 = tpu.memref_squeeze %dma_start3A_124 : memref<1x!tpu.dma_semaphore, #tpu.memory_space<semaphore_mem>> -> memref<!tpu.dma_semaphore, #tpu.memory_space<semaphore_mem>>
    tpu.enqueue_indirect_dma source(%dma_start3A_123 : memref<2662400x16xf32, #tpu.memory_space<hbm>>) target(%dma_start3A_118 : memref<1024x16xf32, #tpu.memory_space<vmem>>) offsets(%dma_start3A_120 : memref<1024xi32, #tpu.memory_space<vmem>>) semaphore(%dma_start3A_125 : memref<!tpu.dma_semaphore, #tpu.memory_space<semaphore_mem>>)
    %dma_wait3A_126 = arith.constant 1 : i32
    %dma_wait3A_127 = arith.constant 1 : i32
    %dma_wait3A_128 = arith.constant 0 : i32
    %dma_wait3A_129 = arith.constant 0 : i32
    %dma_wait3A_130 = tpu.memref_slice %arg14[%dma_wait3A_126, %dma_wait3A_128, %dma_wait3A_129] : memref<3x1024x16xf32, #tpu.memory_space<vmem>> -> memref<1x1024x16xf32, #tpu.memory_space<vmem>>
    %dma_wait3A_131 = tpu.memref_squeeze %dma_wait3A_130 : memref<1x1024x16xf32, #tpu.memory_space<vmem>> -> memref<1024x16xf32, #tpu.memory_space<vmem>>
    %dma_wait3A_132 = arith.constant 1024 : i32
    %dma_wait3A_133 = tpu.memref_slice %arg11[%dma_wait3A_132] : memref<13312xi32, #tpu.memory_space<vmem>> -> memref<1024xi32, #tpu.memory_space<vmem>>
    %dma_wait3A_134 = arith.constant 0 : i32
    %dma_wait3A_135 = arith.constant 0 : i32
    %dma_wait3A_136 = tpu.memref_slice %arg7[%dma_wait3A_134, %dma_wait3A_135] : memref<2662400x16xf32, #tpu.memory_space<hbm>> -> memref<2662400x16xf32, #tpu.memory_space<hbm>>
    %dma_wait3A_137 = tpu.memref_slice %arg19[%dma_wait3A_127] : memref<3x!tpu.dma_semaphore, #tpu.memory_space<semaphore_mem>> -> memref<1x!tpu.dma_semaphore, #tpu.memory_space<semaphore_mem>>
    %dma_wait3A_138 = tpu.memref_squeeze %dma_wait3A_137 : memref<1x!tpu.dma_semaphore, #tpu.memory_space<semaphore_mem>> -> memref<!tpu.dma_semaphore, #tpu.memory_space<semaphore_mem>>
    tpu.wait_indirect_dma semaphore(%dma_wait3A_138 : memref<!tpu.dma_semaphore, #tpu.memory_space<semaphore_mem>>) src(%dma_wait3A_136 : memref<2662400x16xf32, #tpu.memory_space<hbm>>) dst(%dma_wait3A_131 : memref<1024x16xf32, #tpu.memory_space<vmem>>)
    %add3A_139 = arith.constant 32768 : i32
    %add3A_140 = arith.addi %add3A_139, %mul3A_4 : i32
    %add3A_141 = arith.constant 1024 : i32
    %add3A_142 = arith.addi %add3A_140, %add3A_141 : i32
    %dma_start3A_143 = arith.constant 1 : i32
    %dma_start3A_144 = arith.constant 1 : i32
    %dma_start3A_145 = arith.constant 0 : i32
    %dma_start3A_146 = arith.constant 0 : i32
    %dma_start3A_147 = tpu.memref_slice %arg14[%dma_start3A_143, %dma_start3A_145, %dma_start3A_146] : memref<3x1024x16xf32, #tpu.memory_space<vmem>> -> memref<1x1024x16xf32, #tpu.memory_space<vmem>>
    %dma_start3A_148 = tpu.memref_squeeze %dma_start3A_147 : memref<1x1024x16xf32, #tpu.memory_space<vmem>> -> memref<1024x16xf32, #tpu.memory_space<vmem>>
    %dma_start3A_149 = arith.constant 0 : i32
    %dma_start3A_150 = tpu.memref_slice %arg8[%add3A_142, %dma_start3A_149] : memref<458752x16xf32, #tpu.memory_space<hbm>> -> memref<1024x16xf32, #tpu.memory_space<hbm>>
    %dma_start3A_151 = tpu.memref_slice %arg20[%dma_start3A_144] : memref<3x!tpu.dma_semaphore, #tpu.memory_space<semaphore_mem>> -> memref<1x!tpu.dma_semaphore, #tpu.memory_space<semaphore_mem>>
    %dma_start3A_152 = tpu.memref_squeeze %dma_start3A_151 : memref<1x!tpu.dma_semaphore, #tpu.memory_space<semaphore_mem>> -> memref<!tpu.dma_semaphore, #tpu.memory_space<semaphore_mem>>
    %dma_start3A_153 = arith.constant 0 : i32
    %dma_start3A_154 = tpu.memref_slice %arg8[%add3A_142, %dma_start3A_153] : memref<458752x16xf32, #tpu.memory_space<hbm>> -> memref<1024x16xf32, #tpu.memory_space<hbm>>
    %dma_start3A_155 = arith.constant 0 : i32
    %dma_start3A_156 = arith.constant 0 : i32
    %dma_start3A_157 = tpu.memref_slice %arg14[%dma_start3A_143, %dma_start3A_155, %dma_start3A_156] : memref<3x1024x16xf32, #tpu.memory_space<vmem>> -> memref<1x1024x16xf32, #tpu.memory_space<vmem>>
    %dma_start3A_158 = tpu.memref_squeeze %dma_start3A_157 : memref<1x1024x16xf32, #tpu.memory_space<vmem>> -> memref<1024x16xf32, #tpu.memory_space<vmem>>
    tpu.enqueue_dma source(%dma_start3A_158 : memref<1024x16xf32, #tpu.memory_space<vmem>>) target(%dma_start3A_154 : memref<1024x16xf32, #tpu.memory_space<hbm>>) target_semaphore(%dma_start3A_152 : memref<!tpu.dma_semaphore, #tpu.memory_space<semaphore_mem>>)
    %dma_wait3A_159 = arith.constant 1 : i32
    %dma_wait3A_160 = arith.constant 1 : i32
    %dma_wait3A_161 = arith.constant 0 : i32
    %dma_wait3A_162 = arith.constant 0 : i32
    %dma_wait3A_163 = tpu.memref_slice %arg14[%dma_wait3A_159, %dma_wait3A_161, %dma_wait3A_162] : memref<3x1024x16xf32, #tpu.memory_space<vmem>> -> memref<1x1024x16xf32, #tpu.memory_space<vmem>>
    %dma_wait3A_164 = tpu.memref_squeeze %dma_wait3A_163 : memref<1x1024x16xf32, #tpu.memory_space<vmem>> -> memref<1024x16xf32, #tpu.memory_space<vmem>>
    %dma_wait3A_165 = arith.constant 0 : i32
    %dma_wait3A_166 = tpu.memref_slice %arg8[%add3A_142, %dma_wait3A_165] : memref<458752x16xf32, #tpu.memory_space<hbm>> -> memref<1024x16xf32, #tpu.memory_space<hbm>>
    %dma_wait3A_167 = tpu.memref_slice %arg20[%dma_wait3A_160] : memref<3x!tpu.dma_semaphore, #tpu.memory_space<semaphore_mem>> -> memref<1x!tpu.dma_semaphore, #tpu.memory_space<semaphore_mem>>
    %dma_wait3A_168 = tpu.memref_squeeze %dma_wait3A_167 : memref<1x!tpu.dma_semaphore, #tpu.memory_space<semaphore_mem>> -> memref<!tpu.dma_semaphore, #tpu.memory_space<semaphore_mem>>
    %dma_wait3A_169 = arith.constant 0 : i32
    %dma_wait3A_170 = tpu.memref_slice %arg8[%add3A_142, %dma_wait3A_169] : memref<458752x16xf32, #tpu.memory_space<hbm>> -> memref<1024x16xf32, #tpu.memory_space<hbm>>
    %dma_wait3A_171 = arith.constant 0 : i32
    %dma_wait3A_172 = arith.constant 0 : i32
    %dma_wait3A_173 = tpu.memref_slice %arg14[%dma_wait3A_159, %dma_wait3A_171, %dma_wait3A_172] : memref<3x1024x16xf32, #tpu.memory_space<vmem>> -> memref<1x1024x16xf32, #tpu.memory_space<vmem>>
    %dma_wait3A_174 = tpu.memref_squeeze %dma_wait3A_173 : memref<1x1024x16xf32, #tpu.memory_space<vmem>> -> memref<1024x16xf32, #tpu.memory_space<vmem>>
    tpu.wait_dma2 semaphore(%dma_wait3A_168 : memref<!tpu.dma_semaphore, #tpu.memory_space<semaphore_mem>>) src(%dma_wait3A_174 : memref<1024x16xf32, #tpu.memory_space<vmem>>) dst(%dma_wait3A_170 : memref<1024x16xf32, #tpu.memory_space<hbm>>)
    %dma_start3A_175 = arith.constant 1 : i32
    %dma_start3A_176 = arith.constant 1 : i32
    %dma_start3A_177 = arith.constant 0 : i32
    %dma_start3A_178 = arith.constant 0 : i32
    %dma_start3A_179 = tpu.memref_slice %arg14[%dma_start3A_175, %dma_start3A_177, %dma_start3A_178] : memref<3x1024x16xf32, #tpu.memory_space<vmem>> -> memref<1x1024x16xf32, #tpu.memory_space<vmem>>
    %dma_start3A_180 = tpu.memref_squeeze %dma_start3A_179 : memref<1x1024x16xf32, #tpu.memory_space<vmem>> -> memref<1024x16xf32, #tpu.memory_space<vmem>>
    %dma_start3A_181 = arith.constant 4096 : i32
    %dma_start3A_182 = tpu.memref_slice %arg11[%dma_start3A_181] : memref<13312xi32, #tpu.memory_space<vmem>> -> memref<1024xi32, #tpu.memory_space<vmem>>
    %dma_start3A_183 = arith.constant 0 : i32
    %dma_start3A_184 = arith.constant 0 : i32
    %dma_start3A_185 = tpu.memref_slice %arg7[%dma_start3A_183, %dma_start3A_184] : memref<2662400x16xf32, #tpu.memory_space<hbm>> -> memref<2662400x16xf32, #tpu.memory_space<hbm>>
    %dma_start3A_186 = tpu.memref_slice %arg19[%dma_start3A_176] : memref<3x!tpu.dma_semaphore, #tpu.memory_space<semaphore_mem>> -> memref<1x!tpu.dma_semaphore, #tpu.memory_space<semaphore_mem>>
    %dma_start3A_187 = tpu.memref_squeeze %dma_start3A_186 : memref<1x!tpu.dma_semaphore, #tpu.memory_space<semaphore_mem>> -> memref<!tpu.dma_semaphore, #tpu.memory_space<semaphore_mem>>
    tpu.enqueue_indirect_dma source(%dma_start3A_185 : memref<2662400x16xf32, #tpu.memory_space<hbm>>) target(%dma_start3A_180 : memref<1024x16xf32, #tpu.memory_space<vmem>>) offsets(%dma_start3A_182 : memref<1024xi32, #tpu.memory_space<vmem>>) semaphore(%dma_start3A_187 : memref<!tpu.dma_semaphore, #tpu.memory_space<semaphore_mem>>)
    %dma_wait3A_188 = arith.constant 2 : i32
    %dma_wait3A_189 = arith.constant 2 : i32
    %dma_wait3A_190 = arith.constant 0 : i32
    %dma_wait3A_191 = arith.constant 0 : i32
    %dma_wait3A_192 = tpu.memref_slice %arg14[%dma_wait3A_188, %dma_wait3A_190, %dma_wait3A_191] : memref<3x1024x16xf32, #tpu.memory_space<vmem>> -> memref<1x1024x16xf32, #tpu.memory_space<vmem>>
    %dma_wait3A_193 = tpu.memref_squeeze %dma_wait3A_192 : memref<1x1024x16xf32, #tpu.memory_space<vmem>> -> memref<1024x16xf32, #tpu.memory_space<vmem>>
    %dma_wait3A_194 = arith.constant 2048 : i32
    %dma_wait3A_195 = tpu.memref_slice %arg11[%dma_wait3A_194] : memref<13312xi32, #tpu.memory_space<vmem>> -> memref<1024xi32, #tpu.memory_space<vmem>>
    %dma_wait3A_196 = arith.constant 0 : i32
    %dma_wait3A_197 = arith.constant 0 : i32
    %dma_wait3A_198 = tpu.memref_slice %arg7[%dma_wait3A_196, %dma_wait3A_197] : memref<2662400x16xf32, #tpu.memory_space<hbm>> -> memref<2662400x16xf32, #tpu.memory_space<hbm>>
    %dma_wait3A_199 = tpu.memref_slice %arg19[%dma_wait3A_189] : memref<3x!tpu.dma_semaphore, #tpu.memory_space<semaphore_mem>> -> memref<1x!tpu.dma_semaphore, #tpu.memory_space<semaphore_mem>>
    %dma_wait3A_200 = tpu.memref_squeeze %dma_wait3A_199 : memref<1x!tpu.dma_semaphore, #tpu.memory_space<semaphore_mem>> -> memref<!tpu.dma_semaphore, #tpu.memory_space<semaphore_mem>>
    tpu.wait_indirect_dma semaphore(%dma_wait3A_200 : memref<!tpu.dma_semaphore, #tpu.memory_space<semaphore_mem>>) src(%dma_wait3A_198 : memref<2662400x16xf32, #tpu.memory_space<hbm>>) dst(%dma_wait3A_193 : memref<1024x16xf32, #tpu.memory_space<vmem>>)
    %add3A_201 = arith.constant 32768 : i32
    %add3A_202 = arith.addi %add3A_201, %mul3A_4 : i32
    %add3A_203 = arith.constant 2048 : i32
    %add3A_204 = arith.addi %add3A_202, %add3A_203 : i32
    %dma_start3A_205 = arith.constant 2 : i32
    %dma_start3A_206 = arith.constant 2 : i32
    %dma_start3A_207 = arith.constant 0 : i32
    %dma_start3A_208 = arith.constant 0 : i32
    %dma_start3A_209 = tpu.memref_slice %arg14[%dma_start3A_205, %dma_start3A_207, %dma_start3A_208] : memref<3x1024x16xf32, #tpu.memory_space<vmem>> -> memref<1x1024x16xf32, #tpu.memory_space<vmem>>
    %dma_start3A_210 = tpu.memref_squeeze %dma_start3A_209 : memref<1x1024x16xf32, #tpu.memory_space<vmem>> -> memref<1024x16xf32, #tpu.memory_space<vmem>>
    %dma_start3A_211 = arith.constant 0 : i32
    %dma_start3A_212 = tpu.memref_slice %arg8[%add3A_204, %dma_start3A_211] : memref<458752x16xf32, #tpu.memory_space<hbm>> -> memref<1024x16xf32, #tpu.memory_space<hbm>>
    %dma_start3A_213 = tpu.memref_slice %arg20[%dma_start3A_206] : memref<3x!tpu.dma_semaphore, #tpu.memory_space<semaphore_mem>> -> memref<1x!tpu.dma_semaphore, #tpu.memory_space<semaphore_mem>>
    %dma_start3A_214 = tpu.memref_squeeze %dma_start3A_213 : memref<1x!tpu.dma_semaphore, #tpu.memory_space<semaphore_mem>> -> memref<!tpu.dma_semaphore, #tpu.memory_space<semaphore_mem>>
    %dma_start3A_215 = arith.constant 0 : i32
    %dma_start3A_216 = tpu.memref_slice %arg8[%add3A_204, %dma_start3A_215] : memref<458752x16xf32, #tpu.memory_space<hbm>> -> memref<1024x16xf32, #tpu.memory_space<hbm>>
    %dma_start3A_217 = arith.constant 0 : i32
    %dma_start3A_218 = arith.constant 0 : i32
    %dma_start3A_219 = tpu.memref_slice %arg14[%dma_start3A_205, %dma_start3A_217, %dma_start3A_218] : memref<3x1024x16xf32, #tpu.memory_space<vmem>> -> memref<1x1024x16xf32, #tpu.memory_space<vmem>>
    %dma_start3A_220 = tpu.memref_squeeze %dma_start3A_219 : memref<1x1024x16xf32, #tpu.memory_space<vmem>> -> memref<1024x16xf32, #tpu.memory_space<vmem>>
    tpu.enqueue_dma source(%dma_start3A_220 : memref<1024x16xf32, #tpu.memory_space<vmem>>) target(%dma_start3A_216 : memref<1024x16xf32, #tpu.memory_space<hbm>>) target_semaphore(%dma_start3A_214 : memref<!tpu.dma_semaphore, #tpu.memory_space<semaphore_mem>>)
    %dma_wait3A_221 = arith.constant 2 : i32
    %dma_wait3A_222 = arith.constant 2 : i32
    %dma_wait3A_223 = arith.constant 0 : i32
    %dma_wait3A_224 = arith.constant 0 : i32
    %dma_wait3A_225 = tpu.memref_slice %arg14[%dma_wait3A_221, %dma_wait3A_223, %dma_wait3A_224] : memref<3x1024x16xf32, #tpu.memory_space<vmem>> -> memref<1x1024x16xf32, #tpu.memory_space<vmem>>
    %dma_wait3A_226 = tpu.memref_squeeze %dma_wait3A_225 : memref<1x1024x16xf32, #tpu.memory_space<vmem>> -> memref<1024x16xf32, #tpu.memory_space<vmem>>
    %dma_wait3A_227 = arith.constant 0 : i32
    %dma_wait3A_228 = tpu.memref_slice %arg8[%add3A_204, %dma_wait3A_227] : memref<458752x16xf32, #tpu.memory_space<hbm>> -> memref<1024x16xf32, #tpu.memory_space<hbm>>
    %dma_wait3A_229 = tpu.memref_slice %arg20[%dma_wait3A_222] : memref<3x!tpu.dma_semaphore, #tpu.memory_space<semaphore_mem>> -> memref<1x!tpu.dma_semaphore, #tpu.memory_space<semaphore_mem>>
    %dma_wait3A_230 = tpu.memref_squeeze %dma_wait3A_229 : memref<1x!tpu.dma_semaphore, #tpu.memory_space<semaphore_mem>> -> memref<!tpu.dma_semaphore, #tpu.memory_space<semaphore_mem>>
    %dma_wait3A_231 = arith.constant 0 : i32
    %dma_wait3A_232 = tpu.memref_slice %arg8[%add3A_204, %dma_wait3A_231] : memref<458752x16xf32, #tpu.memory_space<hbm>> -> memref<1024x16xf32, #tpu.memory_space<hbm>>
    %dma_wait3A_233 = arith.constant 0 : i32
    %dma_wait3A_234 = arith.constant 0 : i32
    %dma_wait3A_235 = tpu.memref_slice %arg14[%dma_wait3A_221, %dma_wait3A_233, %dma_wait3A_234] : memref<3x1024x16xf32, #tpu.memory_space<vmem>> -> memref<1x1024x16xf32, #tpu.memory_space<vmem>>
    %dma_wait3A_236 = tpu.memref_squeeze %dma_wait3A_235 : memref<1x1024x16xf32, #tpu.memory_space<vmem>> -> memref<1024x16xf32, #tpu.memory_space<vmem>>
    tpu.wait_dma2 semaphore(%dma_wait3A_230 : memref<!tpu.dma_semaphore, #tpu.memory_space<semaphore_mem>>) src(%dma_wait3A_236 : memref<1024x16xf32, #tpu.memory_space<vmem>>) dst(%dma_wait3A_232 : memref<1024x16xf32, #tpu.memory_space<hbm>>)
    %dma_start3A_237 = arith.constant 2 : i32
    %dma_start3A_238 = arith.constant 2 : i32
    %dma_start3A_239 = arith.constant 0 : i32
    %dma_start3A_240 = arith.constant 0 : i32
    %dma_start3A_241 = tpu.memref_slice %arg14[%dma_start3A_237, %dma_start3A_239, %dma_start3A_240] : memref<3x1024x16xf32, #tpu.memory_space<vmem>> -> memref<1x1024x16xf32, #tpu.memory_space<vmem>>
    %dma_start3A_242 = tpu.memref_squeeze %dma_start3A_241 : memref<1x1024x16xf32, #tpu.memory_space<vmem>> -> memref<1024x16xf32, #tpu.memory_space<vmem>>
    %dma_start3A_243 = arith.constant 5120 : i32
    %dma_start3A_244 = tpu.memref_slice %arg11[%dma_start3A_243] : memref<13312xi32, #tpu.memory_space<vmem>> -> memref<1024xi32, #tpu.memory_space<vmem>>
    %dma_start3A_245 = arith.constant 0 : i32
    %dma_start3A_246 = arith.constant 0 : i32
    %dma_start3A_247 = tpu.memref_slice %arg7[%dma_start3A_245, %dma_start3A_246] : memref<2662400x16xf32, #tpu.memory_space<hbm>> -> memref<2662400x16xf32, #tpu.memory_space<hbm>>
    %dma_start3A_248 = tpu.memref_slice %arg19[%dma_start3A_238] : memref<3x!tpu.dma_semaphore, #tpu.memory_space<semaphore_mem>> -> memref<1x!tpu.dma_semaphore, #tpu.memory_space<semaphore_mem>>
    %dma_start3A_249 = tpu.memref_squeeze %dma_start3A_248 : memref<1x!tpu.dma_semaphore, #tpu.memory_space<semaphore_mem>> -> memref<!tpu.dma_semaphore, #tpu.memory_space<semaphore_mem>>
    tpu.enqueue_indirect_dma source(%dma_start3A_247 : memref<2662400x16xf32, #tpu.memory_space<hbm>>) target(%dma_start3A_242 : memref<1024x16xf32, #tpu.memory_space<vmem>>) offsets(%dma_start3A_244 : memref<1024xi32, #tpu.memory_space<vmem>>) semaphore(%dma_start3A_249 : memref<!tpu.dma_semaphore, #tpu.memory_space<semaphore_mem>>)
    %dma_wait3A_250 = arith.constant 0 : i32
    %dma_wait3A_251 = arith.constant 0 : i32
    %dma_wait3A_252 = arith.constant 0 : i32
    %dma_wait3A_253 = arith.constant 0 : i32
    %dma_wait3A_254 = tpu.memref_slice %arg14[%dma_wait3A_250, %dma_wait3A_252, %dma_wait3A_253] : memref<3x1024x16xf32, #tpu.memory_space<vmem>> -> memref<1x1024x16xf32, #tpu.memory_space<vmem>>
    %dma_wait3A_255 = tpu.memref_squeeze %dma_wait3A_254 : memref<1x1024x16xf32, #tpu.memory_space<vmem>> -> memref<1024x16xf32, #tpu.memory_space<vmem>>
    %dma_wait3A_256 = arith.constant 3072 : i32
    %dma_wait3A_257 = tpu.memref_slice %arg11[%dma_wait3A_256] : memref<13312xi32, #tpu.memory_space<vmem>> -> memref<1024xi32, #tpu.memory_space<vmem>>
    %dma_wait3A_258 = arith.constant 0 : i32
    %dma_wait3A_259 = arith.constant 0 : i32
    %dma_wait3A_260 = tpu.memref_slice %arg7[%dma_wait3A_258, %dma_wait3A_259] : memref<2662400x16xf32, #tpu.memory_space<hbm>> -> memref<2662400x16xf32, #tpu.memory_space<hbm>>
    %dma_wait3A_261 = tpu.memref_slice %arg19[%dma_wait3A_251] : memref<3x!tpu.dma_semaphore, #tpu.memory_space<semaphore_mem>> -> memref<1x!tpu.dma_semaphore, #tpu.memory_space<semaphore_mem>>
    %dma_wait3A_262 = tpu.memref_squeeze %dma_wait3A_261 : memref<1x!tpu.dma_semaphore, #tpu.memory_space<semaphore_mem>> -> memref<!tpu.dma_semaphore, #tpu.memory_space<semaphore_mem>>
    tpu.wait_indirect_dma semaphore(%dma_wait3A_262 : memref<!tpu.dma_semaphore, #tpu.memory_space<semaphore_mem>>) src(%dma_wait3A_260 : memref<2662400x16xf32, #tpu.memory_space<hbm>>) dst(%dma_wait3A_255 : memref<1024x16xf32, #tpu.memory_space<vmem>>)
    %add3A_263 = arith.constant 32768 : i32
    %add3A_264 = arith.addi %add3A_263, %mul3A_4 : i32
    %add3A_265 = arith.constant 3072 : i32
    %add3A_266 = arith.addi %add3A_264, %add3A_265 : i32
    %dma_start3A_267 = arith.constant 0 : i32
    %dma_start3A_268 = arith.constant 0 : i32
    %dma_start3A_269 = arith.constant 0 : i32
    %dma_start3A_270 = arith.constant 0 : i32
    %dma_start3A_271 = tpu.memref_slice %arg14[%dma_start3A_267, %dma_start3A_269, %dma_start3A_270] : memref<3x1024x16xf32, #tpu.memory_space<vmem>> -> memref<1x1024x16xf32, #tpu.memory_space<vmem>>
    %dma_start3A_272 = tpu.memref_squeeze %dma_start3A_271 : memref<1x1024x16xf32, #tpu.memory_space<vmem>> -> memref<1024x16xf32, #tpu.memory_space<vmem>>
    %dma_start3A_273 = arith.constant 0 : i32
    %dma_start3A_274 = tpu.memref_slice %arg8[%add3A_266, %dma_start3A_273] : memref<458752x16xf32, #tpu.memory_space<hbm>> -> memref<1024x16xf32, #tpu.memory_space<hbm>>
    %dma_start3A_275 = tpu.memref_slice %arg20[%dma_start3A_268] : memref<3x!tpu.dma_semaphore, #tpu.memory_space<semaphore_mem>> -> memref<1x!tpu.dma_semaphore, #tpu.memory_space<semaphore_mem>>
    %dma_start3A_276 = tpu.memref_squeeze %dma_start3A_275 : memref<1x!tpu.dma_semaphore, #tpu.memory_space<semaphore_mem>> -> memref<!tpu.dma_semaphore, #tpu.memory_space<semaphore_mem>>
    %dma_start3A_277 = arith.constant 0 : i32
    %dma_start3A_278 = tpu.memref_slice %arg8[%add3A_266, %dma_start3A_277] : memref<458752x16xf32, #tpu.memory_space<hbm>> -> memref<1024x16xf32, #tpu.memory_space<hbm>>
    %dma_start3A_279 = arith.constant 0 : i32
    %dma_start3A_280 = arith.constant 0 : i32
    %dma_start3A_281 = tpu.memref_slice %arg14[%dma_start3A_267, %dma_start3A_279, %dma_start3A_280] : memref<3x1024x16xf32, #tpu.memory_space<vmem>> -> memref<1x1024x16xf32, #tpu.memory_space<vmem>>
    %dma_start3A_282 = tpu.memref_squeeze %dma_start3A_281 : memref<1x1024x16xf32, #tpu.memory_space<vmem>> -> memref<1024x16xf32, #tpu.memory_space<vmem>>
    tpu.enqueue_dma source(%dma_start3A_282 : memref<1024x16xf32, #tpu.memory_space<vmem>>) target(%dma_start3A_278 : memref<1024x16xf32, #tpu.memory_space<hbm>>) target_semaphore(%dma_start3A_276 : memref<!tpu.dma_semaphore, #tpu.memory_space<semaphore_mem>>)
    %dma_wait3A_283 = arith.constant 0 : i32
    %dma_wait3A_284 = arith.constant 0 : i32
    %dma_wait3A_285 = arith.constant 0 : i32
    %dma_wait3A_286 = arith.constant 0 : i32
    %dma_wait3A_287 = tpu.memref_slice %arg14[%dma_wait3A_283, %dma_wait3A_285, %dma_wait3A_286] : memref<3x1024x16xf32, #tpu.memory_space<vmem>> -> memref<1x1024x16xf32, #tpu.memory_space<vmem>>
    %dma_wait3A_288 = tpu.memref_squeeze %dma_wait3A_287 : memref<1x1024x16xf32, #tpu.memory_space<vmem>> -> memref<1024x16xf32, #tpu.memory_space<vmem>>
    %dma_wait3A_289 = arith.constant 0 : i32
    %dma_wait3A_290 = tpu.memref_slice %arg8[%add3A_266, %dma_wait3A_289] : memref<458752x16xf32, #tpu.memory_space<hbm>> -> memref<1024x16xf32, #tpu.memory_space<hbm>>
    %dma_wait3A_291 = tpu.memref_slice %arg20[%dma_wait3A_284] : memref<3x!tpu.dma_semaphore, #tpu.memory_space<semaphore_mem>> -> memref<1x!tpu.dma_semaphore, #tpu.memory_space<semaphore_mem>>
    %dma_wait3A_292 = tpu.memref_squeeze %dma_wait3A_291 : memref<1x!tpu.dma_semaphore, #tpu.memory_space<semaphore_mem>> -> memref<!tpu.dma_semaphore, #tpu.memory_space<semaphore_mem>>
    %dma_wait3A_293 = arith.constant 0 : i32
    %dma_wait3A_294 = tpu.memref_slice %arg8[%add3A_266, %dma_wait3A_293] : memref<458752x16xf32, #tpu.memory_space<hbm>> -> memref<1024x16xf32, #tpu.memory_space<hbm>>
    %dma_wait3A_295 = arith.constant 0 : i32
    %dma_wait3A_296 = arith.constant 0 : i32
    %dma_wait3A_297 = tpu.memref_slice %arg14[%dma_wait3A_283, %dma_wait3A_295, %dma_wait3A_296] : memref<3x1024x16xf32, #tpu.memory_space<vmem>> -> memref<1x1024x16xf32, #tpu.memory_space<vmem>>
    %dma_wait3A_298 = tpu.memref_squeeze %dma_wait3A_297 : memref<1x1024x16xf32, #tpu.memory_space<vmem>> -> memref<1024x16xf32, #tpu.memory_space<vmem>>
    tpu.wait_dma2 semaphore(%dma_wait3A_292 : memref<!tpu.dma_semaphore, #tpu.memory_space<semaphore_mem>>) src(%dma_wait3A_298 : memref<1024x16xf32, #tpu.memory_space<vmem>>) dst(%dma_wait3A_294 : memref<1024x16xf32, #tpu.memory_space<hbm>>)
    %dma_start3A_299 = arith.constant 0 : i32
    %dma_start3A_300 = arith.constant 0 : i32
    %dma_start3A_301 = arith.constant 0 : i32
    %dma_start3A_302 = arith.constant 0 : i32
    %dma_start3A_303 = tpu.memref_slice %arg14[%dma_start3A_299, %dma_start3A_301, %dma_start3A_302] : memref<3x1024x16xf32, #tpu.memory_space<vmem>> -> memref<1x1024x16xf32, #tpu.memory_space<vmem>>
    %dma_start3A_304 = tpu.memref_squeeze %dma_start3A_303 : memref<1x1024x16xf32, #tpu.memory_space<vmem>> -> memref<1024x16xf32, #tpu.memory_space<vmem>>
    %dma_start3A_305 = arith.constant 6144 : i32
    %dma_start3A_306 = tpu.memref_slice %arg11[%dma_start3A_305] : memref<13312xi32, #tpu.memory_space<vmem>> -> memref<1024xi32, #tpu.memory_space<vmem>>
    %dma_start3A_307 = arith.constant 0 : i32
    %dma_start3A_308 = arith.constant 0 : i32
    %dma_start3A_309 = tpu.memref_slice %arg7[%dma_start3A_307, %dma_start3A_308] : memref<2662400x16xf32, #tpu.memory_space<hbm>> -> memref<2662400x16xf32, #tpu.memory_space<hbm>>
    %dma_start3A_310 = tpu.memref_slice %arg19[%dma_start3A_300] : memref<3x!tpu.dma_semaphore, #tpu.memory_space<semaphore_mem>> -> memref<1x!tpu.dma_semaphore, #tpu.memory_space<semaphore_mem>>
    %dma_start3A_311 = tpu.memref_squeeze %dma_start3A_310 : memref<1x!tpu.dma_semaphore, #tpu.memory_space<semaphore_mem>> -> memref<!tpu.dma_semaphore, #tpu.memory_space<semaphore_mem>>
    tpu.enqueue_indirect_dma source(%dma_start3A_309 : memref<2662400x16xf32, #tpu.memory_space<hbm>>) target(%dma_start3A_304 : memref<1024x16xf32, #tpu.memory_space<vmem>>) offsets(%dma_start3A_306 : memref<1024xi32, #tpu.memory_space<vmem>>) semaphore(%dma_start3A_311 : memref<!tpu.dma_semaphore, #tpu.memory_space<semaphore_mem>>)
    %dma_wait3A_312 = arith.constant 1 : i32
    %dma_wait3A_313 = arith.constant 1 : i32
    %dma_wait3A_314 = arith.constant 0 : i32
    %dma_wait3A_315 = arith.constant 0 : i32
    %dma_wait3A_316 = tpu.memref_slice %arg14[%dma_wait3A_312, %dma_wait3A_314, %dma_wait3A_315] : memref<3x1024x16xf32, #tpu.memory_space<vmem>> -> memref<1x1024x16xf32, #tpu.memory_space<vmem>>
    %dma_wait3A_317 = tpu.memref_squeeze %dma_wait3A_316 : memref<1x1024x16xf32, #tpu.memory_space<vmem>> -> memref<1024x16xf32, #tpu.memory_space<vmem>>
    %dma_wait3A_318 = arith.constant 4096 : i32
    %dma_wait3A_319 = tpu.memref_slice %arg11[%dma_wait3A_318] : memref<13312xi32, #tpu.memory_space<vmem>> -> memref<1024xi32, #tpu.memory_space<vmem>>
    %dma_wait3A_320 = arith.constant 0 : i32
    %dma_wait3A_321 = arith.constant 0 : i32
    %dma_wait3A_322 = tpu.memref_slice %arg7[%dma_wait3A_320, %dma_wait3A_321] : memref<2662400x16xf32, #tpu.memory_space<hbm>> -> memref<2662400x16xf32, #tpu.memory_space<hbm>>
    %dma_wait3A_323 = tpu.memref_slice %arg19[%dma_wait3A_313] : memref<3x!tpu.dma_semaphore, #tpu.memory_space<semaphore_mem>> -> memref<1x!tpu.dma_semaphore, #tpu.memory_space<semaphore_mem>>
    %dma_wait3A_324 = tpu.memref_squeeze %dma_wait3A_323 : memref<1x!tpu.dma_semaphore, #tpu.memory_space<semaphore_mem>> -> memref<!tpu.dma_semaphore, #tpu.memory_space<semaphore_mem>>
    tpu.wait_indirect_dma semaphore(%dma_wait3A_324 : memref<!tpu.dma_semaphore, #tpu.memory_space<semaphore_mem>>) src(%dma_wait3A_322 : memref<2662400x16xf32, #tpu.memory_space<hbm>>) dst(%dma_wait3A_317 : memref<1024x16xf32, #tpu.memory_space<vmem>>)
    %add3A_325 = arith.constant 32768 : i32
    %add3A_326 = arith.addi %add3A_325, %mul3A_4 : i32
    %add3A_327 = arith.constant 4096 : i32
    %add3A_328 = arith.addi %add3A_326, %add3A_327 : i32
    %dma_start3A_329 = arith.constant 1 : i32
    %dma_start3A_330 = arith.constant 1 : i32
    %dma_start3A_331 = arith.constant 0 : i32
    %dma_start3A_332 = arith.constant 0 : i32
    %dma_start3A_333 = tpu.memref_slice %arg14[%dma_start3A_329, %dma_start3A_331, %dma_start3A_332] : memref<3x1024x16xf32, #tpu.memory_space<vmem>> -> memref<1x1024x16xf32, #tpu.memory_space<vmem>>
    %dma_start3A_334 = tpu.memref_squeeze %dma_start3A_333 : memref<1x1024x16xf32, #tpu.memory_space<vmem>> -> memref<1024x16xf32, #tpu.memory_space<vmem>>
    %dma_start3A_335 = arith.constant 0 : i32
    %dma_start3A_336 = tpu.memref_slice %arg8[%add3A_328, %dma_start3A_335] : memref<458752x16xf32, #tpu.memory_space<hbm>> -> memref<1024x16xf32, #tpu.memory_space<hbm>>
    %dma_start3A_337 = tpu.memref_slice %arg20[%dma_start3A_330] : memref<3x!tpu.dma_semaphore, #tpu.memory_space<semaphore_mem>> -> memref<1x!tpu.dma_semaphore, #tpu.memory_space<semaphore_mem>>
    %dma_start3A_338 = tpu.memref_squeeze %dma_start3A_337 : memref<1x!tpu.dma_semaphore, #tpu.memory_space<semaphore_mem>> -> memref<!tpu.dma_semaphore, #tpu.memory_space<semaphore_mem>>
    %dma_start3A_339 = arith.constant 0 : i32
    %dma_start3A_340 = tpu.memref_slice %arg8[%add3A_328, %dma_start3A_339] : memref<458752x16xf32, #tpu.memory_space<hbm>> -> memref<1024x16xf32, #tpu.memory_space<hbm>>
    %dma_start3A_341 = arith.constant 0 : i32
    %dma_start3A_342 = arith.constant 0 : i32
    %dma_start3A_343 = tpu.memref_slice %arg14[%dma_start3A_329, %dma_start3A_341, %dma_start3A_342] : memref<3x1024x16xf32, #tpu.memory_space<vmem>> -> memref<1x1024x16xf32, #tpu.memory_space<vmem>>
    %dma_start3A_344 = tpu.memref_squeeze %dma_start3A_343 : memref<1x1024x16xf32, #tpu.memory_space<vmem>> -> memref<1024x16xf32, #tpu.memory_space<vmem>>
    tpu.enqueue_dma source(%dma_start3A_344 : memref<1024x16xf32, #tpu.memory_space<vmem>>) target(%dma_start3A_340 : memref<1024x16xf32, #tpu.memory_space<hbm>>) target_semaphore(%dma_start3A_338 : memref<!tpu.dma_semaphore, #tpu.memory_space<semaphore_mem>>)
    %dma_wait3A_345 = arith.constant 1 : i32
    %dma_wait3A_346 = arith.constant 1 : i32
    %dma_wait3A_347 = arith.constant 0 : i32
    %dma_wait3A_348 = arith.constant 0 : i32
    %dma_wait3A_349 = tpu.memref_slice %arg14[%dma_wait3A_345, %dma_wait3A_347, %dma_wait3A_348] : memref<3x1024x16xf32, #tpu.memory_space<vmem>> -> memref<1x1024x16xf32, #tpu.memory_space<vmem>>
    %dma_wait3A_350 = tpu.memref_squeeze %dma_wait3A_349 : memref<1x1024x16xf32, #tpu.memory_space<vmem>> -> memref<1024x16xf32, #tpu.memory_space<vmem>>
    %dma_wait3A_351 = arith.constant 0 : i32
    %dma_wait3A_352 = tpu.memref_slice %arg8[%add3A_328, %dma_wait3A_351] : memref<458752x16xf32, #tpu.memory_space<hbm>> -> memref<1024x16xf32, #tpu.memory_space<hbm>>
    %dma_wait3A_353 = tpu.memref_slice %arg20[%dma_wait3A_346] : memref<3x!tpu.dma_semaphore, #tpu.memory_space<semaphore_mem>> -> memref<1x!tpu.dma_semaphore, #tpu.memory_space<semaphore_mem>>
    %dma_wait3A_354 = tpu.memref_squeeze %dma_wait3A_353 : memref<1x!tpu.dma_semaphore, #tpu.memory_space<semaphore_mem>> -> memref<!tpu.dma_semaphore, #tpu.memory_space<semaphore_mem>>
    %dma_wait3A_355 = arith.constant 0 : i32
    %dma_wait3A_356 = tpu.memref_slice %arg8[%add3A_328, %dma_wait3A_355] : memref<458752x16xf32, #tpu.memory_space<hbm>> -> memref<1024x16xf32, #tpu.memory_space<hbm>>
    %dma_wait3A_357 = arith.constant 0 : i32
    %dma_wait3A_358 = arith.constant 0 : i32
    %dma_wait3A_359 = tpu.memref_slice %arg14[%dma_wait3A_345, %dma_wait3A_357, %dma_wait3A_358] : memref<3x1024x16xf32, #tpu.memory_space<vmem>> -> memref<1x1024x16xf32, #tpu.memory_space<vmem>>
    %dma_wait3A_360 = tpu.memref_squeeze %dma_wait3A_359 : memref<1x1024x16xf32, #tpu.memory_space<vmem>> -> memref<1024x16xf32, #tpu.memory_space<vmem>>
    tpu.wait_dma2 semaphore(%dma_wait3A_354 : memref<!tpu.dma_semaphore, #tpu.memory_space<semaphore_mem>>) src(%dma_wait3A_360 : memref<1024x16xf32, #tpu.memory_space<vmem>>) dst(%dma_wait3A_356 : memref<1024x16xf32, #tpu.memory_space<hbm>>)
    %dma_start3A_361 = arith.constant 1 : i32
    %dma_start3A_362 = arith.constant 1 : i32
    %dma_start3A_363 = arith.constant 0 : i32
    %dma_start3A_364 = arith.constant 0 : i32
    %dma_start3A_365 = tpu.memref_slice %arg14[%dma_start3A_361, %dma_start3A_363, %dma_start3A_364] : memref<3x1024x16xf32, #tpu.memory_space<vmem>> -> memref<1x1024x16xf32, #tpu.memory_space<vmem>>
    %dma_start3A_366 = tpu.memref_squeeze %dma_start3A_365 : memref<1x1024x16xf32, #tpu.memory_space<vmem>> -> memref<1024x16xf32, #tpu.memory_space<vmem>>
    %dma_start3A_367 = arith.constant 7168 : i32
    %dma_start3A_368 = tpu.memref_slice %arg11[%dma_start3A_367] : memref<13312xi32, #tpu.memory_space<vmem>> -> memref<1024xi32, #tpu.memory_space<vmem>>
    %dma_start3A_369 = arith.constant 0 : i32
    %dma_start3A_370 = arith.constant 0 : i32
    %dma_start3A_371 = tpu.memref_slice %arg7[%dma_start3A_369, %dma_start3A_370] : memref<2662400x16xf32, #tpu.memory_space<hbm>> -> memref<2662400x16xf32, #tpu.memory_space<hbm>>
    %dma_start3A_372 = tpu.memref_slice %arg19[%dma_start3A_362] : memref<3x!tpu.dma_semaphore, #tpu.memory_space<semaphore_mem>> -> memref<1x!tpu.dma_semaphore, #tpu.memory_space<semaphore_mem>>
    %dma_start3A_373 = tpu.memref_squeeze %dma_start3A_372 : memref<1x!tpu.dma_semaphore, #tpu.memory_space<semaphore_mem>> -> memref<!tpu.dma_semaphore, #tpu.memory_space<semaphore_mem>>
    tpu.enqueue_indirect_dma source(%dma_start3A_371 : memref<2662400x16xf32, #tpu.memory_space<hbm>>) target(%dma_start3A_366 : memref<1024x16xf32, #tpu.memory_space<vmem>>) offsets(%dma_start3A_368 : memref<1024xi32, #tpu.memory_space<vmem>>) semaphore(%dma_start3A_373 : memref<!tpu.dma_semaphore, #tpu.memory_space<semaphore_mem>>)
    %dma_wait3A_374 = arith.constant 2 : i32
    %dma_wait3A_375 = arith.constant 2 : i32
    %dma_wait3A_376 = arith.constant 0 : i32
    %dma_wait3A_377 = arith.constant 0 : i32
    %dma_wait3A_378 = tpu.memref_slice %arg14[%dma_wait3A_374, %dma_wait3A_376, %dma_wait3A_377] : memref<3x1024x16xf32, #tpu.memory_space<vmem>> -> memref<1x1024x16xf32, #tpu.memory_space<vmem>>
    %dma_wait3A_379 = tpu.memref_squeeze %dma_wait3A_378 : memref<1x1024x16xf32, #tpu.memory_space<vmem>> -> memref<1024x16xf32, #tpu.memory_space<vmem>>
    %dma_wait3A_380 = arith.constant 5120 : i32
    %dma_wait3A_381 = tpu.memref_slice %arg11[%dma_wait3A_380] : memref<13312xi32, #tpu.memory_space<vmem>> -> memref<1024xi32, #tpu.memory_space<vmem>>
    %dma_wait3A_382 = arith.constant 0 : i32
    %dma_wait3A_383 = arith.constant 0 : i32
    %dma_wait3A_384 = tpu.memref_slice %arg7[%dma_wait3A_382, %dma_wait3A_383] : memref<2662400x16xf32, #tpu.memory_space<hbm>> -> memref<2662400x16xf32, #tpu.memory_space<hbm>>
    %dma_wait3A_385 = tpu.memref_slice %arg19[%dma_wait3A_375] : memref<3x!tpu.dma_semaphore, #tpu.memory_space<semaphore_mem>> -> memref<1x!tpu.dma_semaphore, #tpu.memory_space<semaphore_mem>>
    %dma_wait3A_386 = tpu.memref_squeeze %dma_wait3A_385 : memref<1x!tpu.dma_semaphore, #tpu.memory_space<semaphore_mem>> -> memref<!tpu.dma_semaphore, #tpu.memory_space<semaphore_mem>>
    tpu.wait_indirect_dma semaphore(%dma_wait3A_386 : memref<!tpu.dma_semaphore, #tpu.memory_space<semaphore_mem>>) src(%dma_wait3A_384 : memref<2662400x16xf32, #tpu.memory_space<hbm>>) dst(%dma_wait3A_379 : memref<1024x16xf32, #tpu.memory_space<vmem>>)
    %add3A_387 = arith.constant 32768 : i32
    %add3A_388 = arith.addi %add3A_387, %mul3A_4 : i32
    %add3A_389 = arith.constant 5120 : i32
    %add3A_390 = arith.addi %add3A_388, %add3A_389 : i32
    %dma_start3A_391 = arith.constant 2 : i32
    %dma_start3A_392 = arith.constant 2 : i32
    %dma_start3A_393 = arith.constant 0 : i32
    %dma_start3A_394 = arith.constant 0 : i32
    %dma_start3A_395 = tpu.memref_slice %arg14[%dma_start3A_391, %dma_start3A_393, %dma_start3A_394] : memref<3x1024x16xf32, #tpu.memory_space<vmem>> -> memref<1x1024x16xf32, #tpu.memory_space<vmem>>
    %dma_start3A_396 = tpu.memref_squeeze %dma_start3A_395 : memref<1x1024x16xf32, #tpu.memory_space<vmem>> -> memref<1024x16xf32, #tpu.memory_space<vmem>>
    %dma_start3A_397 = arith.constant 0 : i32
    %dma_start3A_398 = tpu.memref_slice %arg8[%add3A_390, %dma_start3A_397] : memref<458752x16xf32, #tpu.memory_space<hbm>> -> memref<1024x16xf32, #tpu.memory_space<hbm>>
    %dma_start3A_399 = tpu.memref_slice %arg20[%dma_start3A_392] : memref<3x!tpu.dma_semaphore, #tpu.memory_space<semaphore_mem>> -> memref<1x!tpu.dma_semaphore, #tpu.memory_space<semaphore_mem>>
    %dma_start3A_400 = tpu.memref_squeeze %dma_start3A_399 : memref<1x!tpu.dma_semaphore, #tpu.memory_space<semaphore_mem>> -> memref<!tpu.dma_semaphore, #tpu.memory_space<semaphore_mem>>
    %dma_start3A_401 = arith.constant 0 : i32
    %dma_start3A_402 = tpu.memref_slice %arg8[%add3A_390, %dma_start3A_401] : memref<458752x16xf32, #tpu.memory_space<hbm>> -> memref<1024x16xf32, #tpu.memory_space<hbm>>
    %dma_start3A_403 = arith.constant 0 : i32
    %dma_start3A_404 = arith.constant 0 : i32
    %dma_start3A_405 = tpu.memref_slice %arg14[%dma_start3A_391, %dma_start3A_403, %dma_start3A_404] : memref<3x1024x16xf32, #tpu.memory_space<vmem>> -> memref<1x1024x16xf32, #tpu.memory_space<vmem>>
    %dma_start3A_406 = tpu.memref_squeeze %dma_start3A_405 : memref<1x1024x16xf32, #tpu.memory_space<vmem>> -> memref<1024x16xf32, #tpu.memory_space<vmem>>
    tpu.enqueue_dma source(%dma_start3A_406 : memref<1024x16xf32, #tpu.memory_space<vmem>>) target(%dma_start3A_402 : memref<1024x16xf32, #tpu.memory_space<hbm>>) target_semaphore(%dma_start3A_400 : memref<!tpu.dma_semaphore, #tpu.memory_space<semaphore_mem>>)
    %dma_wait3A_407 = arith.constant 2 : i32
    %dma_wait3A_408 = arith.constant 2 : i32
    %dma_wait3A_409 = arith.constant 0 : i32
    %dma_wait3A_410 = arith.constant 0 : i32
    %dma_wait3A_411 = tpu.memref_slice %arg14[%dma_wait3A_407, %dma_wait3A_409, %dma_wait3A_410] : memref<3x1024x16xf32, #tpu.memory_space<vmem>> -> memref<1x1024x16xf32, #tpu.memory_space<vmem>>
    %dma_wait3A_412 = tpu.memref_squeeze %dma_wait3A_411 : memref<1x1024x16xf32, #tpu.memory_space<vmem>> -> memref<1024x16xf32, #tpu.memory_space<vmem>>
    %dma_wait3A_413 = arith.constant 0 : i32
    %dma_wait3A_414 = tpu.memref_slice %arg8[%add3A_390, %dma_wait3A_413] : memref<458752x16xf32, #tpu.memory_space<hbm>> -> memref<1024x16xf32, #tpu.memory_space<hbm>>
    %dma_wait3A_415 = tpu.memref_slice %arg20[%dma_wait3A_408] : memref<3x!tpu.dma_semaphore, #tpu.memory_space<semaphore_mem>> -> memref<1x!tpu.dma_semaphore, #tpu.memory_space<semaphore_mem>>
    %dma_wait3A_416 = tpu.memref_squeeze %dma_wait3A_415 : memref<1x!tpu.dma_semaphore, #tpu.memory_space<semaphore_mem>> -> memref<!tpu.dma_semaphore, #tpu.memory_space<semaphore_mem>>
    %dma_wait3A_417 = arith.constant 0 : i32
    %dma_wait3A_418 = tpu.memref_slice %arg8[%add3A_390, %dma_wait3A_417] : memref<458752x16xf32, #tpu.memory_space<hbm>> -> memref<1024x16xf32, #tpu.memory_space<hbm>>
    %dma_wait3A_419 = arith.constant 0 : i32
    %dma_wait3A_420 = arith.constant 0 : i32
    %dma_wait3A_421 = tpu.memref_slice %arg14[%dma_wait3A_407, %dma_wait3A_419, %dma_wait3A_420] : memref<3x1024x16xf32, #tpu.memory_space<vmem>> -> memref<1x1024x16xf32, #tpu.memory_space<vmem>>
    %dma_wait3A_422 = tpu.memref_squeeze %dma_wait3A_421 : memref<1x1024x16xf32, #tpu.memory_space<vmem>> -> memref<1024x16xf32, #tpu.memory_space<vmem>>
    tpu.wait_dma2 semaphore(%dma_wait3A_416 : memref<!tpu.dma_semaphore, #tpu.memory_space<semaphore_mem>>) src(%dma_wait3A_422 : memref<1024x16xf32, #tpu.memory_space<vmem>>) dst(%dma_wait3A_418 : memref<1024x16xf32, #tpu.memory_space<hbm>>)
    %dma_start3A_423 = arith.constant 2 : i32
    %dma_start3A_424 = arith.constant 2 : i32
    %dma_start3A_425 = arith.constant 0 : i32
    %dma_start3A_426 = arith.constant 0 : i32
    %dma_start3A_427 = tpu.memref_slice %arg14[%dma_start3A_423, %dma_start3A_425, %dma_start3A_426] : memref<3x1024x16xf32, #tpu.memory_space<vmem>> -> memref<1x1024x16xf32, #tpu.memory_space<vmem>>
    %dma_start3A_428 = tpu.memref_squeeze %dma_start3A_427 : memref<1x1024x16xf32, #tpu.memory_space<vmem>> -> memref<1024x16xf32, #tpu.memory_space<vmem>>
    %dma_start3A_429 = arith.constant 8192 : i32
    %dma_start3A_430 = tpu.memref_slice %arg11[%dma_start3A_429] : memref<13312xi32, #tpu.memory_space<vmem>> -> memref<1024xi32, #tpu.memory_space<vmem>>
    %dma_start3A_431 = arith.constant 0 : i32
    %dma_start3A_432 = arith.constant 0 : i32
    %dma_start3A_433 = tpu.memref_slice %arg7[%dma_start3A_431, %dma_start3A_432] : memref<2662400x16xf32, #tpu.memory_space<hbm>> -> memref<2662400x16xf32, #tpu.memory_space<hbm>>
    %dma_start3A_434 = tpu.memref_slice %arg19[%dma_start3A_424] : memref<3x!tpu.dma_semaphore, #tpu.memory_space<semaphore_mem>> -> memref<1x!tpu.dma_semaphore, #tpu.memory_space<semaphore_mem>>
    %dma_start3A_435 = tpu.memref_squeeze %dma_start3A_434 : memref<1x!tpu.dma_semaphore, #tpu.memory_space<semaphore_mem>> -> memref<!tpu.dma_semaphore, #tpu.memory_space<semaphore_mem>>
    tpu.enqueue_indirect_dma source(%dma_start3A_433 : memref<2662400x16xf32, #tpu.memory_space<hbm>>) target(%dma_start3A_428 : memref<1024x16xf32, #tpu.memory_space<vmem>>) offsets(%dma_start3A_430 : memref<1024xi32, #tpu.memory_space<vmem>>) semaphore(%dma_start3A_435 : memref<!tpu.dma_semaphore, #tpu.memory_space<semaphore_mem>>)
    %dma_wait3A_436 = arith.constant 0 : i32
    %dma_wait3A_437 = arith.constant 0 : i32
    %dma_wait3A_438 = arith.constant 0 : i32
    %dma_wait3A_439 = arith.constant 0 : i32
    %dma_wait3A_440 = tpu.memref_slice %arg14[%dma_wait3A_436, %dma_wait3A_438, %dma_wait3A_439] : memref<3x1024x16xf32, #tpu.memory_space<vmem>> -> memref<1x1024x16xf32, #tpu.memory_space<vmem>>
    %dma_wait3A_441 = tpu.memref_squeeze %dma_wait3A_440 : memref<1x1024x16xf32, #tpu.memory_space<vmem>> -> memref<1024x16xf32, #tpu.memory_space<vmem>>
    %dma_wait3A_442 = arith.constant 6144 : i32
    %dma_wait3A_443 = tpu.memref_slice %arg11[%dma_wait3A_442] : memref<13312xi32, #tpu.memory_space<vmem>> -> memref<1024xi32, #tpu.memory_space<vmem>>
    %dma_wait3A_444 = arith.constant 0 : i32
    %dma_wait3A_445 = arith.constant 0 : i32
    %dma_wait3A_446 = tpu.memref_slice %arg7[%dma_wait3A_444, %dma_wait3A_445] : memref<2662400x16xf32, #tpu.memory_space<hbm>> -> memref<2662400x16xf32, #tpu.memory_space<hbm>>
    %dma_wait3A_447 = tpu.memref_slice %arg19[%dma_wait3A_437] : memref<3x!tpu.dma_semaphore, #tpu.memory_space<semaphore_mem>> -> memref<1x!tpu.dma_semaphore, #tpu.memory_space<semaphore_mem>>
    %dma_wait3A_448 = tpu.memref_squeeze %dma_wait3A_447 : memref<1x!tpu.dma_semaphore, #tpu.memory_space<semaphore_mem>> -> memref<!tpu.dma_semaphore, #tpu.memory_space<semaphore_mem>>
    tpu.wait_indirect_dma semaphore(%dma_wait3A_448 : memref<!tpu.dma_semaphore, #tpu.memory_space<semaphore_mem>>) src(%dma_wait3A_446 : memref<2662400x16xf32, #tpu.memory_space<hbm>>) dst(%dma_wait3A_441 : memref<1024x16xf32, #tpu.memory_space<vmem>>)
    %add3A_449 = arith.constant 32768 : i32
    %add3A_450 = arith.addi %add3A_449, %mul3A_4 : i32
    %add3A_451 = arith.constant 6144 : i32
    %add3A_452 = arith.addi %add3A_450, %add3A_451 : i32
    %dma_start3A_453 = arith.constant 0 : i32
    %dma_start3A_454 = arith.constant 0 : i32
    %dma_start3A_455 = arith.constant 0 : i32
    %dma_start3A_456 = arith.constant 0 : i32
    %dma_start3A_457 = tpu.memref_slice %arg14[%dma_start3A_453, %dma_start3A_455, %dma_start3A_456] : memref<3x1024x16xf32, #tpu.memory_space<vmem>> -> memref<1x1024x16xf32, #tpu.memory_space<vmem>>
    %dma_start3A_458 = tpu.memref_squeeze %dma_start3A_457 : memref<1x1024x16xf32, #tpu.memory_space<vmem>> -> memref<1024x16xf32, #tpu.memory_space<vmem>>
    %dma_start3A_459 = arith.constant 0 : i32
    %dma_start3A_460 = tpu.memref_slice %arg8[%add3A_452, %dma_start3A_459] : memref<458752x16xf32, #tpu.memory_space<hbm>> -> memref<1024x16xf32, #tpu.memory_space<hbm>>
    %dma_start3A_461 = tpu.memref_slice %arg20[%dma_start3A_454] : memref<3x!tpu.dma_semaphore, #tpu.memory_space<semaphore_mem>> -> memref<1x!tpu.dma_semaphore, #tpu.memory_space<semaphore_mem>>
    %dma_start3A_462 = tpu.memref_squeeze %dma_start3A_461 : memref<1x!tpu.dma_semaphore, #tpu.memory_space<semaphore_mem>> -> memref<!tpu.dma_semaphore, #tpu.memory_space<semaphore_mem>>
    %dma_start3A_463 = arith.constant 0 : i32
    %dma_start3A_464 = tpu.memref_slice %arg8[%add3A_452, %dma_start3A_463] : memref<458752x16xf32, #tpu.memory_space<hbm>> -> memref<1024x16xf32, #tpu.memory_space<hbm>>
    %dma_start3A_465 = arith.constant 0 : i32
    %dma_start3A_466 = arith.constant 0 : i32
    %dma_start3A_467 = tpu.memref_slice %arg14[%dma_start3A_453, %dma_start3A_465, %dma_start3A_466] : memref<3x1024x16xf32, #tpu.memory_space<vmem>> -> memref<1x1024x16xf32, #tpu.memory_space<vmem>>
    %dma_start3A_468 = tpu.memref_squeeze %dma_start3A_467 : memref<1x1024x16xf32, #tpu.memory_space<vmem>> -> memref<1024x16xf32, #tpu.memory_space<vmem>>
    tpu.enqueue_dma source(%dma_start3A_468 : memref<1024x16xf32, #tpu.memory_space<vmem>>) target(%dma_start3A_464 : memref<1024x16xf32, #tpu.memory_space<hbm>>) target_semaphore(%dma_start3A_462 : memref<!tpu.dma_semaphore, #tpu.memory_space<semaphore_mem>>)
    %dma_wait3A_469 = arith.constant 0 : i32
    %dma_wait3A_470 = arith.constant 0 : i32
    %dma_wait3A_471 = arith.constant 0 : i32
    %dma_wait3A_472 = arith.constant 0 : i32
    %dma_wait3A_473 = tpu.memref_slice %arg14[%dma_wait3A_469, %dma_wait3A_471, %dma_wait3A_472] : memref<3x1024x16xf32, #tpu.memory_space<vmem>> -> memref<1x1024x16xf32, #tpu.memory_space<vmem>>
    %dma_wait3A_474 = tpu.memref_squeeze %dma_wait3A_473 : memref<1x1024x16xf32, #tpu.memory_space<vmem>> -> memref<1024x16xf32, #tpu.memory_space<vmem>>
    %dma_wait3A_475 = arith.constant 0 : i32
    %dma_wait3A_476 = tpu.memref_slice %arg8[%add3A_452, %dma_wait3A_475] : memref<458752x16xf32, #tpu.memory_space<hbm>> -> memref<1024x16xf32, #tpu.memory_space<hbm>>
    %dma_wait3A_477 = tpu.memref_slice %arg20[%dma_wait3A_470] : memref<3x!tpu.dma_semaphore, #tpu.memory_space<semaphore_mem>> -> memref<1x!tpu.dma_semaphore, #tpu.memory_space<semaphore_mem>>
    %dma_wait3A_478 = tpu.memref_squeeze %dma_wait3A_477 : memref<1x!tpu.dma_semaphore, #tpu.memory_space<semaphore_mem>> -> memref<!tpu.dma_semaphore, #tpu.memory_space<semaphore_mem>>
    %dma_wait3A_479 = arith.constant 0 : i32
    %dma_wait3A_480 = tpu.memref_slice %arg8[%add3A_452, %dma_wait3A_479] : memref<458752x16xf32, #tpu.memory_space<hbm>> -> memref<1024x16xf32, #tpu.memory_space<hbm>>
    %dma_wait3A_481 = arith.constant 0 : i32
    %dma_wait3A_482 = arith.constant 0 : i32
    %dma_wait3A_483 = tpu.memref_slice %arg14[%dma_wait3A_469, %dma_wait3A_481, %dma_wait3A_482] : memref<3x1024x16xf32, #tpu.memory_space<vmem>> -> memref<1x1024x16xf32, #tpu.memory_space<vmem>>
    %dma_wait3A_484 = tpu.memref_squeeze %dma_wait3A_483 : memref<1x1024x16xf32, #tpu.memory_space<vmem>> -> memref<1024x16xf32, #tpu.memory_space<vmem>>
    tpu.wait_dma2 semaphore(%dma_wait3A_478 : memref<!tpu.dma_semaphore, #tpu.memory_space<semaphore_mem>>) src(%dma_wait3A_484 : memref<1024x16xf32, #tpu.memory_space<vmem>>) dst(%dma_wait3A_480 : memref<1024x16xf32, #tpu.memory_space<hbm>>)
    %dma_start3A_485 = arith.constant 0 : i32
    %dma_start3A_486 = arith.constant 0 : i32
    %dma_start3A_487 = arith.constant 0 : i32
    %dma_start3A_488 = arith.constant 0 : i32
    %dma_start3A_489 = tpu.memref_slice %arg14[%dma_start3A_485, %dma_start3A_487, %dma_start3A_488] : memref<3x1024x16xf32, #tpu.memory_space<vmem>> -> memref<1x1024x16xf32, #tpu.memory_space<vmem>>
    %dma_start3A_490 = tpu.memref_squeeze %dma_start3A_489 : memref<1x1024x16xf32, #tpu.memory_space<vmem>> -> memref<1024x16xf32, #tpu.memory_space<vmem>>
    %dma_start3A_491 = arith.constant 9216 : i32
    %dma_start3A_492 = tpu.memref_slice %arg11[%dma_start3A_491] : memref<13312xi32, #tpu.memory_space<vmem>> -> memref<1024xi32, #tpu.memory_space<vmem>>
    %dma_start3A_493 = arith.constant 0 : i32
    %dma_start3A_494 = arith.constant 0 : i32
    %dma_start3A_495 = tpu.memref_slice %arg7[%dma_start3A_493, %dma_start3A_494] : memref<2662400x16xf32, #tpu.memory_space<hbm>> -> memref<2662400x16xf32, #tpu.memory_space<hbm>>
    %dma_start3A_496 = tpu.memref_slice %arg19[%dma_start3A_486] : memref<3x!tpu.dma_semaphore, #tpu.memory_space<semaphore_mem>> -> memref<1x!tpu.dma_semaphore, #tpu.memory_space<semaphore_mem>>
    %dma_start3A_497 = tpu.memref_squeeze %dma_start3A_496 : memref<1x!tpu.dma_semaphore, #tpu.memory_space<semaphore_mem>> -> memref<!tpu.dma_semaphore, #tpu.memory_space<semaphore_mem>>
    tpu.enqueue_indirect_dma source(%dma_start3A_495 : memref<2662400x16xf32, #tpu.memory_space<hbm>>) target(%dma_start3A_490 : memref<1024x16xf32, #tpu.memory_space<vmem>>) offsets(%dma_start3A_492 : memref<1024xi32, #tpu.memory_space<vmem>>) semaphore(%dma_start3A_497 : memref<!tpu.dma_semaphore, #tpu.memory_space<semaphore_mem>>)
    %dma_wait3A_498 = arith.constant 1 : i32
    %dma_wait3A_499 = arith.constant 1 : i32
    %dma_wait3A_500 = arith.constant 0 : i32
    %dma_wait3A_501 = arith.constant 0 : i32
    %dma_wait3A_502 = tpu.memref_slice %arg14[%dma_wait3A_498, %dma_wait3A_500, %dma_wait3A_501] : memref<3x1024x16xf32, #tpu.memory_space<vmem>> -> memref<1x1024x16xf32, #tpu.memory_space<vmem>>
    %dma_wait3A_503 = tpu.memref_squeeze %dma_wait3A_502 : memref<1x1024x16xf32, #tpu.memory_space<vmem>> -> memref<1024x16xf32, #tpu.memory_space<vmem>>
    %dma_wait3A_504 = arith.constant 7168 : i32
    %dma_wait3A_505 = tpu.memref_slice %arg11[%dma_wait3A_504] : memref<13312xi32, #tpu.memory_space<vmem>> -> memref<1024xi32, #tpu.memory_space<vmem>>
    %dma_wait3A_506 = arith.constant 0 : i32
    %dma_wait3A_507 = arith.constant 0 : i32
    %dma_wait3A_508 = tpu.memref_slice %arg7[%dma_wait3A_506, %dma_wait3A_507] : memref<2662400x16xf32, #tpu.memory_space<hbm>> -> memref<2662400x16xf32, #tpu.memory_space<hbm>>
    %dma_wait3A_509 = tpu.memref_slice %arg19[%dma_wait3A_499] : memref<3x!tpu.dma_semaphore, #tpu.memory_space<semaphore_mem>> -> memref<1x!tpu.dma_semaphore, #tpu.memory_space<semaphore_mem>>
    %dma_wait3A_510 = tpu.memref_squeeze %dma_wait3A_509 : memref<1x!tpu.dma_semaphore, #tpu.memory_space<semaphore_mem>> -> memref<!tpu.dma_semaphore, #tpu.memory_space<semaphore_mem>>
    tpu.wait_indirect_dma semaphore(%dma_wait3A_510 : memref<!tpu.dma_semaphore, #tpu.memory_space<semaphore_mem>>) src(%dma_wait3A_508 : memref<2662400x16xf32, #tpu.memory_space<hbm>>) dst(%dma_wait3A_503 : memref<1024x16xf32, #tpu.memory_space<vmem>>)
    %add3A_511 = arith.constant 32768 : i32
    %add3A_512 = arith.addi %add3A_511, %mul3A_4 : i32
    %add3A_513 = arith.constant 7168 : i32
    %add3A_514 = arith.addi %add3A_512, %add3A_513 : i32
    %dma_start3A_515 = arith.constant 1 : i32
    %dma_start3A_516 = arith.constant 1 : i32
    %dma_start3A_517 = arith.constant 0 : i32
    %dma_start3A_518 = arith.constant 0 : i32
    %dma_start3A_519 = tpu.memref_slice %arg14[%dma_start3A_515, %dma_start3A_517, %dma_start3A_518] : memref<3x1024x16xf32, #tpu.memory_space<vmem>> -> memref<1x1024x16xf32, #tpu.memory_space<vmem>>
    %dma_start3A_520 = tpu.memref_squeeze %dma_start3A_519 : memref<1x1024x16xf32, #tpu.memory_space<vmem>> -> memref<1024x16xf32, #tpu.memory_space<vmem>>
    %dma_start3A_521 = arith.constant 0 : i32
    %dma_start3A_522 = tpu.memref_slice %arg8[%add3A_514, %dma_start3A_521] : memref<458752x16xf32, #tpu.memory_space<hbm>> -> memref<1024x16xf32, #tpu.memory_space<hbm>>
    %dma_start3A_523 = tpu.memref_slice %arg20[%dma_start3A_516] : memref<3x!tpu.dma_semaphore, #tpu.memory_space<semaphore_mem>> -> memref<1x!tpu.dma_semaphore, #tpu.memory_space<semaphore_mem>>
    %dma_start3A_524 = tpu.memref_squeeze %dma_start3A_523 : memref<1x!tpu.dma_semaphore, #tpu.memory_space<semaphore_mem>> -> memref<!tpu.dma_semaphore, #tpu.memory_space<semaphore_mem>>
    %dma_start3A_525 = arith.constant 0 : i32
    %dma_start3A_526 = tpu.memref_slice %arg8[%add3A_514, %dma_start3A_525] : memref<458752x16xf32, #tpu.memory_space<hbm>> -> memref<1024x16xf32, #tpu.memory_space<hbm>>
    %dma_start3A_527 = arith.constant 0 : i32
    %dma_start3A_528 = arith.constant 0 : i32
    %dma_start3A_529 = tpu.memref_slice %arg14[%dma_start3A_515, %dma_start3A_527, %dma_start3A_528] : memref<3x1024x16xf32, #tpu.memory_space<vmem>> -> memref<1x1024x16xf32, #tpu.memory_space<vmem>>
    %dma_start3A_530 = tpu.memref_squeeze %dma_start3A_529 : memref<1x1024x16xf32, #tpu.memory_space<vmem>> -> memref<1024x16xf32, #tpu.memory_space<vmem>>
    tpu.enqueue_dma source(%dma_start3A_530 : memref<1024x16xf32, #tpu.memory_space<vmem>>) target(%dma_start3A_526 : memref<1024x16xf32, #tpu.memory_space<hbm>>) target_semaphore(%dma_start3A_524 : memref<!tpu.dma_semaphore, #tpu.memory_space<semaphore_mem>>)
    %dma_wait3A_531 = arith.constant 1 : i32
    %dma_wait3A_532 = arith.constant 1 : i32
    %dma_wait3A_533 = arith.constant 0 : i32
    %dma_wait3A_534 = arith.constant 0 : i32
    %dma_wait3A_535 = tpu.memref_slice %arg14[%dma_wait3A_531, %dma_wait3A_533, %dma_wait3A_534] : memref<3x1024x16xf32, #tpu.memory_space<vmem>> -> memref<1x1024x16xf32, #tpu.memory_space<vmem>>
    %dma_wait3A_536 = tpu.memref_squeeze %dma_wait3A_535 : memref<1x1024x16xf32, #tpu.memory_space<vmem>> -> memref<1024x16xf32, #tpu.memory_space<vmem>>
    %dma_wait3A_537 = arith.constant 0 : i32
    %dma_wait3A_538 = tpu.memref_slice %arg8[%add3A_514, %dma_wait3A_537] : memref<458752x16xf32, #tpu.memory_space<hbm>> -> memref<1024x16xf32, #tpu.memory_space<hbm>>
    %dma_wait3A_539 = tpu.memref_slice %arg20[%dma_wait3A_532] : memref<3x!tpu.dma_semaphore, #tpu.memory_space<semaphore_mem>> -> memref<1x!tpu.dma_semaphore, #tpu.memory_space<semaphore_mem>>
    %dma_wait3A_540 = tpu.memref_squeeze %dma_wait3A_539 : memref<1x!tpu.dma_semaphore, #tpu.memory_space<semaphore_mem>> -> memref<!tpu.dma_semaphore, #tpu.memory_space<semaphore_mem>>
    %dma_wait3A_541 = arith.constant 0 : i32
    %dma_wait3A_542 = tpu.memref_slice %arg8[%add3A_514, %dma_wait3A_541] : memref<458752x16xf32, #tpu.memory_space<hbm>> -> memref<1024x16xf32, #tpu.memory_space<hbm>>
    %dma_wait3A_543 = arith.constant 0 : i32
    %dma_wait3A_544 = arith.constant 0 : i32
    %dma_wait3A_545 = tpu.memref_slice %arg14[%dma_wait3A_531, %dma_wait3A_543, %dma_wait3A_544] : memref<3x1024x16xf32, #tpu.memory_space<vmem>> -> memref<1x1024x16xf32, #tpu.memory_space<vmem>>
    %dma_wait3A_546 = tpu.memref_squeeze %dma_wait3A_545 : memref<1x1024x16xf32, #tpu.memory_space<vmem>> -> memref<1024x16xf32, #tpu.memory_space<vmem>>
    tpu.wait_dma2 semaphore(%dma_wait3A_540 : memref<!tpu.dma_semaphore, #tpu.memory_space<semaphore_mem>>) src(%dma_wait3A_546 : memref<1024x16xf32, #tpu.memory_space<vmem>>) dst(%dma_wait3A_542 : memref<1024x16xf32, #tpu.memory_space<hbm>>)
    %dma_start3A_547 = arith.constant 1 : i32
    %dma_start3A_548 = arith.constant 1 : i32
    %dma_start3A_549 = arith.constant 0 : i32
    %dma_start3A_550 = arith.constant 0 : i32
    %dma_start3A_551 = tpu.memref_slice %arg14[%dma_start3A_547, %dma_start3A_549, %dma_start3A_550] : memref<3x1024x16xf32, #tpu.memory_space<vmem>> -> memref<1x1024x16xf32, #tpu.memory_space<vmem>>
    %dma_start3A_552 = tpu.memref_squeeze %dma_start3A_551 : memref<1x1024x16xf32, #tpu.memory_space<vmem>> -> memref<1024x16xf32, #tpu.memory_space<vmem>>
    %dma_start3A_553 = arith.constant 10240 : i32
    %dma_start3A_554 = tpu.memref_slice %arg11[%dma_start3A_553] : memref<13312xi32, #tpu.memory_space<vmem>> -> memref<1024xi32, #tpu.memory_space<vmem>>
    %dma_start3A_555 = arith.constant 0 : i32
    %dma_start3A_556 = arith.constant 0 : i32
    %dma_start3A_557 = tpu.memref_slice %arg7[%dma_start3A_555, %dma_start3A_556] : memref<2662400x16xf32, #tpu.memory_space<hbm>> -> memref<2662400x16xf32, #tpu.memory_space<hbm>>
    %dma_start3A_558 = tpu.memref_slice %arg19[%dma_start3A_548] : memref<3x!tpu.dma_semaphore, #tpu.memory_space<semaphore_mem>> -> memref<1x!tpu.dma_semaphore, #tpu.memory_space<semaphore_mem>>
    %dma_start3A_559 = tpu.memref_squeeze %dma_start3A_558 : memref<1x!tpu.dma_semaphore, #tpu.memory_space<semaphore_mem>> -> memref<!tpu.dma_semaphore, #tpu.memory_space<semaphore_mem>>
    tpu.enqueue_indirect_dma source(%dma_start3A_557 : memref<2662400x16xf32, #tpu.memory_space<hbm>>) target(%dma_start3A_552 : memref<1024x16xf32, #tpu.memory_space<vmem>>) offsets(%dma_start3A_554 : memref<1024xi32, #tpu.memory_space<vmem>>) semaphore(%dma_start3A_559 : memref<!tpu.dma_semaphore, #tpu.memory_space<semaphore_mem>>)
    %dma_wait3A_560 = arith.constant 2 : i32
    %dma_wait3A_561 = arith.constant 2 : i32
    %dma_wait3A_562 = arith.constant 0 : i32
    %dma_wait3A_563 = arith.constant 0 : i32
    %dma_wait3A_564 = tpu.memref_slice %arg14[%dma_wait3A_560, %dma_wait3A_562, %dma_wait3A_563] : memref<3x1024x16xf32, #tpu.memory_space<vmem>> -> memref<1x1024x16xf32, #tpu.memory_space<vmem>>
    %dma_wait3A_565 = tpu.memref_squeeze %dma_wait3A_564 : memref<1x1024x16xf32, #tpu.memory_space<vmem>> -> memref<1024x16xf32, #tpu.memory_space<vmem>>
    %dma_wait3A_566 = arith.constant 8192 : i32
    %dma_wait3A_567 = tpu.memref_slice %arg11[%dma_wait3A_566] : memref<13312xi32, #tpu.memory_space<vmem>> -> memref<1024xi32, #tpu.memory_space<vmem>>
    %dma_wait3A_568 = arith.constant 0 : i32
    %dma_wait3A_569 = arith.constant 0 : i32
    %dma_wait3A_570 = tpu.memref_slice %arg7[%dma_wait3A_568, %dma_wait3A_569] : memref<2662400x16xf32, #tpu.memory_space<hbm>> -> memref<2662400x16xf32, #tpu.memory_space<hbm>>
    %dma_wait3A_571 = tpu.memref_slice %arg19[%dma_wait3A_561] : memref<3x!tpu.dma_semaphore, #tpu.memory_space<semaphore_mem>> -> memref<1x!tpu.dma_semaphore, #tpu.memory_space<semaphore_mem>>
    %dma_wait3A_572 = tpu.memref_squeeze %dma_wait3A_571 : memref<1x!tpu.dma_semaphore, #tpu.memory_space<semaphore_mem>> -> memref<!tpu.dma_semaphore, #tpu.memory_space<semaphore_mem>>
    tpu.wait_indirect_dma semaphore(%dma_wait3A_572 : memref<!tpu.dma_semaphore, #tpu.memory_space<semaphore_mem>>) src(%dma_wait3A_570 : memref<2662400x16xf32, #tpu.memory_space<hbm>>) dst(%dma_wait3A_565 : memref<1024x16xf32, #tpu.memory_space<vmem>>)
    %add3A_573 = arith.constant 32768 : i32
    %add3A_574 = arith.addi %add3A_573, %mul3A_4 : i32
    %add3A_575 = arith.constant 8192 : i32
    %add3A_576 = arith.addi %add3A_574, %add3A_575 : i32
    %dma_start3A_577 = arith.constant 2 : i32
    %dma_start3A_578 = arith.constant 2 : i32
    %dma_start3A_579 = arith.constant 0 : i32
    %dma_start3A_580 = arith.constant 0 : i32
    %dma_start3A_581 = tpu.memref_slice %arg14[%dma_start3A_577, %dma_start3A_579, %dma_start3A_580] : memref<3x1024x16xf32, #tpu.memory_space<vmem>> -> memref<1x1024x16xf32, #tpu.memory_space<vmem>>
    %dma_start3A_582 = tpu.memref_squeeze %dma_start3A_581 : memref<1x1024x16xf32, #tpu.memory_space<vmem>> -> memref<1024x16xf32, #tpu.memory_space<vmem>>
    %dma_start3A_583 = arith.constant 0 : i32
    %dma_start3A_584 = tpu.memref_slice %arg8[%add3A_576, %dma_start3A_583] : memref<458752x16xf32, #tpu.memory_space<hbm>> -> memref<1024x16xf32, #tpu.memory_space<hbm>>
    %dma_start3A_585 = tpu.memref_slice %arg20[%dma_start3A_578] : memref<3x!tpu.dma_semaphore, #tpu.memory_space<semaphore_mem>> -> memref<1x!tpu.dma_semaphore, #tpu.memory_space<semaphore_mem>>
    %dma_start3A_586 = tpu.memref_squeeze %dma_start3A_585 : memref<1x!tpu.dma_semaphore, #tpu.memory_space<semaphore_mem>> -> memref<!tpu.dma_semaphore, #tpu.memory_space<semaphore_mem>>
    %dma_start3A_587 = arith.constant 0 : i32
    %dma_start3A_588 = tpu.memref_slice %arg8[%add3A_576, %dma_start3A_587] : memref<458752x16xf32, #tpu.memory_space<hbm>> -> memref<1024x16xf32, #tpu.memory_space<hbm>>
    %dma_start3A_589 = arith.constant 0 : i32
    %dma_start3A_590 = arith.constant 0 : i32
    %dma_start3A_591 = tpu.memref_slice %arg14[%dma_start3A_577, %dma_start3A_589, %dma_start3A_590] : memref<3x1024x16xf32, #tpu.memory_space<vmem>> -> memref<1x1024x16xf32, #tpu.memory_space<vmem>>
    %dma_start3A_592 = tpu.memref_squeeze %dma_start3A_591 : memref<1x1024x16xf32, #tpu.memory_space<vmem>> -> memref<1024x16xf32, #tpu.memory_space<vmem>>
    tpu.enqueue_dma source(%dma_start3A_592 : memref<1024x16xf32, #tpu.memory_space<vmem>>) target(%dma_start3A_588 : memref<1024x16xf32, #tpu.memory_space<hbm>>) target_semaphore(%dma_start3A_586 : memref<!tpu.dma_semaphore, #tpu.memory_space<semaphore_mem>>)
    %dma_wait3A_593 = arith.constant 2 : i32
    %dma_wait3A_594 = arith.constant 2 : i32
    %dma_wait3A_595 = arith.constant 0 : i32
    %dma_wait3A_596 = arith.constant 0 : i32
    %dma_wait3A_597 = tpu.memref_slice %arg14[%dma_wait3A_593, %dma_wait3A_595, %dma_wait3A_596] : memref<3x1024x16xf32, #tpu.memory_space<vmem>> -> memref<1x1024x16xf32, #tpu.memory_space<vmem>>
    %dma_wait3A_598 = tpu.memref_squeeze %dma_wait3A_597 : memref<1x1024x16xf32, #tpu.memory_space<vmem>> -> memref<1024x16xf32, #tpu.memory_space<vmem>>
    %dma_wait3A_599 = arith.constant 0 : i32
    %dma_wait3A_600 = tpu.memref_slice %arg8[%add3A_576, %dma_wait3A_599] : memref<458752x16xf32, #tpu.memory_space<hbm>> -> memref<1024x16xf32, #tpu.memory_space<hbm>>
    %dma_wait3A_601 = tpu.memref_slice %arg20[%dma_wait3A_594] : memref<3x!tpu.dma_semaphore, #tpu.memory_space<semaphore_mem>> -> memref<1x!tpu.dma_semaphore, #tpu.memory_space<semaphore_mem>>
    %dma_wait3A_602 = tpu.memref_squeeze %dma_wait3A_601 : memref<1x!tpu.dma_semaphore, #tpu.memory_space<semaphore_mem>> -> memref<!tpu.dma_semaphore, #tpu.memory_space<semaphore_mem>>
    %dma_wait3A_603 = arith.constant 0 : i32
    %dma_wait3A_604 = tpu.memref_slice %arg8[%add3A_576, %dma_wait3A_603] : memref<458752x16xf32, #tpu.memory_space<hbm>> -> memref<1024x16xf32, #tpu.memory_space<hbm>>
    %dma_wait3A_605 = arith.constant 0 : i32
    %dma_wait3A_606 = arith.constant 0 : i32
    %dma_wait3A_607 = tpu.memref_slice %arg14[%dma_wait3A_593, %dma_wait3A_605, %dma_wait3A_606] : memref<3x1024x16xf32, #tpu.memory_space<vmem>> -> memref<1x1024x16xf32, #tpu.memory_space<vmem>>
    %dma_wait3A_608 = tpu.memref_squeeze %dma_wait3A_607 : memref<1x1024x16xf32, #tpu.memory_space<vmem>> -> memref<1024x16xf32, #tpu.memory_space<vmem>>
    tpu.wait_dma2 semaphore(%dma_wait3A_602 : memref<!tpu.dma_semaphore, #tpu.memory_space<semaphore_mem>>) src(%dma_wait3A_608 : memref<1024x16xf32, #tpu.memory_space<vmem>>) dst(%dma_wait3A_604 : memref<1024x16xf32, #tpu.memory_space<hbm>>)
    %dma_start3A_609 = arith.constant 2 : i32
    %dma_start3A_610 = arith.constant 2 : i32
    %dma_start3A_611 = arith.constant 0 : i32
    %dma_start3A_612 = arith.constant 0 : i32
    %dma_start3A_613 = tpu.memref_slice %arg14[%dma_start3A_609, %dma_start3A_611, %dma_start3A_612] : memref<3x1024x16xf32, #tpu.memory_space<vmem>> -> memref<1x1024x16xf32, #tpu.memory_space<vmem>>
    %dma_start3A_614 = tpu.memref_squeeze %dma_start3A_613 : memref<1x1024x16xf32, #tpu.memory_space<vmem>> -> memref<1024x16xf32, #tpu.memory_space<vmem>>
    %dma_start3A_615 = arith.constant 11264 : i32
    %dma_start3A_616 = tpu.memref_slice %arg11[%dma_start3A_615] : memref<13312xi32, #tpu.memory_space<vmem>> -> memref<1024xi32, #tpu.memory_space<vmem>>
    %dma_start3A_617 = arith.constant 0 : i32
    %dma_start3A_618 = arith.constant 0 : i32
    %dma_start3A_619 = tpu.memref_slice %arg7[%dma_start3A_617, %dma_start3A_618] : memref<2662400x16xf32, #tpu.memory_space<hbm>> -> memref<2662400x16xf32, #tpu.memory_space<hbm>>
    %dma_start3A_620 = tpu.memref_slice %arg19[%dma_start3A_610] : memref<3x!tpu.dma_semaphore, #tpu.memory_space<semaphore_mem>> -> memref<1x!tpu.dma_semaphore, #tpu.memory_space<semaphore_mem>>
    %dma_start3A_621 = tpu.memref_squeeze %dma_start3A_620 : memref<1x!tpu.dma_semaphore, #tpu.memory_space<semaphore_mem>> -> memref<!tpu.dma_semaphore, #tpu.memory_space<semaphore_mem>>
    tpu.enqueue_indirect_dma source(%dma_start3A_619 : memref<2662400x16xf32, #tpu.memory_space<hbm>>) target(%dma_start3A_614 : memref<1024x16xf32, #tpu.memory_space<vmem>>) offsets(%dma_start3A_616 : memref<1024xi32, #tpu.memory_space<vmem>>) semaphore(%dma_start3A_621 : memref<!tpu.dma_semaphore, #tpu.memory_space<semaphore_mem>>)
    %dma_wait3A_622 = arith.constant 0 : i32
    %dma_wait3A_623 = arith.constant 0 : i32
    %dma_wait3A_624 = arith.constant 0 : i32
    %dma_wait3A_625 = arith.constant 0 : i32
    %dma_wait3A_626 = tpu.memref_slice %arg14[%dma_wait3A_622, %dma_wait3A_624, %dma_wait3A_625] : memref<3x1024x16xf32, #tpu.memory_space<vmem>> -> memref<1x1024x16xf32, #tpu.memory_space<vmem>>
    %dma_wait3A_627 = tpu.memref_squeeze %dma_wait3A_626 : memref<1x1024x16xf32, #tpu.memory_space<vmem>> -> memref<1024x16xf32, #tpu.memory_space<vmem>>
    %dma_wait3A_628 = arith.constant 9216 : i32
    %dma_wait3A_629 = tpu.memref_slice %arg11[%dma_wait3A_628] : memref<13312xi32, #tpu.memory_space<vmem>> -> memref<1024xi32, #tpu.memory_space<vmem>>
    %dma_wait3A_630 = arith.constant 0 : i32
    %dma_wait3A_631 = arith.constant 0 : i32
    %dma_wait3A_632 = tpu.memref_slice %arg7[%dma_wait3A_630, %dma_wait3A_631] : memref<2662400x16xf32, #tpu.memory_space<hbm>> -> memref<2662400x16xf32, #tpu.memory_space<hbm>>
    %dma_wait3A_633 = tpu.memref_slice %arg19[%dma_wait3A_623] : memref<3x!tpu.dma_semaphore, #tpu.memory_space<semaphore_mem>> -> memref<1x!tpu.dma_semaphore, #tpu.memory_space<semaphore_mem>>
    %dma_wait3A_634 = tpu.memref_squeeze %dma_wait3A_633 : memref<1x!tpu.dma_semaphore, #tpu.memory_space<semaphore_mem>> -> memref<!tpu.dma_semaphore, #tpu.memory_space<semaphore_mem>>
    tpu.wait_indirect_dma semaphore(%dma_wait3A_634 : memref<!tpu.dma_semaphore, #tpu.memory_space<semaphore_mem>>) src(%dma_wait3A_632 : memref<2662400x16xf32, #tpu.memory_space<hbm>>) dst(%dma_wait3A_627 : memref<1024x16xf32, #tpu.memory_space<vmem>>)
    %add3A_635 = arith.constant 32768 : i32
    %add3A_636 = arith.addi %add3A_635, %mul3A_4 : i32
    %add3A_637 = arith.constant 9216 : i32
    %add3A_638 = arith.addi %add3A_636, %add3A_637 : i32
    %dma_start3A_639 = arith.constant 0 : i32
    %dma_start3A_640 = arith.constant 0 : i32
    %dma_start3A_641 = arith.constant 0 : i32
    %dma_start3A_642 = arith.constant 0 : i32
    %dma_start3A_643 = tpu.memref_slice %arg14[%dma_start3A_639, %dma_start3A_641, %dma_start3A_642] : memref<3x1024x16xf32, #tpu.memory_space<vmem>> -> memref<1x1024x16xf32, #tpu.memory_space<vmem>>
    %dma_start3A_644 = tpu.memref_squeeze %dma_start3A_643 : memref<1x1024x16xf32, #tpu.memory_space<vmem>> -> memref<1024x16xf32, #tpu.memory_space<vmem>>
    %dma_start3A_645 = arith.constant 0 : i32
    %dma_start3A_646 = tpu.memref_slice %arg8[%add3A_638, %dma_start3A_645] : memref<458752x16xf32, #tpu.memory_space<hbm>> -> memref<1024x16xf32, #tpu.memory_space<hbm>>
    %dma_start3A_647 = tpu.memref_slice %arg20[%dma_start3A_640] : memref<3x!tpu.dma_semaphore, #tpu.memory_space<semaphore_mem>> -> memref<1x!tpu.dma_semaphore, #tpu.memory_space<semaphore_mem>>
    %dma_start3A_648 = tpu.memref_squeeze %dma_start3A_647 : memref<1x!tpu.dma_semaphore, #tpu.memory_space<semaphore_mem>> -> memref<!tpu.dma_semaphore, #tpu.memory_space<semaphore_mem>>
    %dma_start3A_649 = arith.constant 0 : i32
    %dma_start3A_650 = tpu.memref_slice %arg8[%add3A_638, %dma_start3A_649] : memref<458752x16xf32, #tpu.memory_space<hbm>> -> memref<1024x16xf32, #tpu.memory_space<hbm>>
    %dma_start3A_651 = arith.constant 0 : i32
    %dma_start3A_652 = arith.constant 0 : i32
    %dma_start3A_653 = tpu.memref_slice %arg14[%dma_start3A_639, %dma_start3A_651, %dma_start3A_652] : memref<3x1024x16xf32, #tpu.memory_space<vmem>> -> memref<1x1024x16xf32, #tpu.memory_space<vmem>>
    %dma_start3A_654 = tpu.memref_squeeze %dma_start3A_653 : memref<1x1024x16xf32, #tpu.memory_space<vmem>> -> memref<1024x16xf32, #tpu.memory_space<vmem>>
    tpu.enqueue_dma source(%dma_start3A_654 : memref<1024x16xf32, #tpu.memory_space<vmem>>) target(%dma_start3A_650 : memref<1024x16xf32, #tpu.memory_space<hbm>>) target_semaphore(%dma_start3A_648 : memref<!tpu.dma_semaphore, #tpu.memory_space<semaphore_mem>>)
    %dma_wait3A_655 = arith.constant 0 : i32
    %dma_wait3A_656 = arith.constant 0 : i32
    %dma_wait3A_657 = arith.constant 0 : i32
    %dma_wait3A_658 = arith.constant 0 : i32
    %dma_wait3A_659 = tpu.memref_slice %arg14[%dma_wait3A_655, %dma_wait3A_657, %dma_wait3A_658] : memref<3x1024x16xf32, #tpu.memory_space<vmem>> -> memref<1x1024x16xf32, #tpu.memory_space<vmem>>
    %dma_wait3A_660 = tpu.memref_squeeze %dma_wait3A_659 : memref<1x1024x16xf32, #tpu.memory_space<vmem>> -> memref<1024x16xf32, #tpu.memory_space<vmem>>
    %dma_wait3A_661 = arith.constant 0 : i32
    %dma_wait3A_662 = tpu.memref_slice %arg8[%add3A_638, %dma_wait3A_661] : memref<458752x16xf32, #tpu.memory_space<hbm>> -> memref<1024x16xf32, #tpu.memory_space<hbm>>
    %dma_wait3A_663 = tpu.memref_slice %arg20[%dma_wait3A_656] : memref<3x!tpu.dma_semaphore, #tpu.memory_space<semaphore_mem>> -> memref<1x!tpu.dma_semaphore, #tpu.memory_space<semaphore_mem>>
    %dma_wait3A_664 = tpu.memref_squeeze %dma_wait3A_663 : memref<1x!tpu.dma_semaphore, #tpu.memory_space<semaphore_mem>> -> memref<!tpu.dma_semaphore, #tpu.memory_space<semaphore_mem>>
    %dma_wait3A_665 = arith.constant 0 : i32
    %dma_wait3A_666 = tpu.memref_slice %arg8[%add3A_638, %dma_wait3A_665] : memref<458752x16xf32, #tpu.memory_space<hbm>> -> memref<1024x16xf32, #tpu.memory_space<hbm>>
    %dma_wait3A_667 = arith.constant 0 : i32
    %dma_wait3A_668 = arith.constant 0 : i32
    %dma_wait3A_669 = tpu.memref_slice %arg14[%dma_wait3A_655, %dma_wait3A_667, %dma_wait3A_668] : memref<3x1024x16xf32, #tpu.memory_space<vmem>> -> memref<1x1024x16xf32, #tpu.memory_space<vmem>>
    %dma_wait3A_670 = tpu.memref_squeeze %dma_wait3A_669 : memref<1x1024x16xf32, #tpu.memory_space<vmem>> -> memref<1024x16xf32, #tpu.memory_space<vmem>>
    tpu.wait_dma2 semaphore(%dma_wait3A_664 : memref<!tpu.dma_semaphore, #tpu.memory_space<semaphore_mem>>) src(%dma_wait3A_670 : memref<1024x16xf32, #tpu.memory_space<vmem>>) dst(%dma_wait3A_666 : memref<1024x16xf32, #tpu.memory_space<hbm>>)
    %dma_start3A_671 = arith.constant 0 : i32
    %dma_start3A_672 = arith.constant 0 : i32
    %dma_start3A_673 = arith.constant 0 : i32
    %dma_start3A_674 = arith.constant 0 : i32
    %dma_start3A_675 = tpu.memref_slice %arg14[%dma_start3A_671, %dma_start3A_673, %dma_start3A_674] : memref<3x1024x16xf32, #tpu.memory_space<vmem>> -> memref<1x1024x16xf32, #tpu.memory_space<vmem>>
    %dma_start3A_676 = tpu.memref_squeeze %dma_start3A_675 : memref<1x1024x16xf32, #tpu.memory_space<vmem>> -> memref<1024x16xf32, #tpu.memory_space<vmem>>
    %dma_start3A_677 = arith.constant 12288 : i32
    %dma_start3A_678 = tpu.memref_slice %arg11[%dma_start3A_677] : memref<13312xi32, #tpu.memory_space<vmem>> -> memref<1024xi32, #tpu.memory_space<vmem>>
    %dma_start3A_679 = arith.constant 0 : i32
    %dma_start3A_680 = arith.constant 0 : i32
    %dma_start3A_681 = tpu.memref_slice %arg7[%dma_start3A_679, %dma_start3A_680] : memref<2662400x16xf32, #tpu.memory_space<hbm>> -> memref<2662400x16xf32, #tpu.memory_space<hbm>>
    %dma_start3A_682 = tpu.memref_slice %arg19[%dma_start3A_672] : memref<3x!tpu.dma_semaphore, #tpu.memory_space<semaphore_mem>> -> memref<1x!tpu.dma_semaphore, #tpu.memory_space<semaphore_mem>>
    %dma_start3A_683 = tpu.memref_squeeze %dma_start3A_682 : memref<1x!tpu.dma_semaphore, #tpu.memory_space<semaphore_mem>> -> memref<!tpu.dma_semaphore, #tpu.memory_space<semaphore_mem>>
    tpu.enqueue_indirect_dma source(%dma_start3A_681 : memref<2662400x16xf32, #tpu.memory_space<hbm>>) target(%dma_start3A_676 : memref<1024x16xf32, #tpu.memory_space<vmem>>) offsets(%dma_start3A_678 : memref<1024xi32, #tpu.memory_space<vmem>>) semaphore(%dma_start3A_683 : memref<!tpu.dma_semaphore, #tpu.memory_space<semaphore_mem>>)
    %dma_wait3A_684 = arith.constant 1 : i32
    %dma_wait3A_685 = arith.constant 1 : i32
    %dma_wait3A_686 = arith.constant 0 : i32
    %dma_wait3A_687 = arith.constant 0 : i32
    %dma_wait3A_688 = tpu.memref_slice %arg14[%dma_wait3A_684, %dma_wait3A_686, %dma_wait3A_687] : memref<3x1024x16xf32, #tpu.memory_space<vmem>> -> memref<1x1024x16xf32, #tpu.memory_space<vmem>>
    %dma_wait3A_689 = tpu.memref_squeeze %dma_wait3A_688 : memref<1x1024x16xf32, #tpu.memory_space<vmem>> -> memref<1024x16xf32, #tpu.memory_space<vmem>>
    %dma_wait3A_690 = arith.constant 10240 : i32
    %dma_wait3A_691 = tpu.memref_slice %arg11[%dma_wait3A_690] : memref<13312xi32, #tpu.memory_space<vmem>> -> memref<1024xi32, #tpu.memory_space<vmem>>
    %dma_wait3A_692 = arith.constant 0 : i32
    %dma_wait3A_693 = arith.constant 0 : i32
    %dma_wait3A_694 = tpu.memref_slice %arg7[%dma_wait3A_692, %dma_wait3A_693] : memref<2662400x16xf32, #tpu.memory_space<hbm>> -> memref<2662400x16xf32, #tpu.memory_space<hbm>>
    %dma_wait3A_695 = tpu.memref_slice %arg19[%dma_wait3A_685] : memref<3x!tpu.dma_semaphore, #tpu.memory_space<semaphore_mem>> -> memref<1x!tpu.dma_semaphore, #tpu.memory_space<semaphore_mem>>
    %dma_wait3A_696 = tpu.memref_squeeze %dma_wait3A_695 : memref<1x!tpu.dma_semaphore, #tpu.memory_space<semaphore_mem>> -> memref<!tpu.dma_semaphore, #tpu.memory_space<semaphore_mem>>
    tpu.wait_indirect_dma semaphore(%dma_wait3A_696 : memref<!tpu.dma_semaphore, #tpu.memory_space<semaphore_mem>>) src(%dma_wait3A_694 : memref<2662400x16xf32, #tpu.memory_space<hbm>>) dst(%dma_wait3A_689 : memref<1024x16xf32, #tpu.memory_space<vmem>>)
    %add3A_697 = arith.constant 32768 : i32
    %add3A_698 = arith.addi %add3A_697, %mul3A_4 : i32
    %add3A_699 = arith.constant 10240 : i32
    %add3A_700 = arith.addi %add3A_698, %add3A_699 : i32
    %dma_start3A_701 = arith.constant 1 : i32
    %dma_start3A_702 = arith.constant 1 : i32
    %dma_start3A_703 = arith.constant 0 : i32
    %dma_start3A_704 = arith.constant 0 : i32
    %dma_start3A_705 = tpu.memref_slice %arg14[%dma_start3A_701, %dma_start3A_703, %dma_start3A_704] : memref<3x1024x16xf32, #tpu.memory_space<vmem>> -> memref<1x1024x16xf32, #tpu.memory_space<vmem>>
    %dma_start3A_706 = tpu.memref_squeeze %dma_start3A_705 : memref<1x1024x16xf32, #tpu.memory_space<vmem>> -> memref<1024x16xf32, #tpu.memory_space<vmem>>
    %dma_start3A_707 = arith.constant 0 : i32
    %dma_start3A_708 = tpu.memref_slice %arg8[%add3A_700, %dma_start3A_707] : memref<458752x16xf32, #tpu.memory_space<hbm>> -> memref<1024x16xf32, #tpu.memory_space<hbm>>
    %dma_start3A_709 = tpu.memref_slice %arg20[%dma_start3A_702] : memref<3x!tpu.dma_semaphore, #tpu.memory_space<semaphore_mem>> -> memref<1x!tpu.dma_semaphore, #tpu.memory_space<semaphore_mem>>
    %dma_start3A_710 = tpu.memref_squeeze %dma_start3A_709 : memref<1x!tpu.dma_semaphore, #tpu.memory_space<semaphore_mem>> -> memref<!tpu.dma_semaphore, #tpu.memory_space<semaphore_mem>>
    %dma_start3A_711 = arith.constant 0 : i32
    %dma_start3A_712 = tpu.memref_slice %arg8[%add3A_700, %dma_start3A_711] : memref<458752x16xf32, #tpu.memory_space<hbm>> -> memref<1024x16xf32, #tpu.memory_space<hbm>>
    %dma_start3A_713 = arith.constant 0 : i32
    %dma_start3A_714 = arith.constant 0 : i32
    %dma_start3A_715 = tpu.memref_slice %arg14[%dma_start3A_701, %dma_start3A_713, %dma_start3A_714] : memref<3x1024x16xf32, #tpu.memory_space<vmem>> -> memref<1x1024x16xf32, #tpu.memory_space<vmem>>
    %dma_start3A_716 = tpu.memref_squeeze %dma_start3A_715 : memref<1x1024x16xf32, #tpu.memory_space<vmem>> -> memref<1024x16xf32, #tpu.memory_space<vmem>>
    tpu.enqueue_dma source(%dma_start3A_716 : memref<1024x16xf32, #tpu.memory_space<vmem>>) target(%dma_start3A_712 : memref<1024x16xf32, #tpu.memory_space<hbm>>) target_semaphore(%dma_start3A_710 : memref<!tpu.dma_semaphore, #tpu.memory_space<semaphore_mem>>)
    %dma_wait3A_717 = arith.constant 2 : i32
    %dma_wait3A_718 = arith.constant 2 : i32
    %dma_wait3A_719 = arith.constant 0 : i32
    %dma_wait3A_720 = arith.constant 0 : i32
    %dma_wait3A_721 = tpu.memref_slice %arg14[%dma_wait3A_717, %dma_wait3A_719, %dma_wait3A_720] : memref<3x1024x16xf32, #tpu.memory_space<vmem>> -> memref<1x1024x16xf32, #tpu.memory_space<vmem>>
    %dma_wait3A_722 = tpu.memref_squeeze %dma_wait3A_721 : memref<1x1024x16xf32, #tpu.memory_space<vmem>> -> memref<1024x16xf32, #tpu.memory_space<vmem>>
    %dma_wait3A_723 = arith.constant 11264 : i32
    %dma_wait3A_724 = tpu.memref_slice %arg11[%dma_wait3A_723] : memref<13312xi32, #tpu.memory_space<vmem>> -> memref<1024xi32, #tpu.memory_space<vmem>>
    %dma_wait3A_725 = arith.constant 0 : i32
    %dma_wait3A_726 = arith.constant 0 : i32
    %dma_wait3A_727 = tpu.memref_slice %arg7[%dma_wait3A_725, %dma_wait3A_726] : memref<2662400x16xf32, #tpu.memory_space<hbm>> -> memref<2662400x16xf32, #tpu.memory_space<hbm>>
    %dma_wait3A_728 = tpu.memref_slice %arg19[%dma_wait3A_718] : memref<3x!tpu.dma_semaphore, #tpu.memory_space<semaphore_mem>> -> memref<1x!tpu.dma_semaphore, #tpu.memory_space<semaphore_mem>>
    %dma_wait3A_729 = tpu.memref_squeeze %dma_wait3A_728 : memref<1x!tpu.dma_semaphore, #tpu.memory_space<semaphore_mem>> -> memref<!tpu.dma_semaphore, #tpu.memory_space<semaphore_mem>>
    tpu.wait_indirect_dma semaphore(%dma_wait3A_729 : memref<!tpu.dma_semaphore, #tpu.memory_space<semaphore_mem>>) src(%dma_wait3A_727 : memref<2662400x16xf32, #tpu.memory_space<hbm>>) dst(%dma_wait3A_722 : memref<1024x16xf32, #tpu.memory_space<vmem>>)
    %add3A_730 = arith.constant 32768 : i32
    %add3A_731 = arith.addi %add3A_730, %mul3A_4 : i32
    %add3A_732 = arith.constant 11264 : i32
    %add3A_733 = arith.addi %add3A_731, %add3A_732 : i32
    %dma_start3A_734 = arith.constant 2 : i32
    %dma_start3A_735 = arith.constant 2 : i32
    %dma_start3A_736 = arith.constant 0 : i32
    %dma_start3A_737 = arith.constant 0 : i32
    %dma_start3A_738 = tpu.memref_slice %arg14[%dma_start3A_734, %dma_start3A_736, %dma_start3A_737] : memref<3x1024x16xf32, #tpu.memory_space<vmem>> -> memref<1x1024x16xf32, #tpu.memory_space<vmem>>
    %dma_start3A_739 = tpu.memref_squeeze %dma_start3A_738 : memref<1x1024x16xf32, #tpu.memory_space<vmem>> -> memref<1024x16xf32, #tpu.memory_space<vmem>>
    %dma_start3A_740 = arith.constant 0 : i32
    %dma_start3A_741 = tpu.memref_slice %arg8[%add3A_733, %dma_start3A_740] : memref<458752x16xf32, #tpu.memory_space<hbm>> -> memref<1024x16xf32, #tpu.memory_space<hbm>>
    %dma_start3A_742 = tpu.memref_slice %arg20[%dma_start3A_735] : memref<3x!tpu.dma_semaphore, #tpu.memory_space<semaphore_mem>> -> memref<1x!tpu.dma_semaphore, #tpu.memory_space<semaphore_mem>>
    %dma_start3A_743 = tpu.memref_squeeze %dma_start3A_742 : memref<1x!tpu.dma_semaphore, #tpu.memory_space<semaphore_mem>> -> memref<!tpu.dma_semaphore, #tpu.memory_space<semaphore_mem>>
    %dma_start3A_744 = arith.constant 0 : i32
    %dma_start3A_745 = tpu.memref_slice %arg8[%add3A_733, %dma_start3A_744] : memref<458752x16xf32, #tpu.memory_space<hbm>> -> memref<1024x16xf32, #tpu.memory_space<hbm>>
    %dma_start3A_746 = arith.constant 0 : i32
    %dma_start3A_747 = arith.constant 0 : i32
    %dma_start3A_748 = tpu.memref_slice %arg14[%dma_start3A_734, %dma_start3A_746, %dma_start3A_747] : memref<3x1024x16xf32, #tpu.memory_space<vmem>> -> memref<1x1024x16xf32, #tpu.memory_space<vmem>>
    %dma_start3A_749 = tpu.memref_squeeze %dma_start3A_748 : memref<1x1024x16xf32, #tpu.memory_space<vmem>> -> memref<1024x16xf32, #tpu.memory_space<vmem>>
    tpu.enqueue_dma source(%dma_start3A_749 : memref<1024x16xf32, #tpu.memory_space<vmem>>) target(%dma_start3A_745 : memref<1024x16xf32, #tpu.memory_space<hbm>>) target_semaphore(%dma_start3A_743 : memref<!tpu.dma_semaphore, #tpu.memory_space<semaphore_mem>>)
    %dma_wait3A_750 = arith.constant 0 : i32
    %dma_wait3A_751 = arith.constant 0 : i32
    %dma_wait3A_752 = arith.constant 0 : i32
    %dma_wait3A_753 = arith.constant 0 : i32
    %dma_wait3A_754 = tpu.memref_slice %arg14[%dma_wait3A_750, %dma_wait3A_752, %dma_wait3A_753] : memref<3x1024x16xf32, #tpu.memory_space<vmem>> -> memref<1x1024x16xf32, #tpu.memory_space<vmem>>
    %dma_wait3A_755 = tpu.memref_squeeze %dma_wait3A_754 : memref<1x1024x16xf32, #tpu.memory_space<vmem>> -> memref<1024x16xf32, #tpu.memory_space<vmem>>
    %dma_wait3A_756 = arith.constant 12288 : i32
    %dma_wait3A_757 = tpu.memref_slice %arg11[%dma_wait3A_756] : memref<13312xi32, #tpu.memory_space<vmem>> -> memref<1024xi32, #tpu.memory_space<vmem>>
    %dma_wait3A_758 = arith.constant 0 : i32
    %dma_wait3A_759 = arith.constant 0 : i32
    %dma_wait3A_760 = tpu.memref_slice %arg7[%dma_wait3A_758, %dma_wait3A_759] : memref<2662400x16xf32, #tpu.memory_space<hbm>> -> memref<2662400x16xf32, #tpu.memory_space<hbm>>
    %dma_wait3A_761 = tpu.memref_slice %arg19[%dma_wait3A_751] : memref<3x!tpu.dma_semaphore, #tpu.memory_space<semaphore_mem>> -> memref<1x!tpu.dma_semaphore, #tpu.memory_space<semaphore_mem>>
    %dma_wait3A_762 = tpu.memref_squeeze %dma_wait3A_761 : memref<1x!tpu.dma_semaphore, #tpu.memory_space<semaphore_mem>> -> memref<!tpu.dma_semaphore, #tpu.memory_space<semaphore_mem>>
    tpu.wait_indirect_dma semaphore(%dma_wait3A_762 : memref<!tpu.dma_semaphore, #tpu.memory_space<semaphore_mem>>) src(%dma_wait3A_760 : memref<2662400x16xf32, #tpu.memory_space<hbm>>) dst(%dma_wait3A_755 : memref<1024x16xf32, #tpu.memory_space<vmem>>)
    %add3A_763 = arith.constant 32768 : i32
    %add3A_764 = arith.addi %add3A_763, %mul3A_4 : i32
    %add3A_765 = arith.constant 12288 : i32
    %add3A_766 = arith.addi %add3A_764, %add3A_765 : i32
    %dma_start3A_767 = arith.constant 0 : i32
    %dma_start3A_768 = arith.constant 0 : i32
    %dma_start3A_769 = arith.constant 0 : i32
    %dma_start3A_770 = arith.constant 0 : i32
    %dma_start3A_771 = tpu.memref_slice %arg14[%dma_start3A_767, %dma_start3A_769, %dma_start3A_770] : memref<3x1024x16xf32, #tpu.memory_space<vmem>> -> memref<1x1024x16xf32, #tpu.memory_space<vmem>>
    %dma_start3A_772 = tpu.memref_squeeze %dma_start3A_771 : memref<1x1024x16xf32, #tpu.memory_space<vmem>> -> memref<1024x16xf32, #tpu.memory_space<vmem>>
    %dma_start3A_773 = arith.constant 0 : i32
    %dma_start3A_774 = tpu.memref_slice %arg8[%add3A_766, %dma_start3A_773] : memref<458752x16xf32, #tpu.memory_space<hbm>> -> memref<1024x16xf32, #tpu.memory_space<hbm>>
    %dma_start3A_775 = tpu.memref_slice %arg20[%dma_start3A_768] : memref<3x!tpu.dma_semaphore, #tpu.memory_space<semaphore_mem>> -> memref<1x!tpu.dma_semaphore, #tpu.memory_space<semaphore_mem>>
    %dma_start3A_776 = tpu.memref_squeeze %dma_start3A_775 : memref<1x!tpu.dma_semaphore, #tpu.memory_space<semaphore_mem>> -> memref<!tpu.dma_semaphore, #tpu.memory_space<semaphore_mem>>
    %dma_start3A_777 = arith.constant 0 : i32
    %dma_start3A_778 = tpu.memref_slice %arg8[%add3A_766, %dma_start3A_777] : memref<458752x16xf32, #tpu.memory_space<hbm>> -> memref<1024x16xf32, #tpu.memory_space<hbm>>
    %dma_start3A_779 = arith.constant 0 : i32
    %dma_start3A_780 = arith.constant 0 : i32
    %dma_start3A_781 = tpu.memref_slice %arg14[%dma_start3A_767, %dma_start3A_779, %dma_start3A_780] : memref<3x1024x16xf32, #tpu.memory_space<vmem>> -> memref<1x1024x16xf32, #tpu.memory_space<vmem>>
    %dma_start3A_782 = tpu.memref_squeeze %dma_start3A_781 : memref<1x1024x16xf32, #tpu.memory_space<vmem>> -> memref<1024x16xf32, #tpu.memory_space<vmem>>
    tpu.enqueue_dma source(%dma_start3A_782 : memref<1024x16xf32, #tpu.memory_space<vmem>>) target(%dma_start3A_778 : memref<1024x16xf32, #tpu.memory_space<hbm>>) target_semaphore(%dma_start3A_776 : memref<!tpu.dma_semaphore, #tpu.memory_space<semaphore_mem>>)
    %dma_wait3A_783 = arith.constant 1 : i32
    %dma_wait3A_784 = arith.constant 1 : i32
    %dma_wait3A_785 = arith.constant 0 : i32
    %dma_wait3A_786 = arith.constant 0 : i32
    %dma_wait3A_787 = tpu.memref_slice %arg14[%dma_wait3A_783, %dma_wait3A_785, %dma_wait3A_786] : memref<3x1024x16xf32, #tpu.memory_space<vmem>> -> memref<1x1024x16xf32, #tpu.memory_space<vmem>>
    %dma_wait3A_788 = tpu.memref_squeeze %dma_wait3A_787 : memref<1x1024x16xf32, #tpu.memory_space<vmem>> -> memref<1024x16xf32, #tpu.memory_space<vmem>>
    %dma_wait3A_789 = arith.constant 0 : i32
    %dma_wait3A_790 = tpu.memref_slice %arg8[%add3A_700, %dma_wait3A_789] : memref<458752x16xf32, #tpu.memory_space<hbm>> -> memref<1024x16xf32, #tpu.memory_space<hbm>>
    %dma_wait3A_791 = tpu.memref_slice %arg20[%dma_wait3A_784] : memref<3x!tpu.dma_semaphore, #tpu.memory_space<semaphore_mem>> -> memref<1x!tpu.dma_semaphore, #tpu.memory_space<semaphore_mem>>
    %dma_wait3A_792 = tpu.memref_squeeze %dma_wait3A_791 : memref<1x!tpu.dma_semaphore, #tpu.memory_space<semaphore_mem>> -> memref<!tpu.dma_semaphore, #tpu.memory_space<semaphore_mem>>
    %dma_wait3A_793 = arith.constant 0 : i32
    %dma_wait3A_794 = tpu.memref_slice %arg8[%add3A_700, %dma_wait3A_793] : memref<458752x16xf32, #tpu.memory_space<hbm>> -> memref<1024x16xf32, #tpu.memory_space<hbm>>
    %dma_wait3A_795 = arith.constant 0 : i32
    %dma_wait3A_796 = arith.constant 0 : i32
    %dma_wait3A_797 = tpu.memref_slice %arg14[%dma_wait3A_783, %dma_wait3A_795, %dma_wait3A_796] : memref<3x1024x16xf32, #tpu.memory_space<vmem>> -> memref<1x1024x16xf32, #tpu.memory_space<vmem>>
    %dma_wait3A_798 = tpu.memref_squeeze %dma_wait3A_797 : memref<1x1024x16xf32, #tpu.memory_space<vmem>> -> memref<1024x16xf32, #tpu.memory_space<vmem>>
    tpu.wait_dma2 semaphore(%dma_wait3A_792 : memref<!tpu.dma_semaphore, #tpu.memory_space<semaphore_mem>>) src(%dma_wait3A_798 : memref<1024x16xf32, #tpu.memory_space<vmem>>) dst(%dma_wait3A_794 : memref<1024x16xf32, #tpu.memory_space<hbm>>)
    %dma_wait3A_799 = arith.constant 2 : i32
    %dma_wait3A_800 = arith.constant 2 : i32
    %dma_wait3A_801 = arith.constant 0 : i32
    %dma_wait3A_802 = arith.constant 0 : i32
    %dma_wait3A_803 = tpu.memref_slice %arg14[%dma_wait3A_799, %dma_wait3A_801, %dma_wait3A_802] : memref<3x1024x16xf32, #tpu.memory_space<vmem>> -> memref<1x1024x16xf32, #tpu.memory_space<vmem>>
    %dma_wait3A_804 = tpu.memref_squeeze %dma_wait3A_803 : memref<1x1024x16xf32, #tpu.memory_space<vmem>> -> memref<1024x16xf32, #tpu.memory_space<vmem>>
    %dma_wait3A_805 = arith.constant 0 : i32
    %dma_wait3A_806 = tpu.memref_slice %arg8[%add3A_733, %dma_wait3A_805] : memref<458752x16xf32, #tpu.memory_space<hbm>> -> memref<1024x16xf32, #tpu.memory_space<hbm>>
    %dma_wait3A_807 = tpu.memref_slice %arg20[%dma_wait3A_800] : memref<3x!tpu.dma_semaphore, #tpu.memory_space<semaphore_mem>> -> memref<1x!tpu.dma_semaphore, #tpu.memory_space<semaphore_mem>>
    %dma_wait3A_808 = tpu.memref_squeeze %dma_wait3A_807 : memref<1x!tpu.dma_semaphore, #tpu.memory_space<semaphore_mem>> -> memref<!tpu.dma_semaphore, #tpu.memory_space<semaphore_mem>>
    %dma_wait3A_809 = arith.constant 0 : i32
    %dma_wait3A_810 = tpu.memref_slice %arg8[%add3A_733, %dma_wait3A_809] : memref<458752x16xf32, #tpu.memory_space<hbm>> -> memref<1024x16xf32, #tpu.memory_space<hbm>>
    %dma_wait3A_811 = arith.constant 0 : i32
    %dma_wait3A_812 = arith.constant 0 : i32
    %dma_wait3A_813 = tpu.memref_slice %arg14[%dma_wait3A_799, %dma_wait3A_811, %dma_wait3A_812] : memref<3x1024x16xf32, #tpu.memory_space<vmem>> -> memref<1x1024x16xf32, #tpu.memory_space<vmem>>
    %dma_wait3A_814 = tpu.memref_squeeze %dma_wait3A_813 : memref<1x1024x16xf32, #tpu.memory_space<vmem>> -> memref<1024x16xf32, #tpu.memory_space<vmem>>
    tpu.wait_dma2 semaphore(%dma_wait3A_808 : memref<!tpu.dma_semaphore, #tpu.memory_space<semaphore_mem>>) src(%dma_wait3A_814 : memref<1024x16xf32, #tpu.memory_space<vmem>>) dst(%dma_wait3A_810 : memref<1024x16xf32, #tpu.memory_space<hbm>>)
    %dma_wait3A_815 = arith.constant 0 : i32
    %dma_wait3A_816 = arith.constant 0 : i32
    %dma_wait3A_817 = arith.constant 0 : i32
    %dma_wait3A_818 = arith.constant 0 : i32
    %dma_wait3A_819 = tpu.memref_slice %arg14[%dma_wait3A_815, %dma_wait3A_817, %dma_wait3A_818] : memref<3x1024x16xf32, #tpu.memory_space<vmem>> -> memref<1x1024x16xf32, #tpu.memory_space<vmem>>
    %dma_wait3A_820 = tpu.memref_squeeze %dma_wait3A_819 : memref<1x1024x16xf32, #tpu.memory_space<vmem>> -> memref<1024x16xf32, #tpu.memory_space<vmem>>
    %dma_wait3A_821 = arith.constant 0 : i32
    %dma_wait3A_822 = tpu.memref_slice %arg8[%add3A_766, %dma_wait3A_821] : memref<458752x16xf32, #tpu.memory_space<hbm>> -> memref<1024x16xf32, #tpu.memory_space<hbm>>
    %dma_wait3A_823 = tpu.memref_slice %arg20[%dma_wait3A_816] : memref<3x!tpu.dma_semaphore, #tpu.memory_space<semaphore_mem>> -> memref<1x!tpu.dma_semaphore, #tpu.memory_space<semaphore_mem>>
    %dma_wait3A_824 = tpu.memref_squeeze %dma_wait3A_823 : memref<1x!tpu.dma_semaphore, #tpu.memory_space<semaphore_mem>> -> memref<!tpu.dma_semaphore, #tpu.memory_space<semaphore_mem>>
    %dma_wait3A_825 = arith.constant 0 : i32
    %dma_wait3A_826 = tpu.memref_slice %arg8[%add3A_766, %dma_wait3A_825] : memref<458752x16xf32, #tpu.memory_space<hbm>> -> memref<1024x16xf32, #tpu.memory_space<hbm>>
    %dma_wait3A_827 = arith.constant 0 : i32
    %dma_wait3A_828 = arith.constant 0 : i32
    %dma_wait3A_829 = tpu.memref_slice %arg14[%dma_wait3A_815, %dma_wait3A_827, %dma_wait3A_828] : memref<3x1024x16xf32, #tpu.memory_space<vmem>> -> memref<1x1024x16xf32, #tpu.memory_space<vmem>>
    %dma_wait3A_830 = tpu.memref_squeeze %dma_wait3A_829 : memref<1x1024x16xf32, #tpu.memory_space<vmem>> -> memref<1024x16xf32, #tpu.memory_space<vmem>>
    tpu.wait_dma2 semaphore(%dma_wait3A_824 : memref<!tpu.dma_semaphore, #tpu.memory_space<semaphore_mem>>) src(%dma_wait3A_830 : memref<1024x16xf32, #tpu.memory_space<vmem>>) dst(%dma_wait3A_826 : memref<1024x16xf32, #tpu.memory_space<hbm>>)
    %dma_wait3A_831 = arith.constant 0 : i32
    %dma_wait3A_832 = tpu.memref_slice %arg8[%mul3A_2, %dma_wait3A_831] : memref<458752x16xf32, #tpu.memory_space<hbm>> -> memref<512x16xf32, #tpu.memory_space<hbm>>
    %dma_wait3A_833 = arith.constant 0 : i32
    %dma_wait3A_834 = tpu.memref_slice %arg8[%mul3A_2, %dma_wait3A_833] : memref<458752x16xf32, #tpu.memory_space<hbm>> -> memref<512x16xf32, #tpu.memory_space<hbm>>
    tpu.wait_dma2 semaphore(%arg17 : memref<!tpu.dma_semaphore, #tpu.memory_space<semaphore_mem>>) src(%arg12 : memref<512x16xf32, #tpu.memory_space<vmem>>) dst(%dma_wait3A_834 : memref<512x16xf32, #tpu.memory_space<hbm>>)
    %dma_wait3A_835 = arith.constant 0 : i32
    %dma_wait3A_836 = tpu.memref_slice %arg8[%add3A_59, %dma_wait3A_835] : memref<458752x16xf32, #tpu.memory_space<hbm>> -> memref<512x16xf32, #tpu.memory_space<hbm>>
    %dma_wait3A_837 = arith.constant 0 : i32
    %dma_wait3A_838 = tpu.memref_slice %arg8[%add3A_59, %dma_wait3A_837] : memref<458752x16xf32, #tpu.memory_space<hbm>> -> memref<512x16xf32, #tpu.memory_space<hbm>>
    tpu.wait_dma2 semaphore(%arg18 : memref<!tpu.dma_semaphore, #tpu.memory_space<semaphore_mem>>) src(%arg13 : memref<512x16xf32, #tpu.memory_space<vmem>>) dst(%dma_wait3A_838 : memref<512x16xf32, #tpu.memory_space<hbm>>)
    return
  }
}

module attributes {stable_mosaic.version = 14 : i64} {
  func.func @body(%arg0: i32, %arg1: i32, %arg2: memref<1x8x51200xf32, #tpu.memory_space<vmem>>, %arg3: memref<1x8x51200xf32, #tpu.memory_space<vmem>>, %arg4: memref<128x128xf32, #tpu.memory_space<vmem>>, %arg5: memref<1x6400x128xf32, #tpu.memory_space<vmem>>) attributes {dimension_semantics = [#tpu.dimension_semantics<arbitrary>, #tpu.dimension_semantics<arbitrary>], iteration_bounds = array<i64: 26, 2>, scalar_prefetch = 0 : i64, scratch_operands = 0 : i64, tpu.core_type = #tpu.core_type<tc>, window_params = [{transform_indices = @transform_0, window_bounds = array<i64: 1, 8, 51200>}, {transform_indices = @transform_1, window_bounds = array<i64: 1, 8, 51200>}, {pipeline_mode = #tpu.pipeline_mode<synchronous>, transform_indices = @transform_2, window_bounds = array<i64: 128, 128>}, {transform_indices = @transform_3, window_bounds = array<i64: 1, 6400, 128>}]} {
    %get3A = arith.constant 0 : index
    %get3A_0 = arith.constant 0 : index
    %get3A_1 = arith.constant 0 : index
    %get3A_2 = vector.load %arg2[%get3A, %get3A_0, %get3A_1] : memref<1x8x51200xf32, #tpu.memory_space<vmem>>, vector<1x8x51200xf32>
    %get3A_3 = vector.shape_cast %get3A_2 : vector<1x8x51200xf32> to vector<8x51200xf32>
    %get3A_4 = arith.constant 0 : index
    %get3A_5 = arith.constant 0 : index
    %get3A_6 = arith.constant 0 : index
    %get3A_7 = vector.load %arg3[%get3A_4, %get3A_5, %get3A_6] : memref<1x8x51200xf32, #tpu.memory_space<vmem>>, vector<1x8x51200xf32>
    %get3A_8 = vector.shape_cast %get3A_7 : vector<1x8x51200xf32> to vector<8x51200xf32>
    %concatenate3A = tpu.concatenate %get3A_3, %get3A_8 in 0 : vector<8x51200xf32>, vector<8x51200xf32> -> vector<16x51200xf32>
    %slice3A = vector.extract_strided_slice %concatenate3A {offsets = [0, 0], sizes = [16, 6400], strides = [1, 1]} : vector<16x51200xf32> to vector<16x6400xf32>
    %slice3A_9 = vector.extract_strided_slice %concatenate3A {offsets = [0, 6400], sizes = [16, 6400], strides = [1, 1]} : vector<16x51200xf32> to vector<16x6400xf32>
    %slice3A_10 = vector.extract_strided_slice %concatenate3A {offsets = [0, 12800], sizes = [16, 6400], strides = [1, 1]} : vector<16x51200xf32> to vector<16x6400xf32>
    %slice3A_11 = vector.extract_strided_slice %concatenate3A {offsets = [0, 19200], sizes = [16, 6400], strides = [1, 1]} : vector<16x51200xf32> to vector<16x6400xf32>
    %slice3A_12 = vector.extract_strided_slice %concatenate3A {offsets = [0, 25600], sizes = [16, 6400], strides = [1, 1]} : vector<16x51200xf32> to vector<16x6400xf32>
    %slice3A_13 = vector.extract_strided_slice %concatenate3A {offsets = [0, 32000], sizes = [16, 6400], strides = [1, 1]} : vector<16x51200xf32> to vector<16x6400xf32>
    %slice3A_14 = vector.extract_strided_slice %concatenate3A {offsets = [0, 38400], sizes = [16, 6400], strides = [1, 1]} : vector<16x51200xf32> to vector<16x6400xf32>
    %slice3A_15 = vector.extract_strided_slice %concatenate3A {offsets = [0, 44800], sizes = [16, 6400], strides = [1, 1]} : vector<16x51200xf32> to vector<16x6400xf32>
    %concatenate3A_16 = tpu.concatenate %slice3A, %slice3A_9, %slice3A_10, %slice3A_11, %slice3A_12, %slice3A_13, %slice3A_14, %slice3A_15 in 0 : vector<16x6400xf32>, vector<16x6400xf32>, vector<16x6400xf32>, vector<16x6400xf32>, vector<16x6400xf32>, vector<16x6400xf32>, vector<16x6400xf32>, vector<16x6400xf32> -> vector<128x6400xf32>
    %get3A_17 = arith.constant 0 : index
    %get3A_18 = arith.constant 0 : index
    %get3A_19 = vector.load %arg4[%get3A_17, %get3A_18] : memref<128x128xf32, #tpu.memory_space<vmem>>, vector<128x128xf32>
    %dot_general3A = arith.constant dense<0.000000e+00> : vector<6400x128xf32>
    %dot_general3A_20 = tpu.matmul %concatenate3A_16, %get3A_19, %dot_general3A {dimension_numbers = #tpu.dot_dimension_numbers<[0], [0], [1], [1], [0, 1, 1, 1], [], []>, transpose_lhs_hint = false} : vector<128x6400xf32>, vector<128x128xf32>, vector<6400x128xf32> -> vector<6400x128xf32>
    %swap3A = arith.constant 0 : index
    %swap3A_21 = arith.constant 0 : index
    %swap3A_22 = arith.constant 0 : index
    %swap3A_23 = vector.load %arg5[%swap3A, %swap3A_21, %swap3A_22] : memref<1x6400x128xf32, #tpu.memory_space<vmem>>, vector<1x6400x128xf32>
    %swap3A_24 = vector.shape_cast %swap3A_23 : vector<1x6400x128xf32> to vector<6400x128xf32>
    %swap3A_25 = vector.shape_cast %dot_general3A_20 : vector<6400x128xf32> to vector<1x6400x128xf32>
    tpu.vector_store %arg5[%swap3A, %swap3A_21, %swap3A_22], %swap3A_25 {strides = array<i32>} : memref<1x6400x128xf32, #tpu.memory_space<vmem>>, vector<1x6400x128xf32>,
    return
  }
  func.func @transform_0(%arg0: i32, %arg1: i32) -> (i32, i32, i32) {
    %c0_i32 = arith.constant 0 : i32
    %c0_i32_0 = arith.constant 0 : i32
    return %arg0, %c0_i32, %arg1 : i32, i32, i32
  }
  func.func @transform_1(%arg0: i32, %arg1: i32) -> (i32, i32, i32) {
    %c1_i32 = arith.constant 1 : i32
    %c0_i32 = arith.constant 0 : i32
    return %arg0, %c1_i32, %arg1 : i32, i32, i32
  }
  func.func @transform_2(%arg0: i32, %arg1: i32) -> (i32, i32) {
    %c0_i32 = arith.constant 0 : i32
    %c0_i32_0 = arith.constant 0 : i32
    %c0_i32_1 = arith.constant 0 : i32
    return %c0_i32, %c0_i32_0 : i32, i32
  }
  func.func @transform_3(%arg0: i32, %arg1: i32) -> (i32, i32, i32) {
    %mul3A = arith.constant 2 : i32
    %mul3A_0 = arith.muli %arg0, %mul3A : i32
    %add3A = arith.addi %mul3A_0, %arg1 : i32
    %c0_i32 = arith.constant 0 : i32
    %c0_i32_1 = arith.constant 0 : i32
    %c0_i32_2 = arith.constant 0 : i32
    return %add3A, %c0_i32, %c0_i32_1 : i32, i32, i32
  }
}

module attributes {stable_mosaic.version = 14 : i64} {
  func.func @body(%arg0: i32, %arg1: i32, %arg2: memref<1x8x51200xf32, #tpu.memory_space<vmem>>, %arg3: memref<1x8x51200xf32, #tpu.memory_space<vmem>>, %arg4: memref<128x128xf32, #tpu.memory_space<vmem>>, %arg5: memref<1x6400x128xf32, #tpu.memory_space<vmem>>) attributes {dimension_semantics = [#tpu.dimension_semantics<arbitrary>, #tpu.dimension_semantics<arbitrary>], iteration_bounds = array<i64: 1, 20>, scalar_prefetch = 0 : i64, scratch_operands = 0 : i64, tpu.core_type = #tpu.core_type<tc>, window_params = [{transform_indices = @transform_0, window_bounds = array<i64: 1, 8, 51200>}, {transform_indices = @transform_1, window_bounds = array<i64: 1, 8, 51200>}, {pipeline_mode = #tpu.pipeline_mode<synchronous>, transform_indices = @transform_2, window_bounds = array<i64: 128, 128>}, {transform_indices = @transform_3, window_bounds = array<i64: 1, 6400, 128>}]} {
    %get3A = arith.constant 0 : index
    %get3A_0 = arith.constant 0 : index
    %get3A_1 = arith.constant 0 : index
    %get3A_2 = vector.load %arg2[%get3A, %get3A_0, %get3A_1] : memref<1x8x51200xf32, #tpu.memory_space<vmem>>, vector<1x8x51200xf32>
    %get3A_3 = vector.shape_cast %get3A_2 : vector<1x8x51200xf32> to vector<8x51200xf32>
    %get3A_4 = arith.constant 0 : index
    %get3A_5 = arith.constant 0 : index
    %get3A_6 = arith.constant 0 : index
    %get3A_7 = vector.load %arg3[%get3A_4, %get3A_5, %get3A_6] : memref<1x8x51200xf32, #tpu.memory_space<vmem>>, vector<1x8x51200xf32>
    %get3A_8 = vector.shape_cast %get3A_7 : vector<1x8x51200xf32> to vector<8x51200xf32>
    %concatenate3A = tpu.concatenate %get3A_3, %get3A_8 in 0 : vector<8x51200xf32>, vector<8x51200xf32> -> vector<16x51200xf32>
    %slice3A = vector.extract_strided_slice %concatenate3A {offsets = [0, 0], sizes = [16, 6400], strides = [1, 1]} : vector<16x51200xf32> to vector<16x6400xf32>
    %slice3A_9 = vector.extract_strided_slice %concatenate3A {offsets = [0, 6400], sizes = [16, 6400], strides = [1, 1]} : vector<16x51200xf32> to vector<16x6400xf32>
    %slice3A_10 = vector.extract_strided_slice %concatenate3A {offsets = [0, 12800], sizes = [16, 6400], strides = [1, 1]} : vector<16x51200xf32> to vector<16x6400xf32>
    %slice3A_11 = vector.extract_strided_slice %concatenate3A {offsets = [0, 19200], sizes = [16, 6400], strides = [1, 1]} : vector<16x51200xf32> to vector<16x6400xf32>
    %slice3A_12 = vector.extract_strided_slice %concatenate3A {offsets = [0, 25600], sizes = [16, 6400], strides = [1, 1]} : vector<16x51200xf32> to vector<16x6400xf32>
    %slice3A_13 = vector.extract_strided_slice %concatenate3A {offsets = [0, 32000], sizes = [16, 6400], strides = [1, 1]} : vector<16x51200xf32> to vector<16x6400xf32>
    %slice3A_14 = vector.extract_strided_slice %concatenate3A {offsets = [0, 38400], sizes = [16, 6400], strides = [1, 1]} : vector<16x51200xf32> to vector<16x6400xf32>
    %slice3A_15 = vector.extract_strided_slice %concatenate3A {offsets = [0, 44800], sizes = [16, 6400], strides = [1, 1]} : vector<16x51200xf32> to vector<16x6400xf32>
    %concatenate3A_16 = tpu.concatenate %slice3A, %slice3A_9, %slice3A_10, %slice3A_11, %slice3A_12, %slice3A_13, %slice3A_14, %slice3A_15 in 0 : vector<16x6400xf32>, vector<16x6400xf32>, vector<16x6400xf32>, vector<16x6400xf32>, vector<16x6400xf32>, vector<16x6400xf32>, vector<16x6400xf32>, vector<16x6400xf32> -> vector<128x6400xf32>
    %get3A_17 = arith.constant 0 : index
    %get3A_18 = arith.constant 0 : index
    %get3A_19 = vector.load %arg4[%get3A_17, %get3A_18] : memref<128x128xf32, #tpu.memory_space<vmem>>, vector<128x128xf32>
    %dot_general3A = arith.constant dense<0.000000e+00> : vector<6400x128xf32>
    %dot_general3A_20 = tpu.matmul %concatenate3A_16, %get3A_19, %dot_general3A {dimension_numbers = #tpu.dot_dimension_numbers<[0], [0], [1], [1], [0, 1, 1, 1], [], []>, transpose_lhs_hint = false} : vector<128x6400xf32>, vector<128x128xf32>, vector<6400x128xf32> -> vector<6400x128xf32>
    %swap3A = arith.constant 0 : index
    %swap3A_21 = arith.constant 0 : index
    %swap3A_22 = arith.constant 0 : index
    %swap3A_23 = vector.load %arg5[%swap3A, %swap3A_21, %swap3A_22] : memref<1x6400x128xf32, #tpu.memory_space<vmem>>, vector<1x6400x128xf32>
    %swap3A_24 = vector.shape_cast %swap3A_23 : vector<1x6400x128xf32> to vector<6400x128xf32>
    %swap3A_25 = vector.shape_cast %dot_general3A_20 : vector<6400x128xf32> to vector<1x6400x128xf32>
    tpu.vector_store %arg5[%swap3A, %swap3A_21, %swap3A_22], %swap3A_25 {strides = array<i32>} : memref<1x6400x128xf32, #tpu.memory_space<vmem>>, vector<1x6400x128xf32>,
    return
  }
  func.func @transform_0(%arg0: i32, %arg1: i32) -> (i32, i32, i32) {
    %c0_i32 = arith.constant 0 : i32
    %c0_i32_0 = arith.constant 0 : i32
    return %arg0, %c0_i32, %arg1 : i32, i32, i32
  }
  func.func @transform_1(%arg0: i32, %arg1: i32) -> (i32, i32, i32) {
    %c1_i32 = arith.constant 1 : i32
    %c0_i32 = arith.constant 0 : i32
    return %arg0, %c1_i32, %arg1 : i32, i32, i32
  }
  func.func @transform_2(%arg0: i32, %arg1: i32) -> (i32, i32) {
    %c0_i32 = arith.constant 0 : i32
    %c0_i32_0 = arith.constant 0 : i32
    %c0_i32_1 = arith.constant 0 : i32
    return %c0_i32, %c0_i32_0 : i32, i32
  }
  func.func @transform_3(%arg0: i32, %arg1: i32) -> (i32, i32, i32) {
    %mul3A = arith.constant 20 : i32
    %mul3A_0 = arith.muli %arg0, %mul3A : i32
    %add3A = arith.addi %mul3A_0, %arg1 : i32
    %c0_i32 = arith.constant 0 : i32
    %c0_i32_1 = arith.constant 0 : i32
    %c0_i32_2 = arith.constant 0 : i32
    return %add3A, %c0_i32, %c0_i32_1 : i32, i32, i32
  }
}

module attributes {stable_mosaic.version = 14 : i64} {
  func.func @body(%arg0: i32, %arg1: memref<28x512x16xf32, #tpu.memory_space<vmem>>, %arg2: memref<448x256xf32, #tpu.memory_space<vmem>>, %arg3: memref<1x256xf32, #tpu.memory_space<vmem>>, %arg4: memref<256x1xf32, #tpu.memory_space<vmem>>, %arg5: memref<1x1xf32, #tpu.memory_space<vmem>>, %arg6: memref<512x1xf32, #tpu.memory_space<vmem>>) attributes {dimension_semantics = [#tpu.dimension_semantics<arbitrary>], iteration_bounds = array<i64: 32>, scalar_prefetch = 0 : i64, scratch_operands = 0 : i64, tpu.core_type = #tpu.core_type<tc>, window_params = [{transform_indices = @transform_0, window_bounds = array<i64: 28, 512, 16>}, {pipeline_mode = #tpu.pipeline_mode<synchronous>, transform_indices = @transform_1, window_bounds = array<i64: 448, 256>}, {pipeline_mode = #tpu.pipeline_mode<synchronous>, transform_indices = @transform_2, window_bounds = array<i64: 1, 256>}, {pipeline_mode = #tpu.pipeline_mode<synchronous>, transform_indices = @transform_3, window_bounds = array<i64: 256, 1>}, {pipeline_mode = #tpu.pipeline_mode<synchronous>, transform_indices = @transform_4, window_bounds = array<i64: 1, 1>}, {transform_indices = @transform_5, window_bounds = array<i64: 512, 1>}]} {
    %get3A = arith.constant 0 : index
    %get3A_0 = arith.constant 0 : index
    %get3A_1 = vector.load %arg3[%get3A, %get3A_0] : memref<1x256xf32, #tpu.memory_space<vmem>>, vector<1x256xf32>
    %broadcast_in_dim3A = vector.shape_cast %get3A_1 : vector<1x256xf32> to vector<1x256xf32>
    %broadcast_in_dim3A_2 = vector.broadcast %broadcast_in_dim3A : vector<1x256xf32> to vector<512x256xf32>
    %broadcast_in_dim3A_3 = arith.constant 0.000000e+00 : f32
    %broadcast_in_dim3A_4 = vector.broadcast %broadcast_in_dim3A_3 : f32 to vector<512x1xf32>
    %get3A_5 = arith.constant 0 : index
    %get3A_6 = arith.constant 0 : index
    %get3A_7 = arith.constant 0 : index
    %get3A_8 = vector.load %arg1[%get3A_5, %get3A_6, %get3A_7] : memref<28x512x16xf32, #tpu.memory_space<vmem>>, vector<1x512x16xf32>
    %get3A_9 = vector.shape_cast %get3A_8 : vector<1x512x16xf32> to vector<512x16xf32>
    %get3A_10 = arith.constant 0 : index
    %get3A_11 = arith.constant 0 : index
    %get3A_12 = vector.load %arg2[%get3A_10, %get3A_11] : memref<448x256xf32, #tpu.memory_space<vmem>>, vector<16x256xf32>
    %dot_general3A = arith.constant dense<0.000000e+00> : vector<512x256xf32>
    %dot_general3A_13 = tpu.matmul %get3A_9, %get3A_12, %dot_general3A {dimension_numbers = #tpu.dot_dimension_numbers<[1], [0], [0], [1], [0, 0, 1, 1], [], []>, transpose_lhs_hint = false} : vector<512x16xf32>, vector<16x256xf32>, vector<512x256xf32> -> vector<512x256xf32>
    %add3A = arith.addf %broadcast_in_dim3A_2, %dot_general3A_13 : vector<512x256xf32>
    %reduce_sum3A = arith.constant dense<0.000000e+00> : vector<512xf32>
    %reduce_sum3A_14 = vector.multi_reduction <add>, %get3A_9, %reduce_sum3A [1] : vector<512x16xf32> to vector<512xf32>
    %broadcast_in_dim3A_15 = vector.shape_cast %reduce_sum3A_14 : vector<512xf32> to vector<512x1xf32>
    %add3A_16 = arith.addf %broadcast_in_dim3A_4, %broadcast_in_dim3A_15 : vector<512x1xf32>
    %get3A_17 = arith.constant 1 : index
    %get3A_18 = arith.constant 0 : index
    %get3A_19 = arith.constant 0 : index
    %get3A_20 = vector.load %arg1[%get3A_17, %get3A_18, %get3A_19] : memref<28x512x16xf32, #tpu.memory_space<vmem>>, vector<1x512x16xf32>
    %get3A_21 = vector.shape_cast %get3A_20 : vector<1x512x16xf32> to vector<512x16xf32>
    %get3A_22 = arith.constant 16 : index
    %get3A_23 = arith.constant 0 : index
    %get3A_24 = vector.load %arg2[%get3A_22, %get3A_23] : memref<448x256xf32, #tpu.memory_space<vmem>>, vector<16x256xf32>
    %dot_general3A_25 = arith.constant dense<0.000000e+00> : vector<512x256xf32>
    %dot_general3A_26 = tpu.matmul %get3A_21, %get3A_24, %dot_general3A_25 {dimension_numbers = #tpu.dot_dimension_numbers<[1], [0], [0], [1], [0, 0, 1, 1], [], []>, transpose_lhs_hint = false} : vector<512x16xf32>, vector<16x256xf32>, vector<512x256xf32> -> vector<512x256xf32>
    %add3A_27 = arith.addf %add3A, %dot_general3A_26 : vector<512x256xf32>
    %reduce_sum3A_28 = arith.constant dense<0.000000e+00> : vector<512xf32>
    %reduce_sum3A_29 = vector.multi_reduction <add>, %get3A_21, %reduce_sum3A_28 [1] : vector<512x16xf32> to vector<512xf32>
    %broadcast_in_dim3A_30 = vector.shape_cast %reduce_sum3A_29 : vector<512xf32> to vector<512x1xf32>
    %add3A_31 = arith.addf %add3A_16, %broadcast_in_dim3A_30 : vector<512x1xf32>
    %get3A_32 = arith.constant 2 : index
    %get3A_33 = arith.constant 0 : index
    %get3A_34 = arith.constant 0 : index
    %get3A_35 = vector.load %arg1[%get3A_32, %get3A_33, %get3A_34] : memref<28x512x16xf32, #tpu.memory_space<vmem>>, vector<1x512x16xf32>
    %get3A_36 = vector.shape_cast %get3A_35 : vector<1x512x16xf32> to vector<512x16xf32>
    %get3A_37 = arith.constant 32 : index
    %get3A_38 = arith.constant 0 : index
    %get3A_39 = vector.load %arg2[%get3A_37, %get3A_38] : memref<448x256xf32, #tpu.memory_space<vmem>>, vector<16x256xf32>
    %dot_general3A_40 = arith.constant dense<0.000000e+00> : vector<512x256xf32>
    %dot_general3A_41 = tpu.matmul %get3A_36, %get3A_39, %dot_general3A_40 {dimension_numbers = #tpu.dot_dimension_numbers<[1], [0], [0], [1], [0, 0, 1, 1], [], []>, transpose_lhs_hint = false} : vector<512x16xf32>, vector<16x256xf32>, vector<512x256xf32> -> vector<512x256xf32>
    %add3A_42 = arith.addf %add3A_27, %dot_general3A_41 : vector<512x256xf32>
    %reduce_sum3A_43 = arith.constant dense<0.000000e+00> : vector<512xf32>
    %reduce_sum3A_44 = vector.multi_reduction <add>, %get3A_36, %reduce_sum3A_43 [1] : vector<512x16xf32> to vector<512xf32>
    %broadcast_in_dim3A_45 = vector.shape_cast %reduce_sum3A_44 : vector<512xf32> to vector<512x1xf32>
    %add3A_46 = arith.addf %add3A_31, %broadcast_in_dim3A_45 : vector<512x1xf32>
    %get3A_47 = arith.constant 3 : index
    %get3A_48 = arith.constant 0 : index
    %get3A_49 = arith.constant 0 : index
    %get3A_50 = vector.load %arg1[%get3A_47, %get3A_48, %get3A_49] : memref<28x512x16xf32, #tpu.memory_space<vmem>>, vector<1x512x16xf32>
    %get3A_51 = vector.shape_cast %get3A_50 : vector<1x512x16xf32> to vector<512x16xf32>
    %get3A_52 = arith.constant 48 : index
    %get3A_53 = arith.constant 0 : index
    %get3A_54 = vector.load %arg2[%get3A_52, %get3A_53] : memref<448x256xf32, #tpu.memory_space<vmem>>, vector<16x256xf32>
    %dot_general3A_55 = arith.constant dense<0.000000e+00> : vector<512x256xf32>
    %dot_general3A_56 = tpu.matmul %get3A_51, %get3A_54, %dot_general3A_55 {dimension_numbers = #tpu.dot_dimension_numbers<[1], [0], [0], [1], [0, 0, 1, 1], [], []>, transpose_lhs_hint = false} : vector<512x16xf32>, vector<16x256xf32>, vector<512x256xf32> -> vector<512x256xf32>
    %add3A_57 = arith.addf %add3A_42, %dot_general3A_56 : vector<512x256xf32>
    %reduce_sum3A_58 = arith.constant dense<0.000000e+00> : vector<512xf32>
    %reduce_sum3A_59 = vector.multi_reduction <add>, %get3A_51, %reduce_sum3A_58 [1] : vector<512x16xf32> to vector<512xf32>
    %broadcast_in_dim3A_60 = vector.shape_cast %reduce_sum3A_59 : vector<512xf32> to vector<512x1xf32>
    %add3A_61 = arith.addf %add3A_46, %broadcast_in_dim3A_60 : vector<512x1xf32>
    %get3A_62 = arith.constant 4 : index
    %get3A_63 = arith.constant 0 : index
    %get3A_64 = arith.constant 0 : index
    %get3A_65 = vector.load %arg1[%get3A_62, %get3A_63, %get3A_64] : memref<28x512x16xf32, #tpu.memory_space<vmem>>, vector<1x512x16xf32>
    %get3A_66 = vector.shape_cast %get3A_65 : vector<1x512x16xf32> to vector<512x16xf32>
    %get3A_67 = arith.constant 64 : index
    %get3A_68 = arith.constant 0 : index
    %get3A_69 = vector.load %arg2[%get3A_67, %get3A_68] : memref<448x256xf32, #tpu.memory_space<vmem>>, vector<16x256xf32>
    %dot_general3A_70 = arith.constant dense<0.000000e+00> : vector<512x256xf32>
    %dot_general3A_71 = tpu.matmul %get3A_66, %get3A_69, %dot_general3A_70 {dimension_numbers = #tpu.dot_dimension_numbers<[1], [0], [0], [1], [0, 0, 1, 1], [], []>, transpose_lhs_hint = false} : vector<512x16xf32>, vector<16x256xf32>, vector<512x256xf32> -> vector<512x256xf32>
    %add3A_72 = arith.addf %add3A_57, %dot_general3A_71 : vector<512x256xf32>
    %reduce_sum3A_73 = arith.constant dense<0.000000e+00> : vector<512xf32>
    %reduce_sum3A_74 = vector.multi_reduction <add>, %get3A_66, %reduce_sum3A_73 [1] : vector<512x16xf32> to vector<512xf32>
    %broadcast_in_dim3A_75 = vector.shape_cast %reduce_sum3A_74 : vector<512xf32> to vector<512x1xf32>
    %add3A_76 = arith.addf %add3A_61, %broadcast_in_dim3A_75 : vector<512x1xf32>
    %get3A_77 = arith.constant 5 : index
    %get3A_78 = arith.constant 0 : index
    %get3A_79 = arith.constant 0 : index
    %get3A_80 = vector.load %arg1[%get3A_77, %get3A_78, %get3A_79] : memref<28x512x16xf32, #tpu.memory_space<vmem>>, vector<1x512x16xf32>
    %get3A_81 = vector.shape_cast %get3A_80 : vector<1x512x16xf32> to vector<512x16xf32>
    %get3A_82 = arith.constant 80 : index
    %get3A_83 = arith.constant 0 : index
    %get3A_84 = vector.load %arg2[%get3A_82, %get3A_83] : memref<448x256xf32, #tpu.memory_space<vmem>>, vector<16x256xf32>
    %dot_general3A_85 = arith.constant dense<0.000000e+00> : vector<512x256xf32>
    %dot_general3A_86 = tpu.matmul %get3A_81, %get3A_84, %dot_general3A_85 {dimension_numbers = #tpu.dot_dimension_numbers<[1], [0], [0], [1], [0, 0, 1, 1], [], []>, transpose_lhs_hint = false} : vector<512x16xf32>, vector<16x256xf32>, vector<512x256xf32> -> vector<512x256xf32>
    %add3A_87 = arith.addf %add3A_72, %dot_general3A_86 : vector<512x256xf32>
    %reduce_sum3A_88 = arith.constant dense<0.000000e+00> : vector<512xf32>
    %reduce_sum3A_89 = vector.multi_reduction <add>, %get3A_81, %reduce_sum3A_88 [1] : vector<512x16xf32> to vector<512xf32>
    %broadcast_in_dim3A_90 = vector.shape_cast %reduce_sum3A_89 : vector<512xf32> to vector<512x1xf32>
    %add3A_91 = arith.addf %add3A_76, %broadcast_in_dim3A_90 : vector<512x1xf32>
    %get3A_92 = arith.constant 6 : index
    %get3A_93 = arith.constant 0 : index
    %get3A_94 = arith.constant 0 : index
    %get3A_95 = vector.load %arg1[%get3A_92, %get3A_93, %get3A_94] : memref<28x512x16xf32, #tpu.memory_space<vmem>>, vector<1x512x16xf32>
    %get3A_96 = vector.shape_cast %get3A_95 : vector<1x512x16xf32> to vector<512x16xf32>
    %get3A_97 = arith.constant 96 : index
    %get3A_98 = arith.constant 0 : index
    %get3A_99 = vector.load %arg2[%get3A_97, %get3A_98] : memref<448x256xf32, #tpu.memory_space<vmem>>, vector<16x256xf32>
    %dot_general3A_100 = arith.constant dense<0.000000e+00> : vector<512x256xf32>
    %dot_general3A_101 = tpu.matmul %get3A_96, %get3A_99, %dot_general3A_100 {dimension_numbers = #tpu.dot_dimension_numbers<[1], [0], [0], [1], [0, 0, 1, 1], [], []>, transpose_lhs_hint = false} : vector<512x16xf32>, vector<16x256xf32>, vector<512x256xf32> -> vector<512x256xf32>
    %add3A_102 = arith.addf %add3A_87, %dot_general3A_101 : vector<512x256xf32>
    %reduce_sum3A_103 = arith.constant dense<0.000000e+00> : vector<512xf32>
    %reduce_sum3A_104 = vector.multi_reduction <add>, %get3A_96, %reduce_sum3A_103 [1] : vector<512x16xf32> to vector<512xf32>
    %broadcast_in_dim3A_105 = vector.shape_cast %reduce_sum3A_104 : vector<512xf32> to vector<512x1xf32>
    %add3A_106 = arith.addf %add3A_91, %broadcast_in_dim3A_105 : vector<512x1xf32>
    %get3A_107 = arith.constant 7 : index
    %get3A_108 = arith.constant 0 : index
    %get3A_109 = arith.constant 0 : index
    %get3A_110 = vector.load %arg1[%get3A_107, %get3A_108, %get3A_109] : memref<28x512x16xf32, #tpu.memory_space<vmem>>, vector<1x512x16xf32>
    %get3A_111 = vector.shape_cast %get3A_110 : vector<1x512x16xf32> to vector<512x16xf32>
    %get3A_112 = arith.constant 112 : index
    %get3A_113 = arith.constant 0 : index
    %get3A_114 = vector.load %arg2[%get3A_112, %get3A_113] : memref<448x256xf32, #tpu.memory_space<vmem>>, vector<16x256xf32>
    %dot_general3A_115 = arith.constant dense<0.000000e+00> : vector<512x256xf32>
    %dot_general3A_116 = tpu.matmul %get3A_111, %get3A_114, %dot_general3A_115 {dimension_numbers = #tpu.dot_dimension_numbers<[1], [0], [0], [1], [0, 0, 1, 1], [], []>, transpose_lhs_hint = false} : vector<512x16xf32>, vector<16x256xf32>, vector<512x256xf32> -> vector<512x256xf32>
    %add3A_117 = arith.addf %add3A_102, %dot_general3A_116 : vector<512x256xf32>
    %reduce_sum3A_118 = arith.constant dense<0.000000e+00> : vector<512xf32>
    %reduce_sum3A_119 = vector.multi_reduction <add>, %get3A_111, %reduce_sum3A_118 [1] : vector<512x16xf32> to vector<512xf32>
    %broadcast_in_dim3A_120 = vector.shape_cast %reduce_sum3A_119 : vector<512xf32> to vector<512x1xf32>
    %add3A_121 = arith.addf %add3A_106, %broadcast_in_dim3A_120 : vector<512x1xf32>
    %get3A_122 = arith.constant 8 : index
    %get3A_123 = arith.constant 0 : index
    %get3A_124 = arith.constant 0 : index
    %get3A_125 = vector.load %arg1[%get3A_122, %get3A_123, %get3A_124] : memref<28x512x16xf32, #tpu.memory_space<vmem>>, vector<1x512x16xf32>
    %get3A_126 = vector.shape_cast %get3A_125 : vector<1x512x16xf32> to vector<512x16xf32>
    %get3A_127 = arith.constant 128 : index
    %get3A_128 = arith.constant 0 : index
    %get3A_129 = vector.load %arg2[%get3A_127, %get3A_128] : memref<448x256xf32, #tpu.memory_space<vmem>>, vector<16x256xf32>
    %dot_general3A_130 = arith.constant dense<0.000000e+00> : vector<512x256xf32>
    %dot_general3A_131 = tpu.matmul %get3A_126, %get3A_129, %dot_general3A_130 {dimension_numbers = #tpu.dot_dimension_numbers<[1], [0], [0], [1], [0, 0, 1, 1], [], []>, transpose_lhs_hint = false} : vector<512x16xf32>, vector<16x256xf32>, vector<512x256xf32> -> vector<512x256xf32>
    %add3A_132 = arith.addf %add3A_117, %dot_general3A_131 : vector<512x256xf32>
    %reduce_sum3A_133 = arith.constant dense<0.000000e+00> : vector<512xf32>
    %reduce_sum3A_134 = vector.multi_reduction <add>, %get3A_126, %reduce_sum3A_133 [1] : vector<512x16xf32> to vector<512xf32>
    %broadcast_in_dim3A_135 = vector.shape_cast %reduce_sum3A_134 : vector<512xf32> to vector<512x1xf32>
    %add3A_136 = arith.addf %add3A_121, %broadcast_in_dim3A_135 : vector<512x1xf32>
    %get3A_137 = arith.constant 9 : index
    %get3A_138 = arith.constant 0 : index
    %get3A_139 = arith.constant 0 : index
    %get3A_140 = vector.load %arg1[%get3A_137, %get3A_138, %get3A_139] : memref<28x512x16xf32, #tpu.memory_space<vmem>>, vector<1x512x16xf32>
    %get3A_141 = vector.shape_cast %get3A_140 : vector<1x512x16xf32> to vector<512x16xf32>
    %get3A_142 = arith.constant 144 : index
    %get3A_143 = arith.constant 0 : index
    %get3A_144 = vector.load %arg2[%get3A_142, %get3A_143] : memref<448x256xf32, #tpu.memory_space<vmem>>, vector<16x256xf32>
    %dot_general3A_145 = arith.constant dense<0.000000e+00> : vector<512x256xf32>
    %dot_general3A_146 = tpu.matmul %get3A_141, %get3A_144, %dot_general3A_145 {dimension_numbers = #tpu.dot_dimension_numbers<[1], [0], [0], [1], [0, 0, 1, 1], [], []>, transpose_lhs_hint = false} : vector<512x16xf32>, vector<16x256xf32>, vector<512x256xf32> -> vector<512x256xf32>
    %add3A_147 = arith.addf %add3A_132, %dot_general3A_146 : vector<512x256xf32>
    %reduce_sum3A_148 = arith.constant dense<0.000000e+00> : vector<512xf32>
    %reduce_sum3A_149 = vector.multi_reduction <add>, %get3A_141, %reduce_sum3A_148 [1] : vector<512x16xf32> to vector<512xf32>
    %broadcast_in_dim3A_150 = vector.shape_cast %reduce_sum3A_149 : vector<512xf32> to vector<512x1xf32>
    %add3A_151 = arith.addf %add3A_136, %broadcast_in_dim3A_150 : vector<512x1xf32>
    %get3A_152 = arith.constant 10 : index
    %get3A_153 = arith.constant 0 : index
    %get3A_154 = arith.constant 0 : index
    %get3A_155 = vector.load %arg1[%get3A_152, %get3A_153, %get3A_154] : memref<28x512x16xf32, #tpu.memory_space<vmem>>, vector<1x512x16xf32>
    %get3A_156 = vector.shape_cast %get3A_155 : vector<1x512x16xf32> to vector<512x16xf32>
    %get3A_157 = arith.constant 160 : index
    %get3A_158 = arith.constant 0 : index
    %get3A_159 = vector.load %arg2[%get3A_157, %get3A_158] : memref<448x256xf32, #tpu.memory_space<vmem>>, vector<16x256xf32>
    %dot_general3A_160 = arith.constant dense<0.000000e+00> : vector<512x256xf32>
    %dot_general3A_161 = tpu.matmul %get3A_156, %get3A_159, %dot_general3A_160 {dimension_numbers = #tpu.dot_dimension_numbers<[1], [0], [0], [1], [0, 0, 1, 1], [], []>, transpose_lhs_hint = false} : vector<512x16xf32>, vector<16x256xf32>, vector<512x256xf32> -> vector<512x256xf32>
    %add3A_162 = arith.addf %add3A_147, %dot_general3A_161 : vector<512x256xf32>
    %reduce_sum3A_163 = arith.constant dense<0.000000e+00> : vector<512xf32>
    %reduce_sum3A_164 = vector.multi_reduction <add>, %get3A_156, %reduce_sum3A_163 [1] : vector<512x16xf32> to vector<512xf32>
    %broadcast_in_dim3A_165 = vector.shape_cast %reduce_sum3A_164 : vector<512xf32> to vector<512x1xf32>
    %add3A_166 = arith.addf %add3A_151, %broadcast_in_dim3A_165 : vector<512x1xf32>
    %get3A_167 = arith.constant 11 : index
    %get3A_168 = arith.constant 0 : index
    %get3A_169 = arith.constant 0 : index
    %get3A_170 = vector.load %arg1[%get3A_167, %get3A_168, %get3A_169] : memref<28x512x16xf32, #tpu.memory_space<vmem>>, vector<1x512x16xf32>
    %get3A_171 = vector.shape_cast %get3A_170 : vector<1x512x16xf32> to vector<512x16xf32>
    %get3A_172 = arith.constant 176 : index
    %get3A_173 = arith.constant 0 : index
    %get3A_174 = vector.load %arg2[%get3A_172, %get3A_173] : memref<448x256xf32, #tpu.memory_space<vmem>>, vector<16x256xf32>
    %dot_general3A_175 = arith.constant dense<0.000000e+00> : vector<512x256xf32>
    %dot_general3A_176 = tpu.matmul %get3A_171, %get3A_174, %dot_general3A_175 {dimension_numbers = #tpu.dot_dimension_numbers<[1], [0], [0], [1], [0, 0, 1, 1], [], []>, transpose_lhs_hint = false} : vector<512x16xf32>, vector<16x256xf32>, vector<512x256xf32> -> vector<512x256xf32>
    %add3A_177 = arith.addf %add3A_162, %dot_general3A_176 : vector<512x256xf32>
    %reduce_sum3A_178 = arith.constant dense<0.000000e+00> : vector<512xf32>
    %reduce_sum3A_179 = vector.multi_reduction <add>, %get3A_171, %reduce_sum3A_178 [1] : vector<512x16xf32> to vector<512xf32>
    %broadcast_in_dim3A_180 = vector.shape_cast %reduce_sum3A_179 : vector<512xf32> to vector<512x1xf32>
    %add3A_181 = arith.addf %add3A_166, %broadcast_in_dim3A_180 : vector<512x1xf32>
    %get3A_182 = arith.constant 12 : index
    %get3A_183 = arith.constant 0 : index
    %get3A_184 = arith.constant 0 : index
    %get3A_185 = vector.load %arg1[%get3A_182, %get3A_183, %get3A_184] : memref<28x512x16xf32, #tpu.memory_space<vmem>>, vector<1x512x16xf32>
    %get3A_186 = vector.shape_cast %get3A_185 : vector<1x512x16xf32> to vector<512x16xf32>
    %get3A_187 = arith.constant 192 : index
    %get3A_188 = arith.constant 0 : index
    %get3A_189 = vector.load %arg2[%get3A_187, %get3A_188] : memref<448x256xf32, #tpu.memory_space<vmem>>, vector<16x256xf32>
    %dot_general3A_190 = arith.constant dense<0.000000e+00> : vector<512x256xf32>
    %dot_general3A_191 = tpu.matmul %get3A_186, %get3A_189, %dot_general3A_190 {dimension_numbers = #tpu.dot_dimension_numbers<[1], [0], [0], [1], [0, 0, 1, 1], [], []>, transpose_lhs_hint = false} : vector<512x16xf32>, vector<16x256xf32>, vector<512x256xf32> -> vector<512x256xf32>
    %add3A_192 = arith.addf %add3A_177, %dot_general3A_191 : vector<512x256xf32>
    %reduce_sum3A_193 = arith.constant dense<0.000000e+00> : vector<512xf32>
    %reduce_sum3A_194 = vector.multi_reduction <add>, %get3A_186, %reduce_sum3A_193 [1] : vector<512x16xf32> to vector<512xf32>
    %broadcast_in_dim3A_195 = vector.shape_cast %reduce_sum3A_194 : vector<512xf32> to vector<512x1xf32>
    %add3A_196 = arith.addf %add3A_181, %broadcast_in_dim3A_195 : vector<512x1xf32>
    %get3A_197 = arith.constant 13 : index
    %get3A_198 = arith.constant 0 : index
    %get3A_199 = arith.constant 0 : index
    %get3A_200 = vector.load %arg1[%get3A_197, %get3A_198, %get3A_199] : memref<28x512x16xf32, #tpu.memory_space<vmem>>, vector<1x512x16xf32>
    %get3A_201 = vector.shape_cast %get3A_200 : vector<1x512x16xf32> to vector<512x16xf32>
    %get3A_202 = arith.constant 208 : index
    %get3A_203 = arith.constant 0 : index
    %get3A_204 = vector.load %arg2[%get3A_202, %get3A_203] : memref<448x256xf32, #tpu.memory_space<vmem>>, vector<16x256xf32>
    %dot_general3A_205 = arith.constant dense<0.000000e+00> : vector<512x256xf32>
    %dot_general3A_206 = tpu.matmul %get3A_201, %get3A_204, %dot_general3A_205 {dimension_numbers = #tpu.dot_dimension_numbers<[1], [0], [0], [1], [0, 0, 1, 1], [], []>, transpose_lhs_hint = false} : vector<512x16xf32>, vector<16x256xf32>, vector<512x256xf32> -> vector<512x256xf32>
    %add3A_207 = arith.addf %add3A_192, %dot_general3A_206 : vector<512x256xf32>
    %reduce_sum3A_208 = arith.constant dense<0.000000e+00> : vector<512xf32>
    %reduce_sum3A_209 = vector.multi_reduction <add>, %get3A_201, %reduce_sum3A_208 [1] : vector<512x16xf32> to vector<512xf32>
    %broadcast_in_dim3A_210 = vector.shape_cast %reduce_sum3A_209 : vector<512xf32> to vector<512x1xf32>
    %add3A_211 = arith.addf %add3A_196, %broadcast_in_dim3A_210 : vector<512x1xf32>
    %get3A_212 = arith.constant 14 : index
    %get3A_213 = arith.constant 0 : index
    %get3A_214 = arith.constant 0 : index
    %get3A_215 = vector.load %arg1[%get3A_212, %get3A_213, %get3A_214] : memref<28x512x16xf32, #tpu.memory_space<vmem>>, vector<1x512x16xf32>
    %get3A_216 = vector.shape_cast %get3A_215 : vector<1x512x16xf32> to vector<512x16xf32>
    %get3A_217 = arith.constant 224 : index
    %get3A_218 = arith.constant 0 : index
    %get3A_219 = vector.load %arg2[%get3A_217, %get3A_218] : memref<448x256xf32, #tpu.memory_space<vmem>>, vector<16x256xf32>
    %dot_general3A_220 = arith.constant dense<0.000000e+00> : vector<512x256xf32>
    %dot_general3A_221 = tpu.matmul %get3A_216, %get3A_219, %dot_general3A_220 {dimension_numbers = #tpu.dot_dimension_numbers<[1], [0], [0], [1], [0, 0, 1, 1], [], []>, transpose_lhs_hint = false} : vector<512x16xf32>, vector<16x256xf32>, vector<512x256xf32> -> vector<512x256xf32>
    %add3A_222 = arith.addf %add3A_207, %dot_general3A_221 : vector<512x256xf32>
    %reduce_sum3A_223 = arith.constant dense<0.000000e+00> : vector<512xf32>
    %reduce_sum3A_224 = vector.multi_reduction <add>, %get3A_216, %reduce_sum3A_223 [1] : vector<512x16xf32> to vector<512xf32>
    %broadcast_in_dim3A_225 = vector.shape_cast %reduce_sum3A_224 : vector<512xf32> to vector<512x1xf32>
    %add3A_226 = arith.addf %add3A_211, %broadcast_in_dim3A_225 : vector<512x1xf32>
    %get3A_227 = arith.constant 15 : index
    %get3A_228 = arith.constant 0 : index
    %get3A_229 = arith.constant 0 : index
    %get3A_230 = vector.load %arg1[%get3A_227, %get3A_228, %get3A_229] : memref<28x512x16xf32, #tpu.memory_space<vmem>>, vector<1x512x16xf32>
    %get3A_231 = vector.shape_cast %get3A_230 : vector<1x512x16xf32> to vector<512x16xf32>
    %get3A_232 = arith.constant 240 : index
    %get3A_233 = arith.constant 0 : index
    %get3A_234 = vector.load %arg2[%get3A_232, %get3A_233] : memref<448x256xf32, #tpu.memory_space<vmem>>, vector<16x256xf32>
    %dot_general3A_235 = arith.constant dense<0.000000e+00> : vector<512x256xf32>
    %dot_general3A_236 = tpu.matmul %get3A_231, %get3A_234, %dot_general3A_235 {dimension_numbers = #tpu.dot_dimension_numbers<[1], [0], [0], [1], [0, 0, 1, 1], [], []>, transpose_lhs_hint = false} : vector<512x16xf32>, vector<16x256xf32>, vector<512x256xf32> -> vector<512x256xf32>
    %add3A_237 = arith.addf %add3A_222, %dot_general3A_236 : vector<512x256xf32>
    %reduce_sum3A_238 = arith.constant dense<0.000000e+00> : vector<512xf32>
    %reduce_sum3A_239 = vector.multi_reduction <add>, %get3A_231, %reduce_sum3A_238 [1] : vector<512x16xf32> to vector<512xf32>
    %broadcast_in_dim3A_240 = vector.shape_cast %reduce_sum3A_239 : vector<512xf32> to vector<512x1xf32>
    %add3A_241 = arith.addf %add3A_226, %broadcast_in_dim3A_240 : vector<512x1xf32>
    %get3A_242 = arith.constant 16 : index
    %get3A_243 = arith.constant 0 : index
    %get3A_244 = arith.constant 0 : index
    %get3A_245 = vector.load %arg1[%get3A_242, %get3A_243, %get3A_244] : memref<28x512x16xf32, #tpu.memory_space<vmem>>, vector<1x512x16xf32>
    %get3A_246 = vector.shape_cast %get3A_245 : vector<1x512x16xf32> to vector<512x16xf32>
    %get3A_247 = arith.constant 256 : index
    %get3A_248 = arith.constant 0 : index
    %get3A_249 = vector.load %arg2[%get3A_247, %get3A_248] : memref<448x256xf32, #tpu.memory_space<vmem>>, vector<16x256xf32>
    %dot_general3A_250 = arith.constant dense<0.000000e+00> : vector<512x256xf32>
    %dot_general3A_251 = tpu.matmul %get3A_246, %get3A_249, %dot_general3A_250 {dimension_numbers = #tpu.dot_dimension_numbers<[1], [0], [0], [1], [0, 0, 1, 1], [], []>, transpose_lhs_hint = false} : vector<512x16xf32>, vector<16x256xf32>, vector<512x256xf32> -> vector<512x256xf32>
    %add3A_252 = arith.addf %add3A_237, %dot_general3A_251 : vector<512x256xf32>
    %reduce_sum3A_253 = arith.constant dense<0.000000e+00> : vector<512xf32>
    %reduce_sum3A_254 = vector.multi_reduction <add>, %get3A_246, %reduce_sum3A_253 [1] : vector<512x16xf32> to vector<512xf32>
    %broadcast_in_dim3A_255 = vector.shape_cast %reduce_sum3A_254 : vector<512xf32> to vector<512x1xf32>
    %add3A_256 = arith.addf %add3A_241, %broadcast_in_dim3A_255 : vector<512x1xf32>
    %get3A_257 = arith.constant 17 : index
    %get3A_258 = arith.constant 0 : index
    %get3A_259 = arith.constant 0 : index
    %get3A_260 = vector.load %arg1[%get3A_257, %get3A_258, %get3A_259] : memref<28x512x16xf32, #tpu.memory_space<vmem>>, vector<1x512x16xf32>
    %get3A_261 = vector.shape_cast %get3A_260 : vector<1x512x16xf32> to vector<512x16xf32>
    %get3A_262 = arith.constant 272 : index
    %get3A_263 = arith.constant 0 : index
    %get3A_264 = vector.load %arg2[%get3A_262, %get3A_263] : memref<448x256xf32, #tpu.memory_space<vmem>>, vector<16x256xf32>
    %dot_general3A_265 = arith.constant dense<0.000000e+00> : vector<512x256xf32>
    %dot_general3A_266 = tpu.matmul %get3A_261, %get3A_264, %dot_general3A_265 {dimension_numbers = #tpu.dot_dimension_numbers<[1], [0], [0], [1], [0, 0, 1, 1], [], []>, transpose_lhs_hint = false} : vector<512x16xf32>, vector<16x256xf32>, vector<512x256xf32> -> vector<512x256xf32>
    %add3A_267 = arith.addf %add3A_252, %dot_general3A_266 : vector<512x256xf32>
    %reduce_sum3A_268 = arith.constant dense<0.000000e+00> : vector<512xf32>
    %reduce_sum3A_269 = vector.multi_reduction <add>, %get3A_261, %reduce_sum3A_268 [1] : vector<512x16xf32> to vector<512xf32>
    %broadcast_in_dim3A_270 = vector.shape_cast %reduce_sum3A_269 : vector<512xf32> to vector<512x1xf32>
    %add3A_271 = arith.addf %add3A_256, %broadcast_in_dim3A_270 : vector<512x1xf32>
    %get3A_272 = arith.constant 18 : index
    %get3A_273 = arith.constant 0 : index
    %get3A_274 = arith.constant 0 : index
    %get3A_275 = vector.load %arg1[%get3A_272, %get3A_273, %get3A_274] : memref<28x512x16xf32, #tpu.memory_space<vmem>>, vector<1x512x16xf32>
    %get3A_276 = vector.shape_cast %get3A_275 : vector<1x512x16xf32> to vector<512x16xf32>
    %get3A_277 = arith.constant 288 : index
    %get3A_278 = arith.constant 0 : index
    %get3A_279 = vector.load %arg2[%get3A_277, %get3A_278] : memref<448x256xf32, #tpu.memory_space<vmem>>, vector<16x256xf32>
    %dot_general3A_280 = arith.constant dense<0.000000e+00> : vector<512x256xf32>
    %dot_general3A_281 = tpu.matmul %get3A_276, %get3A_279, %dot_general3A_280 {dimension_numbers = #tpu.dot_dimension_numbers<[1], [0], [0], [1], [0, 0, 1, 1], [], []>, transpose_lhs_hint = false} : vector<512x16xf32>, vector<16x256xf32>, vector<512x256xf32> -> vector<512x256xf32>
    %add3A_282 = arith.addf %add3A_267, %dot_general3A_281 : vector<512x256xf32>
    %reduce_sum3A_283 = arith.constant dense<0.000000e+00> : vector<512xf32>
    %reduce_sum3A_284 = vector.multi_reduction <add>, %get3A_276, %reduce_sum3A_283 [1] : vector<512x16xf32> to vector<512xf32>
    %broadcast_in_dim3A_285 = vector.shape_cast %reduce_sum3A_284 : vector<512xf32> to vector<512x1xf32>
    %add3A_286 = arith.addf %add3A_271, %broadcast_in_dim3A_285 : vector<512x1xf32>
    %get3A_287 = arith.constant 19 : index
    %get3A_288 = arith.constant 0 : index
    %get3A_289 = arith.constant 0 : index
    %get3A_290 = vector.load %arg1[%get3A_287, %get3A_288, %get3A_289] : memref<28x512x16xf32, #tpu.memory_space<vmem>>, vector<1x512x16xf32>
    %get3A_291 = vector.shape_cast %get3A_290 : vector<1x512x16xf32> to vector<512x16xf32>
    %get3A_292 = arith.constant 304 : index
    %get3A_293 = arith.constant 0 : index
    %get3A_294 = vector.load %arg2[%get3A_292, %get3A_293] : memref<448x256xf32, #tpu.memory_space<vmem>>, vector<16x256xf32>
    %dot_general3A_295 = arith.constant dense<0.000000e+00> : vector<512x256xf32>
    %dot_general3A_296 = tpu.matmul %get3A_291, %get3A_294, %dot_general3A_295 {dimension_numbers = #tpu.dot_dimension_numbers<[1], [0], [0], [1], [0, 0, 1, 1], [], []>, transpose_lhs_hint = false} : vector<512x16xf32>, vector<16x256xf32>, vector<512x256xf32> -> vector<512x256xf32>
    %add3A_297 = arith.addf %add3A_282, %dot_general3A_296 : vector<512x256xf32>
    %reduce_sum3A_298 = arith.constant dense<0.000000e+00> : vector<512xf32>
    %reduce_sum3A_299 = vector.multi_reduction <add>, %get3A_291, %reduce_sum3A_298 [1] : vector<512x16xf32> to vector<512xf32>
    %broadcast_in_dim3A_300 = vector.shape_cast %reduce_sum3A_299 : vector<512xf32> to vector<512x1xf32>
    %add3A_301 = arith.addf %add3A_286, %broadcast_in_dim3A_300 : vector<512x1xf32>
    %get3A_302 = arith.constant 20 : index
    %get3A_303 = arith.constant 0 : index
    %get3A_304 = arith.constant 0 : index
    %get3A_305 = vector.load %arg1[%get3A_302, %get3A_303, %get3A_304] : memref<28x512x16xf32, #tpu.memory_space<vmem>>, vector<1x512x16xf32>
    %get3A_306 = vector.shape_cast %get3A_305 : vector<1x512x16xf32> to vector<512x16xf32>
    %get3A_307 = arith.constant 320 : index
    %get3A_308 = arith.constant 0 : index
    %get3A_309 = vector.load %arg2[%get3A_307, %get3A_308] : memref<448x256xf32, #tpu.memory_space<vmem>>, vector<16x256xf32>
    %dot_general3A_310 = arith.constant dense<0.000000e+00> : vector<512x256xf32>
    %dot_general3A_311 = tpu.matmul %get3A_306, %get3A_309, %dot_general3A_310 {dimension_numbers = #tpu.dot_dimension_numbers<[1], [0], [0], [1], [0, 0, 1, 1], [], []>, transpose_lhs_hint = false} : vector<512x16xf32>, vector<16x256xf32>, vector<512x256xf32> -> vector<512x256xf32>
    %add3A_312 = arith.addf %add3A_297, %dot_general3A_311 : vector<512x256xf32>
    %reduce_sum3A_313 = arith.constant dense<0.000000e+00> : vector<512xf32>
    %reduce_sum3A_314 = vector.multi_reduction <add>, %get3A_306, %reduce_sum3A_313 [1] : vector<512x16xf32> to vector<512xf32>
    %broadcast_in_dim3A_315 = vector.shape_cast %reduce_sum3A_314 : vector<512xf32> to vector<512x1xf32>
    %add3A_316 = arith.addf %add3A_301, %broadcast_in_dim3A_315 : vector<512x1xf32>
    %get3A_317 = arith.constant 21 : index
    %get3A_318 = arith.constant 0 : index
    %get3A_319 = arith.constant 0 : index
    %get3A_320 = vector.load %arg1[%get3A_317, %get3A_318, %get3A_319] : memref<28x512x16xf32, #tpu.memory_space<vmem>>, vector<1x512x16xf32>
    %get3A_321 = vector.shape_cast %get3A_320 : vector<1x512x16xf32> to vector<512x16xf32>
    %get3A_322 = arith.constant 336 : index
    %get3A_323 = arith.constant 0 : index
    %get3A_324 = vector.load %arg2[%get3A_322, %get3A_323] : memref<448x256xf32, #tpu.memory_space<vmem>>, vector<16x256xf32>
    %dot_general3A_325 = arith.constant dense<0.000000e+00> : vector<512x256xf32>
    %dot_general3A_326 = tpu.matmul %get3A_321, %get3A_324, %dot_general3A_325 {dimension_numbers = #tpu.dot_dimension_numbers<[1], [0], [0], [1], [0, 0, 1, 1], [], []>, transpose_lhs_hint = false} : vector<512x16xf32>, vector<16x256xf32>, vector<512x256xf32> -> vector<512x256xf32>
    %add3A_327 = arith.addf %add3A_312, %dot_general3A_326 : vector<512x256xf32>
    %reduce_sum3A_328 = arith.constant dense<0.000000e+00> : vector<512xf32>
    %reduce_sum3A_329 = vector.multi_reduction <add>, %get3A_321, %reduce_sum3A_328 [1] : vector<512x16xf32> to vector<512xf32>
    %broadcast_in_dim3A_330 = vector.shape_cast %reduce_sum3A_329 : vector<512xf32> to vector<512x1xf32>
    %add3A_331 = arith.addf %add3A_316, %broadcast_in_dim3A_330 : vector<512x1xf32>
    %get3A_332 = arith.constant 22 : index
    %get3A_333 = arith.constant 0 : index
    %get3A_334 = arith.constant 0 : index
    %get3A_335 = vector.load %arg1[%get3A_332, %get3A_333, %get3A_334] : memref<28x512x16xf32, #tpu.memory_space<vmem>>, vector<1x512x16xf32>
    %get3A_336 = vector.shape_cast %get3A_335 : vector<1x512x16xf32> to vector<512x16xf32>
    %get3A_337 = arith.constant 352 : index
    %get3A_338 = arith.constant 0 : index
    %get3A_339 = vector.load %arg2[%get3A_337, %get3A_338] : memref<448x256xf32, #tpu.memory_space<vmem>>, vector<16x256xf32>
    %dot_general3A_340 = arith.constant dense<0.000000e+00> : vector<512x256xf32>
    %dot_general3A_341 = tpu.matmul %get3A_336, %get3A_339, %dot_general3A_340 {dimension_numbers = #tpu.dot_dimension_numbers<[1], [0], [0], [1], [0, 0, 1, 1], [], []>, transpose_lhs_hint = false} : vector<512x16xf32>, vector<16x256xf32>, vector<512x256xf32> -> vector<512x256xf32>
    %add3A_342 = arith.addf %add3A_327, %dot_general3A_341 : vector<512x256xf32>
    %reduce_sum3A_343 = arith.constant dense<0.000000e+00> : vector<512xf32>
    %reduce_sum3A_344 = vector.multi_reduction <add>, %get3A_336, %reduce_sum3A_343 [1] : vector<512x16xf32> to vector<512xf32>
    %broadcast_in_dim3A_345 = vector.shape_cast %reduce_sum3A_344 : vector<512xf32> to vector<512x1xf32>
    %add3A_346 = arith.addf %add3A_331, %broadcast_in_dim3A_345 : vector<512x1xf32>
    %get3A_347 = arith.constant 23 : index
    %get3A_348 = arith.constant 0 : index
    %get3A_349 = arith.constant 0 : index
    %get3A_350 = vector.load %arg1[%get3A_347, %get3A_348, %get3A_349] : memref<28x512x16xf32, #tpu.memory_space<vmem>>, vector<1x512x16xf32>
    %get3A_351 = vector.shape_cast %get3A_350 : vector<1x512x16xf32> to vector<512x16xf32>
    %get3A_352 = arith.constant 368 : index
    %get3A_353 = arith.constant 0 : index
    %get3A_354 = vector.load %arg2[%get3A_352, %get3A_353] : memref<448x256xf32, #tpu.memory_space<vmem>>, vector<16x256xf32>
    %dot_general3A_355 = arith.constant dense<0.000000e+00> : vector<512x256xf32>
    %dot_general3A_356 = tpu.matmul %get3A_351, %get3A_354, %dot_general3A_355 {dimension_numbers = #tpu.dot_dimension_numbers<[1], [0], [0], [1], [0, 0, 1, 1], [], []>, transpose_lhs_hint = false} : vector<512x16xf32>, vector<16x256xf32>, vector<512x256xf32> -> vector<512x256xf32>
    %add3A_357 = arith.addf %add3A_342, %dot_general3A_356 : vector<512x256xf32>
    %reduce_sum3A_358 = arith.constant dense<0.000000e+00> : vector<512xf32>
    %reduce_sum3A_359 = vector.multi_reduction <add>, %get3A_351, %reduce_sum3A_358 [1] : vector<512x16xf32> to vector<512xf32>
    %broadcast_in_dim3A_360 = vector.shape_cast %reduce_sum3A_359 : vector<512xf32> to vector<512x1xf32>
    %add3A_361 = arith.addf %add3A_346, %broadcast_in_dim3A_360 : vector<512x1xf32>
    %get3A_362 = arith.constant 24 : index
    %get3A_363 = arith.constant 0 : index
    %get3A_364 = arith.constant 0 : index
    %get3A_365 = vector.load %arg1[%get3A_362, %get3A_363, %get3A_364] : memref<28x512x16xf32, #tpu.memory_space<vmem>>, vector<1x512x16xf32>
    %get3A_366 = vector.shape_cast %get3A_365 : vector<1x512x16xf32> to vector<512x16xf32>
    %get3A_367 = arith.constant 384 : index
    %get3A_368 = arith.constant 0 : index
    %get3A_369 = vector.load %arg2[%get3A_367, %get3A_368] : memref<448x256xf32, #tpu.memory_space<vmem>>, vector<16x256xf32>
    %dot_general3A_370 = arith.constant dense<0.000000e+00> : vector<512x256xf32>
    %dot_general3A_371 = tpu.matmul %get3A_366, %get3A_369, %dot_general3A_370 {dimension_numbers = #tpu.dot_dimension_numbers<[1], [0], [0], [1], [0, 0, 1, 1], [], []>, transpose_lhs_hint = false} : vector<512x16xf32>, vector<16x256xf32>, vector<512x256xf32> -> vector<512x256xf32>
    %add3A_372 = arith.addf %add3A_357, %dot_general3A_371 : vector<512x256xf32>
    %reduce_sum3A_373 = arith.constant dense<0.000000e+00> : vector<512xf32>
    %reduce_sum3A_374 = vector.multi_reduction <add>, %get3A_366, %reduce_sum3A_373 [1] : vector<512x16xf32> to vector<512xf32>
    %broadcast_in_dim3A_375 = vector.shape_cast %reduce_sum3A_374 : vector<512xf32> to vector<512x1xf32>
    %add3A_376 = arith.addf %add3A_361, %broadcast_in_dim3A_375 : vector<512x1xf32>
    %get3A_377 = arith.constant 25 : index
    %get3A_378 = arith.constant 0 : index
    %get3A_379 = arith.constant 0 : index
    %get3A_380 = vector.load %arg1[%get3A_377, %get3A_378, %get3A_379] : memref<28x512x16xf32, #tpu.memory_space<vmem>>, vector<1x512x16xf32>
    %get3A_381 = vector.shape_cast %get3A_380 : vector<1x512x16xf32> to vector<512x16xf32>
    %get3A_382 = arith.constant 400 : index
    %get3A_383 = arith.constant 0 : index
    %get3A_384 = vector.load %arg2[%get3A_382, %get3A_383] : memref<448x256xf32, #tpu.memory_space<vmem>>, vector<16x256xf32>
    %dot_general3A_385 = arith.constant dense<0.000000e+00> : vector<512x256xf32>
    %dot_general3A_386 = tpu.matmul %get3A_381, %get3A_384, %dot_general3A_385 {dimension_numbers = #tpu.dot_dimension_numbers<[1], [0], [0], [1], [0, 0, 1, 1], [], []>, transpose_lhs_hint = false} : vector<512x16xf32>, vector<16x256xf32>, vector<512x256xf32> -> vector<512x256xf32>
    %add3A_387 = arith.addf %add3A_372, %dot_general3A_386 : vector<512x256xf32>
    %reduce_sum3A_388 = arith.constant dense<0.000000e+00> : vector<512xf32>
    %reduce_sum3A_389 = vector.multi_reduction <add>, %get3A_381, %reduce_sum3A_388 [1] : vector<512x16xf32> to vector<512xf32>
    %broadcast_in_dim3A_390 = vector.shape_cast %reduce_sum3A_389 : vector<512xf32> to vector<512x1xf32>
    %add3A_391 = arith.addf %add3A_376, %broadcast_in_dim3A_390 : vector<512x1xf32>
    %get3A_392 = arith.constant 26 : index
    %get3A_393 = arith.constant 0 : index
    %get3A_394 = arith.constant 0 : index
    %get3A_395 = vector.load %arg1[%get3A_392, %get3A_393, %get3A_394] : memref<28x512x16xf32, #tpu.memory_space<vmem>>, vector<1x512x16xf32>
    %get3A_396 = vector.shape_cast %get3A_395 : vector<1x512x16xf32> to vector<512x16xf32>
    %get3A_397 = arith.constant 416 : index
    %get3A_398 = arith.constant 0 : index
    %get3A_399 = vector.load %arg2[%get3A_397, %get3A_398] : memref<448x256xf32, #tpu.memory_space<vmem>>, vector<16x256xf32>
    %dot_general3A_400 = arith.constant dense<0.000000e+00> : vector<512x256xf32>
    %dot_general3A_401 = tpu.matmul %get3A_396, %get3A_399, %dot_general3A_400 {dimension_numbers = #tpu.dot_dimension_numbers<[1], [0], [0], [1], [0, 0, 1, 1], [], []>, transpose_lhs_hint = false} : vector<512x16xf32>, vector<16x256xf32>, vector<512x256xf32> -> vector<512x256xf32>
    %add3A_402 = arith.addf %add3A_387, %dot_general3A_401 : vector<512x256xf32>
    %reduce_sum3A_403 = arith.constant dense<0.000000e+00> : vector<512xf32>
    %reduce_sum3A_404 = vector.multi_reduction <add>, %get3A_396, %reduce_sum3A_403 [1] : vector<512x16xf32> to vector<512xf32>
    %broadcast_in_dim3A_405 = vector.shape_cast %reduce_sum3A_404 : vector<512xf32> to vector<512x1xf32>
    %add3A_406 = arith.addf %add3A_391, %broadcast_in_dim3A_405 : vector<512x1xf32>
    %get3A_407 = arith.constant 27 : index
    %get3A_408 = arith.constant 0 : index
    %get3A_409 = arith.constant 0 : index
    %get3A_410 = vector.load %arg1[%get3A_407, %get3A_408, %get3A_409] : memref<28x512x16xf32, #tpu.memory_space<vmem>>, vector<1x512x16xf32>
    %get3A_411 = vector.shape_cast %get3A_410 : vector<1x512x16xf32> to vector<512x16xf32>
    %get3A_412 = arith.constant 432 : index
    %get3A_413 = arith.constant 0 : index
    %get3A_414 = vector.load %arg2[%get3A_412, %get3A_413] : memref<448x256xf32, #tpu.memory_space<vmem>>, vector<16x256xf32>
    %dot_general3A_415 = arith.constant dense<0.000000e+00> : vector<512x256xf32>
    %dot_general3A_416 = tpu.matmul %get3A_411, %get3A_414, %dot_general3A_415 {dimension_numbers = #tpu.dot_dimension_numbers<[1], [0], [0], [1], [0, 0, 1, 1], [], []>, transpose_lhs_hint = false} : vector<512x16xf32>, vector<16x256xf32>, vector<512x256xf32> -> vector<512x256xf32>
    %add3A_417 = arith.addf %add3A_402, %dot_general3A_416 : vector<512x256xf32>
    %reduce_sum3A_418 = arith.constant dense<0.000000e+00> : vector<512xf32>
    %reduce_sum3A_419 = vector.multi_reduction <add>, %get3A_411, %reduce_sum3A_418 [1] : vector<512x16xf32> to vector<512xf32>
    %broadcast_in_dim3A_420 = vector.shape_cast %reduce_sum3A_419 : vector<512xf32> to vector<512x1xf32>
    %add3A_421 = arith.addf %add3A_406, %broadcast_in_dim3A_420 : vector<512x1xf32>
    %max3A = arith.constant 0.000000e+00 : f32
    %max3A_422 = vector.broadcast %max3A : f32 to vector<512x256xf32>
    %max3A_423 = arith.maximumf %add3A_417, %max3A_422 : vector<512x256xf32>
    %get3A_424 = arith.constant 0 : index
    %get3A_425 = arith.constant 0 : index
    %get3A_426 = vector.load %arg4[%get3A_424, %get3A_425] : memref<256x1xf32, #tpu.memory_space<vmem>>, vector<256x1xf32>
    %dot_general3A_427 = arith.constant dense<0.000000e+00> : vector<512x1xf32>
    %dot_general3A_428 = tpu.matmul %max3A_423, %get3A_426, %dot_general3A_427 {dimension_numbers = #tpu.dot_dimension_numbers<[1], [0], [0], [1], [0, 0, 1, 1], [], []>, transpose_lhs_hint = false} : vector<512x256xf32>, vector<256x1xf32>, vector<512x1xf32> -> vector<512x1xf32>
    %get3A_429 = arith.constant 0 : index
    %get3A_430 = arith.constant 0 : index
    %get3A_431 = vector.load %arg5[%get3A_429, %get3A_430] : memref<1x1xf32, #tpu.memory_space<vmem>>, vector<1x1xf32>
    %add3A_432 = vector.broadcast %get3A_431 : vector<1x1xf32> to vector<512x1xf32>
    %add3A_433 = arith.addf %dot_general3A_428, %add3A_432 : vector<512x1xf32>
    %add3A_434 = arith.addf %add3A_421, %add3A_433 : vector<512x1xf32>
    %logistic3A = arith.negf %add3A_434 : vector<512x1xf32>
    %logistic3A_435 = math.exp %logistic3A : vector<512x1xf32>
    %logistic3A_436 = arith.constant 1.000000e+00 : f32
    %logistic3A_437 = vector.broadcast %logistic3A_436 : f32 to vector<512x1xf32>
    %logistic3A_438 = arith.addf %logistic3A_437, %logistic3A_435 : vector<512x1xf32>
    %logistic3A_439 = arith.divf %logistic3A_437, %logistic3A_438 : vector<512x1xf32>
    %mul3A = arith.constant 1.000000e+01 : f32
    %mul3A_440 = vector.broadcast %mul3A : f32 to vector<512x1xf32>
    %mul3A_441 = arith.mulf %logistic3A_439, %mul3A_440 : vector<512x1xf32>
    %swap3A = arith.constant 0 : index
    %swap3A_442 = arith.constant 0 : index
    %swap3A_443 = vector.load %arg6[%swap3A, %swap3A_442] : memref<512x1xf32, #tpu.memory_space<vmem>>, vector<512x1xf32>
    tpu.vector_store %arg6[%swap3A, %swap3A_442], %mul3A_441 {strides = array<i32>} : memref<512x1xf32, #tpu.memory_space<vmem>>, vector<512x1xf32>,
    return
  }
  func.func @transform_0(%arg0: i32) -> (i32, i32, i32) {
    %c0_i32 = arith.constant 0 : i32
    %c0_i32_0 = arith.constant 0 : i32
    %c0_i32_1 = arith.constant 0 : i32
    return %c0_i32, %arg0, %c0_i32_0 : i32, i32, i32
  }
  func.func @transform_1(%arg0: i32) -> (i32, i32) {
    %c0_i32 = arith.constant 0 : i32
    %c0_i32_0 = arith.constant 0 : i32
    %c0_i32_1 = arith.constant 0 : i32
    return %c0_i32, %c0_i32_0 : i32, i32
  }
  func.func @transform_2(%arg0: i32) -> (i32, i32) {
    %c0_i32 = arith.constant 0 : i32
    %c0_i32_0 = arith.constant 0 : i32
    %c0_i32_1 = arith.constant 0 : i32
    return %c0_i32, %c0_i32_0 : i32, i32
  }
  func.func @transform_3(%arg0: i32) -> (i32, i32) {
    %c0_i32 = arith.constant 0 : i32
    %c0_i32_0 = arith.constant 0 : i32
    %c0_i32_1 = arith.constant 0 : i32
    return %c0_i32, %c0_i32_0 : i32, i32
  }
  func.func @transform_4(%arg0: i32) -> (i32, i32) {
    %c0_i32 = arith.constant 0 : i32
    %c0_i32_0 = arith.constant 0 : i32
    %c0_i32_1 = arith.constant 0 : i32
    return %c0_i32, %c0_i32_0 : i32, i32
  }
  func.func @transform_5(%arg0: i32) -> (i32, i32) {
    %c0_i32 = arith.constant 0 : i32
    %c0_i32_0 = arith.constant 0 : i32
    return %arg0, %c0_i32 : i32, i32
  }
}

</mosaic_0001>

<sc_bundles>
// kernel: kernel.7.cloned.1.call-start
scs
__scs_entry_jumppad:
0x0: {  	(pc) =	sbr.rel $0x88, $3  }
0x1: {  	(tag) =	ssettag $0x0;
	lr =	simm.s32 $0x1  }
0x2: {  	[smem:$0x3F97] =	sst lr;
	_ =	strace $0xD0000000  }
0x3: {  	_ = 	snop  }
0x4: {  	_ = 	snop  }
0x5: {  	_ = 	snop  }
0x6: {  	_ = 	snop  }
0x7: {  	_ = 	snop  }
__scs_overlays_trampoline_lowered:
0x8: {  	[smem:$0x3FA6] =	sst s0  }
0x9: {  	[smem:$0x3FA7] =	sst s1  }
0xa: {  	[smem:$0x3FA8] =	sst s2  }
0xb: {  	[smem:$0x3FA9] =	sst s3  }
0xc: {  	[smem:$0x3FAA] =	sst s4  }
0xd: {  	[smem:$0x3FAB] =	sst s5  }
0xe: {  	[smem:$0x3FAC] =	sst s6  }
0xf: {  	[smem:$0x3FAD] =	sst s7  }
0x10: {  	[smem:$0x3FAE] =	sst s8  }
0x11: {  	[smem:$0x3FAF] =	sst s9;
	s0 =	simm.s32 @!p0 $0x0  }
0x12: {  	s1 =	sld [smem:$0x3F95];
	s0 =	simm.s32 @p0 $0x1  }
0x13: {  	[smem:$0x3FB0] =	sst s0;
	s0 =	simm.s32 @!p1 $0x0  }
0x14: {  	s2 =	sld [smem:$0x3F94];
	s0 =	simm.s32 @p1 $0x1  }
0x15: {  	[smem:$0x3FB1] =	sst s0;
	s0 =	simm.s32 @!p2 $0x0  }
0x16: {  	s3 =	sld [smem:$0x3FDB];
	s0 =	simm.s32 @p2 $0x1  }
0x17: {  	s4 =	simm.s32 $0x1BF5;
	[smem:$0x3FB3] =	sst s0  }
0x18: {  	s0 =	sld [smem:$0x3F96];
	_ =	swait.ge [sflag:s4], $0x0  }
0x19: {  	s7 =	sld [smem:$0x3F97]  }
0x1a: {  	s8 =	sadd.s32 $0xFFFFE003, lr  }
0x1b: {  	s9 =	sadd.s32 $0xFFFFFEF7, lr;
	s5 =	simm.s32 $0xFFFFFFFF;
	p2 =	slt.u32 s8, $0xFFFFF086  }
0x1c: {  	p1 =	slt.u32 s9, $0xF7A;
	s5 =	simm.s32 @!p2 $0x0  }
0x1d: {  	s5 =	simm.s32 @p1 $0x1;
	p0 =	seq.s32 s7, s2  }
0x1e: {  	s7 =	smul.u32 @!p0 $0xF7A, s2;
	p2 =	seq.s32 @!p0 s5, $0x0  }
0x1f: {  	s9 =	smul.u32 $0xF7A, s1;
	s8 =	simm.s32 @!p0 $0x1BF5;
	p2 =	por !p2, p0  }
0x20: {  	[sflag:s8] =	ssyncset.s32 @!p0 $0xFFFFF086;
	s6 =	sadd.s32 @!p0 s3, s7;
	s7 =	simm.s32 @!p0 $0x108  }
0x21: {  	s3 =	sadd.s32 s3, s9;
	s6 =	sadd.s32 @!p0 $0x88, s6;
	s7 =	simm.s32 @p2 $0x1082  }
0x22: {  	[simem:s7], [sflag:s8] =	dma.local @!p0 [hbm:s6], $0xF7A  }
0x23: {  	s9 =	sor.u32 $0xD0000000, s2;
	s6 =	simm.s32 $0x108;
	_ =	swait.ge @!p0 [sflag:s8], $0x0  }
0x24: {  	s3 =	sadd.s32 $0x88, s3;
	s6 =	simm.s32 @!p1 $0x1082;
	[sflag:s4] =	ssyncset.s32 $0xFFFFF086  }
0x25: {  	[simem:s6], [sflag:s4] =	dma.local [hbm:s3], $0xF7A  }
0x26: {  	[smem:$0x3F97] =	sst s1;
	(tag) =	ssettag s2;
	_ =	strace s9  }
0x27: {  	s1 =	sld [smem:$0x3FA7]  }
0x28: {  	s2 =	sld [smem:$0x3FA8]  }
0x29: {  	s4 =	sld [smem:$0x3FAA]  }
0x2a: {  	p0 =	seq.s32 s5, $0x0;
	s5 =	sld [smem:$0x3FAB]  }
0x2b: {  	s6 =	sld [smem:$0x3FAC]  }
0x2c: {  	s7 =	sld [smem:$0x3FAD]  }
0x2d: {  	s3 =	simm.s32 $0x108;
	s8 =	sld [smem:$0x3FAE]  }
0x2e: {  	s3 =	simm.s32 @!p0 $0x1082;
	s9 =	sld [smem:$0x3FAF]  }
0x2f: {  	lr =	sadd.s32 s0, s3;
	s0 =	sld [smem:$0x3FA6]  }
0x30: {  	s3 =	sld [smem:$0x3FA9]  }
0x31: {  	[smem:$0x3FB2] =	sst s10  }
0x32: {  	s10 =	sld [smem:$0x3FB0];
	_ =	sdelay $0x3  }
0x33: {  	p0 =	seq.s32 s10, $0x1;
	s10 =	sld [smem:$0x3FB2];
	_ =	sdelay $0x3  }
0x34: {  	[smem:$0x3FB2] =	sst s10  }
0x35: {  	s10 =	sld [smem:$0x3FB1];
	_ =	sdelay $0x3  }
0x36: {  	p1 =	seq.s32 s10, $0x1;
	s10 =	sld [smem:$0x3FB2];
	_ =	sdelay $0x3  }
0x37: {  	[smem:$0x3FB2] =	sst s10  }
0x38: {  	s10 =	sld [smem:$0x3FB3]  }
0x39: {  	_ = 	snop;
	(pc) =	sbr.ind lr, $3  }
0x3a: {  	_ = 	snop  }
0x3b: {  	_ = 	snop  }
0x3c: {  	p2 =	seq.s32 s10, $0x1;
	s10 =	sld [smem:$0x3FB2]  }
0x3d: {  	_ =	shalt  }
0x3e: {  	_ =	shalt  }
0x3f: {  	_ =	shalt  }
0x40: {  	_ =	shalt  }
0x41: {  	_ =	shalt  }
0x42: {  	_ =	shalt  }
0x43: {  	_ =	shalt  }
0x44: {  	_ =	shalt  }
0x45: {  	_ =	shalt  }
0x46: {  	_ =	shalt  }
0x47: {  	_ =	shalt  }
0x48: {  	_ =	shalt  }
0x49: {  	_ =	shalt  }
0x4a: {  	_ =	shalt  }
0x4b: {  	_ =	shalt  }
0x4c: {  	_ =	shalt  }
0x4d: {  	_ =	shalt  }
0x4e: {  	_ =	shalt  }
0x4f: {  	_ =	shalt  }
0x50: {  	_ =	shalt  }
0x51: {  	_ =	shalt  }
0x52: {  	_ =	shalt  }
0x53: {  	_ =	shalt  }
0x54: {  	_ =	shalt  }
0x55: {  	_ =	shalt  }
0x56: {  	_ =	shalt  }
0x57: {  	_ =	shalt  }
0x58: {  	_ =	shalt  }
0x59: {  	_ =	shalt  }
0x5a: {  	_ =	shalt  }
0x5b: {  	_ =	shalt  }
0x5c: {  	_ =	shalt  }
0x5d: {  	_ =	shalt  }
0x5e: {  	_ =	shalt  }
0x5f: {  	_ =	shalt  }
0x60: {  	_ =	shalt  }
0x61: {  	_ =	shalt  }
0x62: {  	_ =	shalt  }
0x63: {  	_ =	shalt  }
0x64: {  	_ =	shalt  }
0x65: {  	_ =	shalt  }
0x66: {  	_ =	shalt  }
0x67: {  	_ =	shalt  }
0x68: {  	_ =	shalt  }
0x69: {  	_ =	shalt  }
0x6a: {  	_ =	shalt  }
0x6b: {  	_ =	shalt  }
0x6c: {  	_ =	shalt  }
0x6d: {  	_ =	shalt  }
0x6e: {  	_ =	shalt  }
0x6f: {  	_ =	shalt  }
0x70: {  	_ =	shalt  }
0x71: {  	_ =	shalt  }
0x72: {  	_ =	shalt  }
0x73: {  	_ =	shalt  }
0x74: {  	_ =	shalt  }
0x75: {  	_ =	shalt  }
0x76: {  	_ =	shalt  }
0x77: {  	_ =	shalt  }
0x78: {  	_ =	shalt  }
0x79: {  	_ =	shalt  }
0x7a: {  	_ =	shalt  }
0x7b: {  	_ =	shalt  }
0x7c: {  	_ =	shalt  }
0x7d: {  	_ =	shalt  }
0x7e: {  	_ =	shalt  }
0x7f: {  	_ =	shalt  }
0x80: {  	_ =	shalt  }
0x81: {  	_ =	shalt  }
0x82: {  	_ =	shalt  }
0x83: {  	_ =	shalt  }
0x84: {  	_ =	shalt  }
0x85: {  	_ =	shalt  }
0x86: {  	_ =	shalt  }
0x87: {  	_ =	shalt  }
.Lfunc_end0:
.L_simem_size_0:
called_computation_lowered:
.L_overlay_start_0:
0x88: {  	s2 =	sld [smem:$0x3FD9]  }
0x89: {  	s3 =	sld [smem:$0x3FFE];
	_ =	sdelay $0x1  }
0x8a: {  	s1 =	srdreg.scid  }
0x8b: {  	s0 =	sand.u32 $0x1, s1  }
0x8c: {  	s17 =	sshll.u32 s0, $0xA;
	s2 =	sadd.s32 s3, s2  }
0x8d: {  	s2 =	sadd.s32 s2, s17  }
0x8e: {  	[smem:$0x3FBE] =	sst s2  }
0x8f: {  	_ = 	snop  }
0x90: {  	s2 =	sld [smem:$0x3FD0];
	(tm) =	ssettm $0x1  }
0x91: {  	s18 =	sld [smem:$0x3FFB];
	_ =	sdelay $0x3  }
0x92: {  	_ =	strace s18  }
0x93: {  	s3 =	sld [smem:$0x3FFC];
	_ =	sdelay $0x3  }
0x94: {  	_ =	strace s3  }
0x95: {  	s3 =	sld [smem:$0x3FFD];
	_ =	sdelay $0x3  }
0x96: {  	_ =	strace s3  }
0x97: {  	_ =	strace $0x8FFFFFFF  }
0x98: {  	s19 =	sld [smem:$0x3FDB];
	_ =	sdelay $0x1  }
0x99: {  	s4 =	simm.s32 $_scs_section_size  }
0x9a: {  	s5 =	simm.s32 $_size__tile_overlayer_lowered;
	s6 =	simm.s32 $_tile_overlayer_lowered  }
0x9b: {  	s22 =	simm.s32 $0x1BFF;
	s21 =	sshll.u32 s6, $0x1;
	s3 =	sadd.s32 s4, s19  }
0x9c: {  	s7 =	simm.s32 $0x0;
	s20 =	sshll.u32 s5, $0x1;
	s5 =	sadd.s32 s21, s3  }
0x9d: {  	[timem:s7], [sflag:s22] =	dma.local [hbm:s5], s20  }
0x9e: {  	_ =	swait.ge [sflag:s22], s20  }
0x9f: {  	s4 =	ssub.s32 $0x0, s20;
	[sflag:s22] =	ssyncset.done $0x0  }
0xa0: {  	[sflag:s22] =	ssyncadd.s32 s4;
	_ =	sdelay $0x1  }
0xa1: {  	s23 =	simm.s32 $0x1B8B  }
0xa2: {  	_ =	swait.ge [sflag:s23], $0x1  }
0xa3: {  	[sflag:s23] =	ssyncset.done $0x0  }
0xa4: {  	s25 =	simm.s32 $0x1B8E;
	s24 =	sld [smem:$0x3FFE];
	[sflag:s23] =	ssyncadd.s32 $0xFFFFFFFF  }
0xa5: {  	s26 =	simm.s32 $execute0_lowered;
	[smem:$0x3FD2] =	sst s25  }
0xa6: {  	s5 =	sshll.u32 s26, $0x1;
	_ =	strace $0x80000046;
	[dreg:$0x1] =	wrdreg $0xFFFFFFFF  }
0xa7: {  	s28 =	simm.s32 $_size_execute0_lowered;
	s3 =	sadd.s32 s3, s5;
	[dreg:$0x0] =	wrdreg $0x0  }
0xa8: {  	s5 =	sshll.u32 s28, $0x1;
	[dreg:$0x2] =	wrdreg s3  }
0xa9: {  	[dreg:$0x3] =	wrdreg s5  }
0xaa: {  	[dreg:$0x4] =	wrdreg $0xC0  }
0xab: {  	_ =	task [dreg:s7], $0x5FFFF  }
0xac: {  	[dreg:$0x1] =	wrdreg $0xFFFFFFFF  }
0xad: {  	[dreg:$0x0] =	wrdreg $0x60  }
0xae: {  	[dreg:$0x2] =	wrdreg s2  }
0xaf: {  	[dreg:$0x3] =	wrdreg s24  }
0xb0: {  	[dreg:$0x4] =	wrdreg $0x9  }
0xb1: {  	_ =	task.clear_ibuf [dreg:s7], $0x5FFFF;
	_ =	strace $0x90000046  }
0xb2: {  	s29 =	simm.s32 $0x9;
	_ =	strace $0x80000048  }
0xb3: {  	_ =	swait.ge [sflag:s29], $0x1  }
0xb4: {  	[sflag:s29] =	ssyncadd.s32 $0xFFFFFFFF  }
0xb5: {  	_ =	strace $0x90000048  }
0xb6: {  	_ =	sfence  }
0xb7: {  	s30 =	sld [smem:$0x0];
	_ =	sdelay $0x2  }
0xb8: {  	s31 =	sshll.u32 s1, $0xD;
	s1 =	sshrl.u32 s1, $0x2  }
0xb9: {  	s3 =	sand.u32 $0x4000, s31;
	s1 =	sadd.s32 s1, s30  }
0xba: {  	s0 =	sor.u32 s3, s0;
	s1 =	sshll.u32 s1, $0x11  }
0xbb: {  	s0 =	sor.u32 s1, s0  }
0xbc: {  	s0 =	sadd.s32 $0x8F2B, s0  }
0xbd: {  	[sflag:s0] =	ssyncadd.remote.s32 $0x1  }
0xbe: {  	_ =	sfence.sel $0xFFFF  }
0xbf: {  	[dreg:$0x0] =	wrdreg $0xFFFFFFFF;
	(pc) =	sbr.abs _section_cstart, $3  }
0xc0: {  	[dreg:$0x1] =	wrdreg $0xFFFFFFFF  }
0xc1: {  	_ =	task.clear_ibuf [dreg:s7], $0x2FFFF;
	_ =	strace $0x9FFFFFFF  }
0xc2: {  	(tm) =	ssettm $0x7FFFFFFF  }
0xc3: {  	_ =	shalt  }
tec
execute0_lowered:
.L_overlay_start_1:
0x0: {  	(tag) =	ssettag $0x1  }
0x1: {  	s0 =	rddreg [dreg:$0x0]  }
0x2: {  	s1 =	rddreg [dreg:$0x1]  }
0x3: {  	s16 =	rddreg [dreg:$0x2]  }
0x4: {  	s2 =	simm.s32 $0x0;
	s3 =	srdreg.scid;
	s4 =	stileid.u32  }
0x5: {  	s28 =	simm.s32 $0xB;
	s31 =	simm.s32 $0x200;
	s30 =	simm.s32 $0x1  }
0x6: {  	[smem:$0x7FF] =	sst s2;
	s3 =	sand.u32 $0x1, s3;
	s7 =	sadd.s32 $0x709200, s1  }
0x7: {  	s4 =	sshll.u32 s4, $0x1;
	s17 =	sadd.s32 $0x515200, s1;
	s21 =	sadd.s32 $0x90AA00, s1  }
0x8: {  	_ =	strace $0x80000047;
	s4 =	sor.u32 s3, s4;
	[dreg:$0x3] =	wrdreg s7  }
0x9: {  	[dreg:$0x4] =	wrdreg s17;
	s5 =	sshll.u32 s4, $0x6;
	s6 =	smul.u32 $0x680, s4  }
0xa: {  	s22 =	sshll.u32 s4, $0xA;
	s8 =	sadd.s32 s5, s1;
	s0 =	sadd.s32 s0, s5  }
0xb: {  	s20 =	sadd.s32 s21, s22;
	s22 =	simm.s32 $0xC00;
	[dreg:$0x5] =	wrdreg s0  }
0xc: {  	s19 =	smul.u32 $0x34000, s4;
	s18 =	sadd.s32 $0x90A200, s8;
	[dreg:$0x17] =	wrdreg s22  }
0xd: {  	s6 =	sadd.s32 s6, s1;
	s25 =	sadd.s32 $0x8000, s20;
	[dreg:$0x6] =	wrdreg s18  }
0xe: {  	s24 =	sshrl.u32 s19, $0x3;
	s23 =	sadd.s32 $0x8FD200, s6;
	[dreg:$0x8] =	wrdreg s25  }
0xf: {  	s0 =	sadd.s32 s21, s24;
	s21 =	simm.s32 $0x800;
	[dreg:$0x7] =	wrdreg s23  }
0x10: {  	s29 =	simm.s32 $0x2;
	s24 =	simm.s32 $0x1400;
	[dreg:$0x16] =	wrdreg s21  }
0x11: {  	p0 =	por $0x0, $0x0;
	s26 =	sadd.s32 $0x10000, s0;
	[dreg:$0x19] =	wrdreg s24  }
0x12: {  	s3 =	ssub.s32 $0x2, s3;
	s5 =	sadd.s32 $0x10800, s0;
	[dreg:$0x9] =	wrdreg s26  }
0x13: {  	s17 =	sshrl.u32 s3, $0x1;
	s6 =	sadd.s32 $0x11000, s0;
	[dreg:$0xa] =	wrdreg s5  }
0x14: {  	s4 =	simm.s32 $0x7800;
	s7 =	sadd.s32 $0x11800, s0;
	[dreg:$0xb] =	wrdreg s6  }
0x15: {  	s22 =	simm.s32 $0x2400;
	s8 =	sadd.s32 $0x12000, s0;
	[dreg:$0xc] =	wrdreg s7  }
0x16: {  	s18 =	ssub.s32 s3, s17;
	s9 =	sadd.s32 $0x12800, s0;
	[dreg:$0xd] =	wrdreg s8  }
0x17: {  	s25 =	simm.s32 $0x5800;
	s10 =	sadd.s32 $0x13000, s0;
	[dreg:$0xe] =	wrdreg s9  }
0x18: {  	s3 =	simm.s32 $0x8;
	s11 =	sadd.s32 $0x13800, s0;
	[dreg:$0xf] =	wrdreg s10  }
0x19: {  	s17 =	simm.s32 $0x3400;
	s12 =	sadd.s32 $0x14000, s0;
	[dreg:$0x10] =	wrdreg s11  }
0x1a: {  	s13 =	sadd.s32 $0x14800, s0;
	s14 =	sadd.s32 $0x15000, s0;
	[dreg:$0x11] =	wrdreg s12  }
0x1b: {  	s15 =	sadd.s32 $0x15800, s0;
	s0 =	sadd.s32 $0x16000, s0;
	[dreg:$0x12] =	wrdreg s13  }
0x1c: {  	s19 =	smax.u32 s18, $0x1;
	s23 =	simm.s32 $0x1000;
	[dreg:$0x13] =	wrdreg s14  }
0x1d: {  	s24 =	simm.s32 $0x1C00;
	s21 =	simm.s32 $0x2800;
	[dreg:$0x14] =	wrdreg s15  }
0x1e: {  	s18 =	simm.s32 $0x3000;
	s5 =	sadd.s32 $0x1200, s1;
	[dreg:$0x15] =	wrdreg s0  }
0x1f: {  	s26 =	simm.s32 $0x3800;
	s11 =	simm.s32 $0x400;
	p1 =	sne.s32 s19, $0x1  }
.Ltmp0:
0x20: {  	s10 =	simm.s32 $0xB800;
	s7 =	simm.s32 $0xF800;
	(pc) =	sbr.rel @!p1 .LBB2_1-.Ltmp0, $4  }
0x21: {  	s6 =	simm.s32 $0x5;
	[dreg:$0x18] =	wrdreg s23;
	s15 =	simm.s32 $0x6  }
0x22: {  	s8 =	simm.s32 $0x9;
	s14 =	simm.s32 $0x7;
	s9 =	simm.s32 $0xA  }
0x23: {  	s23 =	simm.s32 $0x2000;
	s0 =	sadd.s32 $0xFFFFFFFF, s19;
	s19 =	simm.s32 $0x2C00  }
0x24: {  	s13 =	simm.s32 $0x3;
	s12 =	simm.s32 $0x4;
	s1 =	rddreg [dreg:$0x5]  }
0x25: {  	[tilespmem:s2], [sflag:$0xB] =	stream.linear.gather [hbm4b:s1+s2], $0x200, $0x38;
	[tilespmem:$0x13800] =	vst v63  }
0x26: {  	_ =	swait.ge [sflag:s28], $0x200  }
0x27: {  	[sflag:s28] =	ssyncset.done $0x0  }
0x28: {  	s16 =	rddreg [dreg:$0x6];
	[sflag:s28] =	ssyncadd.s32 $0xFFFFFE00  }
0x29: {  	[tilespmem:s31], [sflag:$0xB] =	stream.linear.gather [hbm4b:s16+s2], $0x200, $0x38;
	[tilespmem:$0x13800] =	vst v63  }
0x2a: {  	_ =	swait.ge [sflag:s28], $0x200  }
0x2b: {  	[sflag:s28] =	ssyncset.done $0x0  }
0x2c: {  	s1 =	rddreg [dreg:$0x3];
	[sflag:s28] =	ssyncadd.s32 $0xFFFFFE00  }
0x2d: {  	[tilespmem:s26], [sflag:$0x1] =	stream.indirect.gather [hbm4b:s1+s31], $0x10, s2, s31, $0xb8;
	[tilespmem:$0x13800] =	vst v63  }
0x2e: {  	s16 =	smov.u32 s0;
	s0 =	rddreg [dreg:$0x4]  }
0x2f: {  	[tilespmem:s25], [sflag:$0x2] =	stream.indirect.gather [hbm4b:s0+s31], $0x10, s31, s31, $0xb8;
	[tilespmem:$0x13800] =	vst v63  }
0x30: {  	s1 =	rddreg [dreg:$0x7]  }
0x31: {  	[tilespmem:s11], [sflag:$0xB] =	stream.linear.gather [hbm4b:s1+s2], $0x3400, $0x38;
	[tilespmem:$0x13800] =	vst v63  }
0x32: {  	_ =	swait.ge [sflag:s28], $0x3400  }
0x33: {  	[sflag:s28] =	ssyncset.done $0x0  }
0x34: {  	[sflag:s28] =	ssyncadd.s32 $0xFFFFCC00  }
0x35: {  	[tilespmem:s4], [sflag:$0x5] =	stream.indirect.gather [hbm4b:s5+s11], $0x10, s11, s11, $0xb8;
	[tilespmem:$0x13800] =	vst v63  }
0x36: {  	s0 =	rddreg [dreg:$0x16]  }
0x37: {  	[tilespmem:s10], [sflag:$0x6] =	stream.indirect.gather [hbm4b:s5+s11], $0x10, s0, s11, $0xb8;
	[tilespmem:$0x13800] =	vst v63  }
0x38: {  	s1 =	rddreg [dreg:$0x17]  }
0x39: {  	[tilespmem:s7], [sflag:$0x7] =	stream.indirect.gather [hbm4b:s5+s11], $0x10, s1, s11, $0xb8;
	[tilespmem:$0x13800] =	vst v63  }
0x3a: {  	_ =	swait.ge [sflag:s30], $0x2000  }
0x3b: {  	[sflag:s30] =	ssyncset.done $0x0  }
0x3c: {  	[sflag:s30] =	ssyncadd.s32 $0xFFFFE000  }
0x3d: {  	[hbm4b:s20+s2] =	stream.linear.scatter [tilespmem:s26], [sflag:$0x3], $0x2000, $0x38;
	[tilespmem:$0x13800] =	vst v63  }
0x3e: {  	_ =	swait.ge [sflag:s29], $0x2000  }
0x3f: {  	[sflag:s29] =	ssyncset.done $0x0  }
0x40: {  	s1 =	rddreg [dreg:$0x8];
	[sflag:s29] =	ssyncadd.s32 $0xFFFFE000  }
0x41: {  	[hbm4b:s1+s2] =	stream.linear.scatter [tilespmem:s25], [sflag:$0x4], $0x2000, $0x38;
	[tilespmem:$0x13800] =	vst v63  }
0x42: {  	_ =	swait.ge [sflag:s6], $0x4000  }
0x43: {  	[sflag:s6] =	ssyncset.done $0x0  }
0x44: {  	s1 =	rddreg [dreg:$0x9];
	[sflag:s6] =	ssyncadd.s32 $0xFFFFC000  }
0x45: {  	[hbm4b:s1+s2] =	stream.linear.scatter [tilespmem:s4], [sflag:$0x8], $0x4000, $0x38;
	[tilespmem:$0x13800] =	vst v63  }
0x46: {  	_ =	swait.ge [sflag:s3], $0x4000  }
0x47: {  	[sflag:s3] =	ssyncset.done $0x0  }
0x48: {  	s1 =	rddreg [dreg:$0x18];
	[sflag:s3] =	ssyncadd.s32 $0xFFFFC000  }
0x49: {  	[tilespmem:s4], [sflag:$0x5] =	stream.indirect.gather [hbm4b:s5+s11], $0x10, s1, s11, $0xb8;
	[tilespmem:$0x13800] =	vst v63  }
0x4a: {  	_ =	swait.ge [sflag:s15], $0x4000  }
0x4b: {  	[sflag:s15] =	ssyncset.done $0x0  }
0x4c: {  	s1 =	rddreg [dreg:$0xa];
	[sflag:s15] =	ssyncadd.s32 $0xFFFFC000  }
0x4d: {  	[hbm4b:s1+s2] =	stream.linear.scatter [tilespmem:s10], [sflag:$0x9], $0x4000, $0x38;
	[tilespmem:$0x13800] =	vst v63  }
0x4e: {  	_ =	swait.ge [sflag:s8], $0x4000  }
0x4f: {  	[sflag:s8] =	ssyncset.done $0x0  }
0x50: {  	s1 =	rddreg [dreg:$0x19];
	[sflag:s8] =	ssyncadd.s32 $0xFFFFC000  }
0x51: {  	[tilespmem:s10], [sflag:$0x6] =	stream.indirect.gather [hbm4b:s5+s11], $0x10, s1, s11, $0xb8;
	[tilespmem:$0x13800] =	vst v63  }
0x52: {  	_ =	swait.ge [sflag:s14], $0x4000  }
0x53: {  	[sflag:s14] =	ssyncset.done $0x0  }
0x54: {  	s1 =	rddreg [dreg:$0xb];
	[sflag:s14] =	ssyncadd.s32 $0xFFFFC000  }
0x55: {  	[hbm4b:s1+s2] =	stream.linear.scatter [tilespmem:s7], [sflag:$0xA], $0x4000, $0x38;
	[tilespmem:$0x13800] =	vst v63  }
0x56: {  	_ =	swait.ge [sflag:s9], $0x4000  }
0x57: {  	[sflag:s9] =	ssyncset.done $0x0  }
0x58: {  	s1 =	simm.s32 $0x1800;
	[sflag:s9] =	ssyncadd.s32 $0xFFFFC000  }
0x59: {  	[tilespmem:s7], [sflag:$0x7] =	stream.indirect.gather [hbm4b:s5+s11], $0x10, s1, s11, $0xb8;
	[tilespmem:$0x13800] =	vst v63  }
0x5a: {  	_ =	swait.ge [sflag:s6], $0x4000  }
0x5b: {  	[sflag:s6] =	ssyncset.done $0x0  }
0x5c: {  	s1 =	rddreg [dreg:$0xc];
	[sflag:s6] =	ssyncadd.s32 $0xFFFFC000  }
0x5d: {  	[hbm4b:s1+s2] =	stream.linear.scatter [tilespmem:s4], [sflag:$0x8], $0x4000, $0x38;
	[tilespmem:$0x13800] =	vst v63  }
0x5e: {  	_ =	swait.ge [sflag:s3], $0x4000  }
0x5f: {  	[sflag:s3] =	ssyncset.done $0x0  }
0x60: {  	[sflag:s3] =	ssyncadd.s32 $0xFFFFC000  }
0x61: {  	[tilespmem:s4], [sflag:$0x5] =	stream.indirect.gather [hbm4b:s5+s11], $0x10, s24, s11, $0xb8;
	[tilespmem:$0x13800] =	vst v63  }
0x62: {  	_ =	swait.ge [sflag:s15], $0x4000  }
0x63: {  	[sflag:s15] =	ssyncset.done $0x0  }
0x64: {  	s1 =	rddreg [dreg:$0xd];
	[sflag:s15] =	ssyncadd.s32 $0xFFFFC000  }
0x65: {  	[hbm4b:s1+s2] =	stream.linear.scatter [tilespmem:s10], [sflag:$0x9], $0x4000, $0x38;
	[tilespmem:$0x13800] =	vst v63  }
0x66: {  	_ =	swait.ge [sflag:s8], $0x4000  }
0x67: {  	[sflag:s8] =	ssyncset.done $0x0  }
0x68: {  	[sflag:s8] =	ssyncadd.s32 $0xFFFFC000  }
0x69: {  	[tilespmem:s10], [sflag:$0x6] =	stream.indirect.gather [hbm4b:s5+s11], $0x10, s23, s11, $0xb8;
	[tilespmem:$0x13800] =	vst v63  }
0x6a: {  	_ =	swait.ge [sflag:s14], $0x4000  }
0x6b: {  	[sflag:s14] =	ssyncset.done $0x0  }
0x6c: {  	s1 =	rddreg [dreg:$0xe];
	[sflag:s14] =	ssyncadd.s32 $0xFFFFC000  }
0x6d: {  	[hbm4b:s1+s2] =	stream.linear.scatter [tilespmem:s7], [sflag:$0xA], $0x4000, $0x38;
	[tilespmem:$0x13800] =	vst v63  }
0x6e: {  	_ =	swait.ge [sflag:s9], $0x4000  }
0x6f: {  	[sflag:s9] =	ssyncset.done $0x0  }
0x70: {  	[sflag:s9] =	ssyncadd.s32 $0xFFFFC000  }
0x71: {  	[tilespmem:s7], [sflag:$0x7] =	stream.indirect.gather [hbm4b:s5+s11], $0x10, s22, s11, $0xb8;
	[tilespmem:$0x13800] =	vst v63  }
0x72: {  	_ =	swait.ge [sflag:s6], $0x4000  }
0x73: {  	[sflag:s6] =	ssyncset.done $0x0  }
0x74: {  	s1 =	rddreg [dreg:$0xf];
	[sflag:s6] =	ssyncadd.s32 $0xFFFFC000  }
0x75: {  	[hbm4b:s1+s2] =	stream.linear.scatter [tilespmem:s4], [sflag:$0x8], $0x4000, $0x38;
	[tilespmem:$0x13800] =	vst v63  }
0x76: {  	_ =	swait.ge [sflag:s3], $0x4000  }
0x77: {  	[sflag:s3] =	ssyncset.done $0x0  }
0x78: {  	[sflag:s3] =	ssyncadd.s32 $0xFFFFC000  }
0x79: {  	[tilespmem:s4], [sflag:$0x5] =	stream.indirect.gather [hbm4b:s5+s11], $0x10, s21, s11, $0xb8;
	[tilespmem:$0x13800] =	vst v63  }
0x7a: {  	_ =	swait.ge [sflag:s15], $0x4000  }
0x7b: {  	[sflag:s15] =	ssyncset.done $0x0  }
0x7c: {  	s1 =	rddreg [dreg:$0x10];
	[sflag:s15] =	ssyncadd.s32 $0xFFFFC000  }
0x7d: {  	[hbm4b:s1+s2] =	stream.linear.scatter [tilespmem:s10], [sflag:$0x9], $0x4000, $0x38;
	[tilespmem:$0x13800] =	vst v63  }
0x7e: {  	_ =	swait.ge [sflag:s8], $0x4000  }
0x7f: {  	[sflag:s8] =	ssyncset.done $0x0  }
0x80: {  	[sflag:s8] =	ssyncadd.s32 $0xFFFFC000  }
0x81: {  	[tilespmem:s10], [sflag:$0x6] =	stream.indirect.gather [hbm4b:s5+s11], $0x10, s19, s11, $0xb8;
	[tilespmem:$0x13800] =	vst v63  }
0x82: {  	_ =	swait.ge [sflag:s14], $0x4000  }
0x83: {  	[sflag:s14] =	ssyncset.done $0x0  }
0x84: {  	s1 =	rddreg [dreg:$0x11];
	[sflag:s14] =	ssyncadd.s32 $0xFFFFC000  }
0x85: {  	[hbm4b:s1+s2] =	stream.linear.scatter [tilespmem:s7], [sflag:$0xA], $0x4000, $0x38;
	[tilespmem:$0x13800] =	vst v63  }
0x86: {  	_ =	swait.ge [sflag:s9], $0x4000  }
0x87: {  	[sflag:s9] =	ssyncset.done $0x0  }
0x88: {  	[sflag:s9] =	ssyncadd.s32 $0xFFFFC000  }
0x89: {  	[tilespmem:s7], [sflag:$0x7] =	stream.indirect.gather [hbm4b:s5+s11], $0x10, s18, s11, $0xb8;
	[tilespmem:$0x13800] =	vst v63  }
0x8a: {  	_ =	swait.ge [sflag:s6], $0x4000  }
0x8b: {  	[sflag:s6] =	ssyncset.done $0x0  }
0x8c: {  	s1 =	rddreg [dreg:$0x12];
	[sflag:s6] =	ssyncadd.s32 $0xFFFFC000  }
0x8d: {  	[hbm4b:s1+s2] =	stream.linear.scatter [tilespmem:s4], [sflag:$0x8], $0x4000, $0x38;
	[tilespmem:$0x13800] =	vst v63  }
0x8e: {  	_ =	swait.ge [sflag:s3], $0x4000  }
0x8f: {  	[sflag:s3] =	ssyncset.done $0x0  }
0x90: {  	[sflag:s3] =	ssyncadd.s32 $0xFFFFC000  }
0x91: {  	[tilespmem:s4], [sflag:$0x5] =	stream.indirect.gather [hbm4b:s5+s11], $0x10, s17, s11, $0xb8;
	[tilespmem:$0x13800] =	vst v63  }
0x92: {  	_ =	swait.ge [sflag:s15], $0x4000  }
0x93: {  	[sflag:s15] =	ssyncset.done $0x0  }
0x94: {  	s1 =	rddreg [dreg:$0x13];
	[sflag:s15] =	ssyncadd.s32 $0xFFFFC000  }
0x95: {  	[hbm4b:s1+s2] =	stream.linear.scatter [tilespmem:s10], [sflag:$0x9], $0x4000, $0x38;
	[tilespmem:$0x13800] =	vst v63  }
0x96: {  	_ =	swait.ge [sflag:s14], $0x4000  }
0x97: {  	[sflag:s14] =	ssyncset.done $0x0  }
0x98: {  	s1 =	rddreg [dreg:$0x14];
	[sflag:s14] =	ssyncadd.s32 $0xFFFFC000  }
0x99: {  	[hbm4b:s1+s2] =	stream.linear.scatter [tilespmem:s7], [sflag:$0xA], $0x4000, $0x38;
	[tilespmem:$0x13800] =	vst v63  }
0x9a: {  	_ =	swait.ge [sflag:s6], $0x4000  }
0x9b: {  	[sflag:s6] =	ssyncset.done $0x0  }
0x9c: {  	s1 =	rddreg [dreg:$0x15];
	[sflag:s6] =	ssyncadd.s32 $0xFFFFC000  }
0x9d: {  	[hbm4b:s1+s2] =	stream.linear.scatter [tilespmem:s4], [sflag:$0x8], $0x4000, $0x38;
	[tilespmem:$0x13800] =	vst v63  }
0x9e: {  	_ =	swait.ge [sflag:s8], $0x4000  }
0x9f: {  	[sflag:s8] =	ssyncset.done $0x0  }
0xa0: {  	[sflag:s8] =	ssyncadd.s32 $0xFFFFC000  }
0xa1: {  	_ =	swait.ge [sflag:s9], $0x4000  }
0xa2: {  	[sflag:s9] =	ssyncset.done $0x0  }
0xa3: {  	[sflag:s9] =	ssyncadd.s32 $0xFFFFC000  }
0xa4: {  	_ =	swait.ge [sflag:s3], $0x4000  }
0xa5: {  	[sflag:s3] =	ssyncset.done $0x0  }
0xa6: {  	p1 =	sne.s32 s16, $0x1;
	[sflag:s3] =	ssyncadd.s32 $0xFFFFC000  }
.Ltmp1:
0xa7: {  	_ =	swait.ge [sflag:s13], $0x2000;
	(pc) =	sbr.rel @!p1 .LBB2_3-.Ltmp1, $4  }
0xa8: {  	[sflag:s13] =	ssyncset.done $0x0  }
0xa9: {  	[sflag:s13] =	ssyncadd.s32 $0xFFFFE000  }
0xaa: {  	p0 =	por $0x1, $0x1;
	_ =	swait.ge [sflag:s12], $0x2000  }
0xab: {  	s0 =	sadd.s32 $0xFFFFFFFF, s16;
	s1 =	rddreg [dreg:$0x5];
	[sflag:s12] =	ssyncset.done $0x0  }
.LBB2_4:
0xac: {  	[sflag:s12] =	ssyncadd.s32 $0xFFFFE000  }
0xad: {  	[tilespmem:s2], [sflag:$0xB] =	stream.linear.gather [hbm4b:s1+s2], $0x200, $0x38;
	[tilespmem:$0x13800] =	vst v63  }
0xae: {  	_ =	swait.ge [sflag:s28], $0x200  }
0xaf: {  	[sflag:s28] =	ssyncset.done $0x0  }
0xb0: {  	s16 =	rddreg [dreg:$0x6];
	[sflag:s28] =	ssyncadd.s32 $0xFFFFFE00  }
0xb1: {  	[tilespmem:s31], [sflag:$0xB] =	stream.linear.gather [hbm4b:s16+s2], $0x200, $0x38;
	[tilespmem:$0x13800] =	vst v63  }
0xb2: {  	_ =	swait.ge [sflag:s28], $0x200  }
0xb3: {  	[sflag:s28] =	ssyncset.done $0x0  }
0xb4: {  	s1 =	rddreg [dreg:$0x3];
	[sflag:s28] =	ssyncadd.s32 $0xFFFFFE00  }
0xb5: {  	[tilespmem:s26], [sflag:$0x1] =	stream.indirect.gather [hbm4b:s1+s31], $0x10, s2, s31, $0xb8;
	[tilespmem:$0x13800] =	vst v63  }
0xb6: {  	s16 =	rddreg [dreg:$0x4]  }
0xb7: {  	[tilespmem:s25], [sflag:$0x2] =	stream.indirect.gather [hbm4b:s16+s31], $0x10, s31, s31, $0xb8;
	[tilespmem:$0x13800] =	vst v63  }
0xb8: {  	s1 =	rddreg [dreg:$0x7]  }
0xb9: {  	[tilespmem:s11], [sflag:$0xB] =	stream.linear.gather [hbm4b:s1+s2], $0x3400, $0x38;
	[tilespmem:$0x13800] =	vst v63  }
0xba: {  	_ =	swait.ge [sflag:s28], $0x3400  }
0xbb: {  	[sflag:s28] =	ssyncset.done $0x0  }
0xbc: {  	[sflag:s28] =	ssyncadd.s32 $0xFFFFCC00  }
0xbd: {  	[tilespmem:s4], [sflag:$0x5] =	stream.indirect.gather [hbm4b:s5+s11], $0x10, s11, s11, $0xb8;
	[tilespmem:$0x13800] =	vst v63  }
0xbe: {  	s1 =	rddreg [dreg:$0x16]  }
0xbf: {  	[tilespmem:s10], [sflag:$0x6] =	stream.indirect.gather [hbm4b:s5+s11], $0x10, s1, s11, $0xb8;
	[tilespmem:$0x13800] =	vst v63  }
0xc0: {  	s16 =	rddreg [dreg:$0x17]  }
0xc1: {  	[tilespmem:s7], [sflag:$0x7] =	stream.indirect.gather [hbm4b:s5+s11], $0x10, s16, s11, $0xb8;
	[tilespmem:$0x13800] =	vst v63  }
0xc2: {  	_ =	swait.ge [sflag:s30], $0x2000  }
0xc3: {  	[sflag:s30] =	ssyncset.done $0x0  }
0xc4: {  	[sflag:s30] =	ssyncadd.s32 $0xFFFFE000  }
0xc5: {  	[hbm4b:s20+s2] =	stream.linear.scatter [tilespmem:s26], [sflag:$0x3], $0x2000, $0x38;
	[tilespmem:$0x13800] =	vst v63  }
0xc6: {  	_ =	swait.ge [sflag:s29], $0x2000  }
0xc7: {  	[sflag:s29] =	ssyncset.done $0x0  }
0xc8: {  	s16 =	rddreg [dreg:$0x8];
	[sflag:s29] =	ssyncadd.s32 $0xFFFFE000  }
0xc9: {  	[hbm4b:s16+s2] =	stream.linear.scatter [tilespmem:s25], [sflag:$0x4], $0x2000, $0x38;
	[tilespmem:$0x13800] =	vst v63  }
0xca: {  	_ =	swait.ge [sflag:s6], $0x4000  }
0xcb: {  	[sflag:s6] =	ssyncset.done $0x0  }
0xcc: {  	s16 =	rddreg [dreg:$0x9];
	[sflag:s6] =	ssyncadd.s32 $0xFFFFC000  }
0xcd: {  	[hbm4b:s16+s2] =	stream.linear.scatter [tilespmem:s4], [sflag:$0x8], $0x4000, $0x38;
	[tilespmem:$0x13800] =	vst v63  }
0xce: {  	_ =	swait.ge [sflag:s3], $0x4000  }
0xcf: {  	[sflag:s3] =	ssyncset.done $0x0  }
0xd0: {  	s16 =	rddreg [dreg:$0x18];
	[sflag:s3] =	ssyncadd.s32 $0xFFFFC000  }
0xd1: {  	[tilespmem:s4], [sflag:$0x5] =	stream.indirect.gather [hbm4b:s5+s11], $0x10, s16, s11, $0xb8;
	[tilespmem:$0x13800] =	vst v63  }
0xd2: {  	_ =	swait.ge [sflag:s15], $0x4000  }
0xd3: {  	[sflag:s15] =	ssyncset.done $0x0  }
0xd4: {  	s16 =	rddreg [dreg:$0xa];
	[sflag:s15] =	ssyncadd.s32 $0xFFFFC000  }
0xd5: {  	[hbm4b:s16+s2] =	stream.linear.scatter [tilespmem:s10], [sflag:$0x9], $0x4000, $0x38;
	[tilespmem:$0x13800] =	vst v63  }
0xd6: {  	_ =	swait.ge [sflag:s8], $0x4000  }
0xd7: {  	[sflag:s8] =	ssyncset.done $0x0  }
0xd8: {  	s16 =	rddreg [dreg:$0x19];
	[sflag:s8] =	ssyncadd.s32 $0xFFFFC000  }
0xd9: {  	[tilespmem:s10], [sflag:$0x6] =	stream.indirect.gather [hbm4b:s5+s11], $0x10, s16, s11, $0xb8;
	[tilespmem:$0x13800] =	vst v63  }
0xda: {  	_ =	swait.ge [sflag:s14], $0x4000  }
0xdb: {  	[sflag:s14] =	ssyncset.done $0x0  }
0xdc: {  	s16 =	rddreg [dreg:$0xb];
	[sflag:s14] =	ssyncadd.s32 $0xFFFFC000  }
0xdd: {  	[hbm4b:s16+s2] =	stream.linear.scatter [tilespmem:s7], [sflag:$0xA], $0x4000, $0x38;
	[tilespmem:$0x13800] =	vst v63  }
0xde: {  	_ =	swait.ge [sflag:s9], $0x4000  }
0xdf: {  	[sflag:s9] =	ssyncset.done $0x0  }
0xe0: {  	s16 =	simm.s32 $0x1800;
	[sflag:s9] =	ssyncadd.s32 $0xFFFFC000  }
0xe1: {  	[tilespmem:s7], [sflag:$0x7] =	stream.indirect.gather [hbm4b:s5+s11], $0x10, s16, s11, $0xb8;
	[tilespmem:$0x13800] =	vst v63  }
0xe2: {  	_ =	swait.ge [sflag:s6], $0x4000  }
0xe3: {  	[sflag:s6] =	ssyncset.done $0x0  }
0xe4: {  	s16 =	rddreg [dreg:$0xc];
	[sflag:s6] =	ssyncadd.s32 $0xFFFFC000  }
0xe5: {  	[hbm4b:s16+s2] =	stream.linear.scatter [tilespmem:s4], [sflag:$0x8], $0x4000, $0x38;
	[tilespmem:$0x13800] =	vst v63  }
0xe6: {  	_ =	swait.ge [sflag:s3], $0x4000  }
0xe7: {  	[sflag:s3] =	ssyncset.done $0x0  }
0xe8: {  	[sflag:s3] =	ssyncadd.s32 $0xFFFFC000  }
0xe9: {  	[tilespmem:s4], [sflag:$0x5] =	stream.indirect.gather [hbm4b:s5+s11], $0x10, s24, s11, $0xb8;
	[tilespmem:$0x13800] =	vst v63  }
0xea: {  	_ =	swait.ge [sflag:s15], $0x4000  }
0xeb: {  	[sflag:s15] =	ssyncset.done $0x0  }
0xec: {  	s16 =	rddreg [dreg:$0xd];
	[sflag:s15] =	ssyncadd.s32 $0xFFFFC000  }
0xed: {  	[hbm4b:s16+s2] =	stream.linear.scatter [tilespmem:s10], [sflag:$0x9], $0x4000, $0x38;
	[tilespmem:$0x13800] =	vst v63  }
0xee: {  	_ =	swait.ge [sflag:s8], $0x4000  }
0xef: {  	[sflag:s8] =	ssyncset.done $0x0  }
0xf0: {  	[sflag:s8] =	ssyncadd.s32 $0xFFFFC000  }
0xf1: {  	[tilespmem:s10], [sflag:$0x6] =	stream.indirect.gather [hbm4b:s5+s11], $0x10, s23, s11, $0xb8;
	[tilespmem:$0x13800] =	vst v63  }
0xf2: {  	_ =	swait.ge [sflag:s14], $0x4000  }
0xf3: {  	[sflag:s14] =	ssyncset.done $0x0  }
0xf4: {  	s16 =	rddreg [dreg:$0xe];
	[sflag:s14] =	ssyncadd.s32 $0xFFFFC000  }
0xf5: {  	[hbm4b:s16+s2] =	stream.linear.scatter [tilespmem:s7], [sflag:$0xA], $0x4000, $0x38;
	[tilespmem:$0x13800] =	vst v63  }
0xf6: {  	_ =	swait.ge [sflag:s9], $0x4000  }
0xf7: {  	[sflag:s9] =	ssyncset.done $0x0  }
0xf8: {  	[sflag:s9] =	ssyncadd.s32 $0xFFFFC000  }
0xf9: {  	[tilespmem:s7], [sflag:$0x7] =	stream.indirect.gather [hbm4b:s5+s11], $0x10, s22, s11, $0xb8;
	[tilespmem:$0x13800] =	vst v63  }
0xfa: {  	_ =	swait.ge [sflag:s6], $0x4000  }
0xfb: {  	[sflag:s6] =	ssyncset.done $0x0  }
0xfc: {  	s16 =	rddreg [dreg:$0xf];
	[sflag:s6] =	ssyncadd.s32 $0xFFFFC000  }
0xfd: {  	[hbm4b:s16+s2] =	stream.linear.scatter [tilespmem:s4], [sflag:$0x8], $0x4000, $0x38;
	[tilespmem:$0x13800] =	vst v63  }
0xfe: {  	_ =	swait.ge [sflag:s3], $0x4000  }
0xff: {  	[sflag:s3] =	ssyncset.done $0x0  }
0x100: {  	[sflag:s3] =	ssyncadd.s32 $0xFFFFC000  }
0x101: {  	[tilespmem:s4], [sflag:$0x5] =	stream.indirect.gather [hbm4b:s5+s11], $0x10, s21, s11, $0xb8;
	[tilespmem:$0x13800] =	vst v63  }
0x102: {  	_ =	swait.ge [sflag:s15], $0x4000  }
0x103: {  	[sflag:s15] =	ssyncset.done $0x0  }
0x104: {  	s16 =	rddreg [dreg:$0x10];
	[sflag:s15] =	ssyncadd.s32 $0xFFFFC000  }
0x105: {  	[hbm4b:s16+s2] =	stream.linear.scatter [tilespmem:s10], [sflag:$0x9], $0x4000, $0x38;
	[tilespmem:$0x13800] =	vst v63  }
0x106: {  	_ =	swait.ge [sflag:s8], $0x4000  }
0x107: {  	[sflag:s8] =	ssyncset.done $0x0  }
0x108: {  	[sflag:s8] =	ssyncadd.s32 $0xFFFFC000  }
0x109: {  	[tilespmem:s10], [sflag:$0x6] =	stream.indirect.gather [hbm4b:s5+s11], $0x10, s19, s11, $0xb8;
	[tilespmem:$0x13800] =	vst v63  }
0x10a: {  	_ =	swait.ge [sflag:s14], $0x4000  }
0x10b: {  	[sflag:s14] =	ssyncset.done $0x0  }
0x10c: {  	s16 =	rddreg [dreg:$0x11];
	[sflag:s14] =	ssyncadd.s32 $0xFFFFC000  }
0x10d: {  	[hbm4b:s16+s2] =	stream.linear.scatter [tilespmem:s7], [sflag:$0xA], $0x4000, $0x38;
	[tilespmem:$0x13800] =	vst v63  }
0x10e: {  	_ =	swait.ge [sflag:s9], $0x4000  }
0x10f: {  	[sflag:s9] =	ssyncset.done $0x0  }
0x110: {  	[sflag:s9] =	ssyncadd.s32 $0xFFFFC000  }
0x111: {  	[tilespmem:s7], [sflag:$0x7] =	stream.indirect.gather [hbm4b:s5+s11], $0x10, s18, s11, $0xb8;
	[tilespmem:$0x13800] =	vst v63  }
0x112: {  	_ =	swait.ge [sflag:s6], $0x4000  }
0x113: {  	[sflag:s6] =	ssyncset.done $0x0  }
0x114: {  	s16 =	rddreg [dreg:$0x12];
	[sflag:s6] =	ssyncadd.s32 $0xFFFFC000  }
0x115: {  	[hbm4b:s16+s2] =	stream.linear.scatter [tilespmem:s4], [sflag:$0x8], $0x4000, $0x38;
	[tilespmem:$0x13800] =	vst v63  }
0x116: {  	_ =	swait.ge [sflag:s3], $0x4000  }
0x117: {  	[sflag:s3] =	ssyncset.done $0x0  }
0x118: {  	[sflag:s3] =	ssyncadd.s32 $0xFFFFC000  }
0x119: {  	[tilespmem:s4], [sflag:$0x5] =	stream.indirect.gather [hbm4b:s5+s11], $0x10, s17, s11, $0xb8;
	[tilespmem:$0x13800] =	vst v63  }
0x11a: {  	_ =	swait.ge [sflag:s15], $0x4000  }
0x11b: {  	[sflag:s15] =	ssyncset.done $0x0  }
0x11c: {  	s16 =	rddreg [dreg:$0x13];
	[sflag:s15] =	ssyncadd.s32 $0xFFFFC000  }
0x11d: {  	[hbm4b:s16+s2] =	stream.linear.scatter [tilespmem:s10], [sflag:$0x9], $0x4000, $0x38;
	[tilespmem:$0x13800] =	vst v63  }
0x11e: {  	_ =	swait.ge [sflag:s14], $0x4000  }
0x11f: {  	[sflag:s14] =	ssyncset.done $0x0  }
0x120: {  	s16 =	rddreg [dreg:$0x14];
	[sflag:s14] =	ssyncadd.s32 $0xFFFFC000  }
0x121: {  	[hbm4b:s16+s2] =	stream.linear.scatter [tilespmem:s7], [sflag:$0xA], $0x4000, $0x38;
	[tilespmem:$0x13800] =	vst v63  }
0x122: {  	_ =	swait.ge [sflag:s6], $0x4000  }
0x123: {  	[sflag:s6] =	ssyncset.done $0x0  }
0x124: {  	s16 =	rddreg [dreg:$0x15];
	[sflag:s6] =	ssyncadd.s32 $0xFFFFC000  }
0x125: {  	[hbm4b:s16+s2] =	stream.linear.scatter [tilespmem:s4], [sflag:$0x8], $0x4000, $0x38;
	[tilespmem:$0x13800] =	vst v63  }
0x126: {  	_ =	swait.ge [sflag:s8], $0x4000  }
0x127: {  	[sflag:s8] =	ssyncset.done $0x0  }
0x128: {  	[sflag:s8] =	ssyncadd.s32 $0xFFFFC000  }
0x129: {  	_ =	swait.ge [sflag:s9], $0x4000  }
0x12a: {  	[sflag:s9] =	ssyncset.done $0x0  }
0x12b: {  	[sflag:s9] =	ssyncadd.s32 $0xFFFFC000  }
0x12c: {  	_ =	swait.ge [sflag:s3], $0x4000  }
0x12d: {  	[sflag:s3] =	ssyncset.done $0x0  }
0x12e: {  	p1 =	sne.s32 s0, $0x1;
	[sflag:s3] =	ssyncadd.s32 $0xFFFFC000  }
.Ltmp2:
0x12f: {  	_ =	swait.ge [sflag:s13], $0x2000;
	(pc) =	sbr.rel @p1 .LBB2_4-.Ltmp2, $4  }
0x130: {  	[sflag:s13] =	ssyncset.done $0x0  }
0x131: {  	[sflag:s13] =	ssyncadd.s32 $0xFFFFE000  }
0x132: {  	_ =	swait.ge [sflag:s12], $0x2000  }
0x133: {  	s0 =	sadd.s32 $0xFFFFFFFF, s0;
	s1 =	rddreg [dreg:$0x5];
	[sflag:s12] =	ssyncset.done $0x0  }
0x134: {  	s17 =	simm.s32 $0x1800;
	s24 =	simm.s32 $0x1C00  }
0x135: {  	s23 =	simm.s32 $0x2000;
	s22 =	simm.s32 $0x2400;
	s21 =	simm.s32 $0x2800  }
0x136: {  	s19 =	simm.s32 $0x2C00;
	s18 =	simm.s32 $0x3000;
	s16 =	rddreg [dreg:$0x2]  }
.LBB2_6:
0x137: {  	[sflag:s12] =	ssyncadd.s32 @p0 $0xFFFFE000  }
0x138: {  	[tilespmem:s2], [sflag:$0xB] =	stream.linear.gather [hbm4b:s1+s2], $0x200, $0x38;
	[tilespmem:$0x13800] =	vst v63  }
0x139: {  	_ =	swait.ge [sflag:s28], $0x200  }
0x13a: {  	[sflag:s28] =	ssyncset.done $0x0  }
0x13b: {  	s0 =	rddreg [dreg:$0x6];
	[sflag:s28] =	ssyncadd.s32 $0xFFFFFE00  }
0x13c: {  	[tilespmem:s31], [sflag:$0xB] =	stream.linear.gather [hbm4b:s0+s2], $0x200, $0x38;
	[tilespmem:$0x13800] =	vst v63  }
0x13d: {  	_ =	swait.ge [sflag:s28], $0x200  }
0x13e: {  	[sflag:s28] =	ssyncset.done $0x0  }
0x13f: {  	s0 =	rddreg [dreg:$0x3];
	[sflag:s28] =	ssyncadd.s32 $0xFFFFFE00  }
0x140: {  	[tilespmem:s26], [sflag:$0x1] =	stream.indirect.gather [hbm4b:s0+s31], $0x10, s2, s31, $0xb8;
	[tilespmem:$0x13800] =	vst v63  }
0x141: {  	s1 =	rddreg [dreg:$0x4]  }
0x142: {  	[tilespmem:s25], [sflag:$0x2] =	stream.indirect.gather [hbm4b:s1+s31], $0x10, s31, s31, $0xb8;
	[tilespmem:$0x13800] =	vst v63  }
0x143: {  	s0 =	rddreg [dreg:$0x7]  }
0x144: {  	[tilespmem:s11], [sflag:$0xB] =	stream.linear.gather [hbm4b:s0+s2], $0x3400, $0x38;
	[tilespmem:$0x13800] =	vst v63  }
0x145: {  	_ =	swait.ge [sflag:s28], $0x3400  }
0x146: {  	[sflag:s28] =	ssyncset.done $0x0  }
0x147: {  	[sflag:s28] =	ssyncadd.s32 $0xFFFFCC00  }
0x148: {  	[tilespmem:s4], [sflag:$0x5] =	stream.indirect.gather [hbm4b:s5+s11], $0x10, s11, s11, $0xb8;
	[tilespmem:$0x13800] =	vst v63  }
0x149: {  	s28 =	rddreg [dreg:$0x16]  }
0x14a: {  	[tilespmem:s10], [sflag:$0x6] =	stream.indirect.gather [hbm4b:s5+s11], $0x10, s28, s11, $0xb8;
	[tilespmem:$0x13800] =	vst v63  }
0x14b: {  	s31 =	rddreg [dreg:$0x17]  }
0x14c: {  	[tilespmem:s7], [sflag:$0x7] =	stream.indirect.gather [hbm4b:s5+s11], $0x10, s31, s11, $0xb8;
	[tilespmem:$0x13800] =	vst v63  }
0x14d: {  	_ =	swait.ge [sflag:s30], $0x2000  }
0x14e: {  	[sflag:s30] =	ssyncset.done $0x0  }
0x14f: {  	[sflag:s30] =	ssyncadd.s32 $0xFFFFE000  }
0x150: {  	[hbm4b:s20+s2] =	stream.linear.scatter [tilespmem:s26], [sflag:$0x3], $0x2000, $0x38;
	[tilespmem:$0x13800] =	vst v63  }
0x151: {  	_ =	swait.ge [sflag:s29], $0x2000  }
0x152: {  	[sflag:s29] =	ssyncset.done $0x0  }
0x153: {  	s20 =	rddreg [dreg:$0x8];
	[sflag:s29] =	ssyncadd.s32 $0xFFFFE000  }
0x154: {  	[hbm4b:s20+s2] =	stream.linear.scatter [tilespmem:s25], [sflag:$0x4], $0x2000, $0x38;
	[tilespmem:$0x13800] =	vst v63  }
0x155: {  	_ =	swait.ge [sflag:s6], $0x4000  }
0x156: {  	[sflag:s6] =	ssyncset.done $0x0  }
0x157: {  	s26 =	rddreg [dreg:$0x9];
	[sflag:s6] =	ssyncadd.s32 $0xFFFFC000  }
0x158: {  	[hbm4b:s26+s2] =	stream.linear.scatter [tilespmem:s4], [sflag:$0x8], $0x4000, $0x38;
	[tilespmem:$0x13800] =	vst v63  }
0x159: {  	_ =	swait.ge [sflag:s3], $0x4000  }
0x15a: {  	[sflag:s3] =	ssyncset.done $0x0  }
0x15b: {  	s28 =	rddreg [dreg:$0x18];
	[sflag:s3] =	ssyncadd.s32 $0xFFFFC000  }
0x15c: {  	[tilespmem:s4], [sflag:$0x5] =	stream.indirect.gather [hbm4b:s5+s11], $0x10, s28, s11, $0xb8;
	[tilespmem:$0x13800] =	vst v63  }
0x15d: {  	_ =	swait.ge [sflag:s15], $0x4000  }
0x15e: {  	[sflag:s15] =	ssyncset.done $0x0  }
0x15f: {  	s29 =	rddreg [dreg:$0xa];
	[sflag:s15] =	ssyncadd.s32 $0xFFFFC000  }
0x160: {  	[hbm4b:s29+s2] =	stream.linear.scatter [tilespmem:s10], [sflag:$0x9], $0x4000, $0x38;
	[tilespmem:$0x13800] =	vst v63  }
0x161: {  	_ =	swait.ge [sflag:s8], $0x4000  }
0x162: {  	[sflag:s8] =	ssyncset.done $0x0  }
0x163: {  	s30 =	rddreg [dreg:$0x19];
	[sflag:s8] =	ssyncadd.s32 $0xFFFFC000  }
0x164: {  	[tilespmem:s10], [sflag:$0x6] =	stream.indirect.gather [hbm4b:s5+s11], $0x10, s30, s11, $0xb8;
	[tilespmem:$0x13800] =	vst v63  }
0x165: {  	_ =	swait.ge [sflag:s14], $0x4000  }
0x166: {  	[sflag:s14] =	ssyncset.done $0x0  }
0x167: {  	s31 =	rddreg [dreg:$0xb];
	[sflag:s14] =	ssyncadd.s32 $0xFFFFC000  }
0x168: {  	[hbm4b:s31+s2] =	stream.linear.scatter [tilespmem:s7], [sflag:$0xA], $0x4000, $0x38;
	[tilespmem:$0x13800] =	vst v63  }
0x169: {  	_ =	swait.ge [sflag:s9], $0x4000  }
0x16a: {  	[sflag:s9] =	ssyncset.done $0x0  }
0x16b: {  	[sflag:s9] =	ssyncadd.s32 $0xFFFFC000  }
0x16c: {  	[tilespmem:s7], [sflag:$0x7] =	stream.indirect.gather [hbm4b:s5+s11], $0x10, s17, s11, $0xb8;
	[tilespmem:$0x13800] =	vst v63  }
0x16d: {  	_ =	swait.ge [sflag:s6], $0x4000  }
0x16e: {  	[sflag:s6] =	ssyncset.done $0x0  }
0x16f: {  	s1 =	rddreg [dreg:$0xc];
	[sflag:s6] =	ssyncadd.s32 $0xFFFFC000  }
0x170: {  	[hbm4b:s1+s2] =	stream.linear.scatter [tilespmem:s4], [sflag:$0x8], $0x4000, $0x38;
	[tilespmem:$0x13800] =	vst v63  }
0x171: {  	_ =	swait.ge [sflag:s3], $0x4000  }
0x172: {  	[sflag:s3] =	ssyncset.done $0x0  }
0x173: {  	[sflag:s3] =	ssyncadd.s32 $0xFFFFC000  }
0x174: {  	[tilespmem:s4], [sflag:$0x5] =	stream.indirect.gather [hbm4b:s5+s11], $0x10, s24, s11, $0xb8;
	[tilespmem:$0x13800] =	vst v63  }
0x175: {  	_ =	swait.ge [sflag:s15], $0x4000  }
0x176: {  	[sflag:s15] =	ssyncset.done $0x0  }
0x177: {  	s17 =	rddreg [dreg:$0xd];
	[sflag:s15] =	ssyncadd.s32 $0xFFFFC000  }
0x178: {  	[hbm4b:s17+s2] =	stream.linear.scatter [tilespmem:s10], [sflag:$0x9], $0x4000, $0x38;
	[tilespmem:$0x13800] =	vst v63  }
0x179: {  	_ =	swait.ge [sflag:s8], $0x4000  }
0x17a: {  	[sflag:s8] =	ssyncset.done $0x0  }
0x17b: {  	[sflag:s8] =	ssyncadd.s32 $0xFFFFC000  }
0x17c: {  	[tilespmem:s10], [sflag:$0x6] =	stream.indirect.gather [hbm4b:s5+s11], $0x10, s23, s11, $0xb8;
	[tilespmem:$0x13800] =	vst v63  }
0x17d: {  	_ =	swait.ge [sflag:s14], $0x4000  }
0x17e: {  	[sflag:s14] =	ssyncset.done $0x0  }
0x17f: {  	s20 =	rddreg [dreg:$0xe];
	[sflag:s14] =	ssyncadd.s32 $0xFFFFC000  }
0x180: {  	[hbm4b:s20+s2] =	stream.linear.scatter [tilespmem:s7], [sflag:$0xA], $0x4000, $0x38;
	[tilespmem:$0x13800] =	vst v63  }
0x181: {  	_ =	swait.ge [sflag:s9], $0x4000  }
0x182: {  	[sflag:s9] =	ssyncset.done $0x0  }
0x183: {  	[sflag:s9] =	ssyncadd.s32 $0xFFFFC000  }
0x184: {  	[tilespmem:s7], [sflag:$0x7] =	stream.indirect.gather [hbm4b:s5+s11], $0x10, s22, s11, $0xb8;
	[tilespmem:$0x13800] =	vst v63  }
0x185: {  	_ =	swait.ge [sflag:s6], $0x4000  }
0x186: {  	[sflag:s6] =	ssyncset.done $0x0  }
0x187: {  	s22 =	rddreg [dreg:$0xf];
	[sflag:s6] =	ssyncadd.s32 $0xFFFFC000  }
0x188: {  	[hbm4b:s22+s2] =	stream.linear.scatter [tilespmem:s4], [sflag:$0x8], $0x4000, $0x38;
	[tilespmem:$0x13800] =	vst v63  }
0x189: {  	_ =	swait.ge [sflag:s3], $0x4000  }
0x18a: {  	[sflag:s3] =	ssyncset.done $0x0  }
0x18b: {  	[sflag:s3] =	ssyncadd.s32 $0xFFFFC000  }
0x18c: {  	[tilespmem:s4], [sflag:$0x5] =	stream.indirect.gather [hbm4b:s5+s11], $0x10, s21, s11, $0xb8;
	[tilespmem:$0x13800] =	vst v63  }
0x18d: {  	_ =	swait.ge [sflag:s15], $0x4000  }
0x18e: {  	[sflag:s15] =	ssyncset.done $0x0  }
0x18f: {  	s23 =	rddreg [dreg:$0x10];
	[sflag:s15] =	ssyncadd.s32 $0xFFFFC000  }
0x190: {  	[hbm4b:s23+s2] =	stream.linear.scatter [tilespmem:s10], [sflag:$0x9], $0x4000, $0x38;
	[tilespmem:$0x13800] =	vst v63  }
0x191: {  	_ =	swait.ge [sflag:s8], $0x4000  }
0x192: {  	[sflag:s8] =	ssyncset.done $0x0  }
0x193: {  	[sflag:s8] =	ssyncadd.s32 $0xFFFFC000  }
0x194: {  	[tilespmem:s10], [sflag:$0x6] =	stream.indirect.gather [hbm4b:s5+s11], $0x10, s19, s11, $0xb8;
	[tilespmem:$0x13800] =	vst v63  }
0x195: {  	_ =	swait.ge [sflag:s14], $0x4000  }
0x196: {  	[sflag:s14] =	ssyncset.done $0x0  }
0x197: {  	s24 =	rddreg [dreg:$0x11];
	[sflag:s14] =	ssyncadd.s32 $0xFFFFC000  }
0x198: {  	[hbm4b:s24+s2] =	stream.linear.scatter [tilespmem:s7], [sflag:$0xA], $0x4000, $0x38;
	[tilespmem:$0x13800] =	vst v63  }
0x199: {  	_ =	swait.ge [sflag:s9], $0x4000  }
0x19a: {  	[sflag:s9] =	ssyncset.done $0x0  }
0x19b: {  	[sflag:s9] =	ssyncadd.s32 $0xFFFFC000  }
0x19c: {  	[tilespmem:s7], [sflag:$0x7] =	stream.indirect.gather [hbm4b:s5+s11], $0x10, s18, s11, $0xb8;
	[tilespmem:$0x13800] =	vst v63  }
0x19d: {  	_ =	swait.ge [sflag:s6], $0x4000  }
0x19e: {  	[sflag:s6] =	ssyncset.done $0x0  }
0x19f: {  	s25 =	rddreg [dreg:$0x12];
	[sflag:s6] =	ssyncadd.s32 $0xFFFFC000  }
0x1a0: {  	[hbm4b:s25+s2] =	stream.linear.scatter [tilespmem:s4], [sflag:$0x8], $0x4000, $0x38;
	[tilespmem:$0x13800] =	vst v63  }
0x1a1: {  	_ =	swait.ge [sflag:s3], $0x4000  }
0x1a2: {  	[sflag:s3] =	ssyncset.done $0x0  }
0x1a3: {  	s26 =	simm.s32 $0x3400;
	[sflag:s3] =	ssyncadd.s32 $0xFFFFC000  }
0x1a4: {  	[tilespmem:s4], [sflag:$0x5] =	stream.indirect.gather [hbm4b:s5+s11], $0x10, s26, s11, $0xb8;
	[tilespmem:$0x13800] =	vst v63  }
0x1a5: {  	_ =	swait.ge [sflag:s15], $0x4000  }
0x1a6: {  	[sflag:s15] =	ssyncset.done $0x0  }
0x1a7: {  	s28 =	rddreg [dreg:$0x13];
	[sflag:s15] =	ssyncadd.s32 $0xFFFFC000  }
0x1a8: {  	[hbm4b:s28+s2] =	stream.linear.scatter [tilespmem:s10], [sflag:$0x9], $0x4000, $0x38;
	[tilespmem:$0x13800] =	vst v63  }
0x1a9: {  	_ =	swait.ge [sflag:s14], $0x4000  }
0x1aa: {  	[sflag:s14] =	ssyncset.done $0x0  }
0x1ab: {  	s29 =	rddreg [dreg:$0x14];
	[sflag:s14] =	ssyncadd.s32 $0xFFFFC000  }
0x1ac: {  	[hbm4b:s29+s2] =	stream.linear.scatter [tilespmem:s7], [sflag:$0xA], $0x4000, $0x38;
	[tilespmem:$0x13800] =	vst v63  }
0x1ad: {  	_ =	swait.ge [sflag:s6], $0x4000  }
0x1ae: {  	[sflag:s6] =	ssyncset.done $0x0  }
0x1af: {  	s30 =	rddreg [dreg:$0x15];
	[sflag:s6] =	ssyncadd.s32 $0xFFFFC000  }
0x1b0: {  	[hbm4b:s30+s2] =	stream.linear.scatter [tilespmem:s4], [sflag:$0x8], $0x4000, $0x38;
	[tilespmem:$0x13800] =	vst v63  }
0x1b1: {  	_ =	swait.ge [sflag:s8], $0x4000  }
0x1b2: {  	[sflag:s8] =	ssyncset.done $0x0  }
0x1b3: {  	[sflag:s8] =	ssyncadd.s32 $0xFFFFC000  }
0x1b4: {  	_ =	swait.ge [sflag:s9], $0x4000  }
0x1b5: {  	[sflag:s9] =	ssyncset.done $0x0  }
0x1b6: {  	[sflag:s9] =	ssyncadd.s32 $0xFFFFC000  }
0x1b7: {  	_ =	swait.ge [sflag:s3], $0x4000  }
0x1b8: {  	[sflag:s3] =	ssyncset.done $0x0  }
0x1b9: {  	[sflag:s3] =	ssyncadd.s32 $0xFFFFC000  }
0x1ba: {  	_ =	swait.ge [sflag:s13], $0x2000  }
0x1bb: {  	[sflag:s13] =	ssyncset.done $0x0  }
0x1bc: {  	[sflag:s13] =	ssyncadd.s32 $0xFFFFE000  }
0x1bd: {  	_ =	swait.ge [sflag:s12], $0x2000  }
0x1be: {  	[sflag:s12] =	ssyncset.done $0x0  }
0x1bf: {  	[sflag:s12] =	ssyncadd.s32 $0xFFFFE000  }
0x1c0: {  	_ =	sfence.sel $0x180000  }
0x1c1: {  	s31 =	stileid.u32;
	[bflag:$0x0] =	sbarrier.arrive $0xFFFF  }
0x1c2: {  	p0 =	sne.s32 s31, $0x0;
	_ =	strace $0x90000047  }
0x1c3: {  	s0 =	sadd.s32 @!p0 $0x100000, s16;
	[bflag:$0x2] =	sbarrier.arrive $0xFFFF  }
0x1c4: {  	[sflag:s0] =	ssyncadd.tile.s32 @!p0 $0x1;
	_ =	shalt  }
.LBB2_1:
.Ltmp3:
0x1c5: {  	(pc) =	sbr.rel .LBB2_6-.Ltmp3, $4  }
0x1c6: {  	_ = 	snop  }
0x1c7: {  	s17 =	simm.s32 $0x1800  }
0x1c8: {  	s24 =	simm.s32 $0x1C00;
	s23 =	simm.s32 $0x2000;
	s22 =	simm.s32 $0x2400  }
0x1c9: {  	s21 =	simm.s32 $0x2800;
	s19 =	simm.s32 $0x2C00;
	s18 =	simm.s32 $0x3000  }
.LBB2_3:
.Ltmp4:
0x1ca: {  	(pc) =	sbr.rel .LBB2_6-.Ltmp4, $4  }
0x1cb: {  	_ = 	snop  }
0x1cc: {  	s17 =	simm.s32 $0x1800;
	s24 =	simm.s32 $0x1C00  }
0x1cd: {  	s23 =	simm.s32 $0x2000;
	s22 =	simm.s32 $0x2400;
	s21 =	simm.s32 $0x2800  }
0x1ce: {  	s19 =	simm.s32 $0x2C00;
	s18 =	simm.s32 $0x3000;
	s16 =	rddreg [dreg:$0x2]  }
.Lfunc_end2:
_tile_overlayer_lowered:
.L_overlay_start_2:
0x1cf: {  	(tag) =	ssettag $0x2  }
0x1d0: {  	s0 =	rddreg [dreg:$0x0];
	s2 =	stileid.u32  }
0x1d1: {  	s1 =	rddreg [dreg:$0x1];
	p0 =	sne.s32 s2, $0x0  }
0x1d2: {  	s3 =	rddreg [dreg:$0x2];
	[bflag:$0x3] =	sbarrier.arrive $0xFFFF;
	s2 =	simm.s32 @!p0 $0x1C0B  }
0x1d3: {  	[timem:s3], [sflag:s2] =	dma.local @!p0 [hbm:s0], s1  }
0x1d4: {  	s0 =	simm.s32 @!p0 $0xB  }
0x1d5: {  	_ =	swait.ge @!p0 [sflag:s0], s1  }
0x1d6: {  	s1 =	ssub.s32 @!p0 $0x0, s1;
	[sflag:s0] =	ssyncset.done @!p0 $0x0  }
0x1d7: {  	[sflag:s0] =	ssyncadd.s32 @!p0 s1  }
0x1d8: {  	[bflag:$0x3] =	sbarrier.arrive $0xFFFF  }
0x1d9: {  	_ =	shalt  }

</sc_bundles>
